<compile_context>
chip_gen: v7x
topology: tpu7x:2x2x1
jax: 0.10.2.dev20260603
libtpu: 0.0.44.dev20260713+nightly
codegen_flags: <defaults>
</compile_context>

<pallas_src>
import functools

import jax
import jax.numpy as jnp
from jax import lax
from jax.experimental import pallas as pl
from jax.experimental.pallas import tpu as pltpu
from jax.experimental.pallas import tpu_sc as plsc

N = 10000
E = 320000
D = 128
DH = D // 2
FFN = 512
BOT = 128
INPUT = 10000

NC = 2
NS = 16
L = 16
C = 128
DCHUNK = 160
EPAD = NS * DCHUNK * C
NPAD = 10240
RPT = NPAD // NS
RPW = NPAD // (NC * NS)

_HI = jax.lax.Precision.HIGHEST

_mesh = plsc.VectorSubcoreMesh(core_axis_name="c", subcore_axis_name="s")


@functools.partial(
    pl.kernel,
    mesh=_mesh,
    out_type=jax.ShapeDtypeStruct((NPAD,), jnp.float32),
    scratch_types=[
        pltpu.VMEM_SHARED((NPAD,), jnp.float32),
        pltpu.VMEM((DCHUNK, C), jnp.int32),
        pltpu.VMEM((DCHUNK, C), jnp.float32),
        pltpu.VMEM((RPT,), jnp.float32),
        pltpu.VMEM((RPW,), jnp.float32),
    ],
)
def _dinv_sc(dst_hbm, ew_hbm, out_hbm, deg_sh, dst_v, ew_v, zbuf_v, dbuf_v):
    cid = lax.axis_index("c")
    sid = lax.axis_index("s")

    zv = jnp.zeros((L,), jnp.float32)

    def _z(i, _):
        zbuf_v[pl.ds(i * L, L)] = zv
        return ()

    lax.fori_loop(0, RPT // L, _z, ())
    pltpu.sync_copy(zbuf_v, deg_sh.at[pl.ds(sid * RPT, RPT)])
    pltpu.sync_copy(dst_hbm.at[sid], dst_v)
    pltpu.sync_copy(ew_hbm.at[sid], ew_v)
    plsc.subcore_barrier()

    def _chunk(c, _):
        pltpu.sync_copy(ew_v.at[c], deg_sh.at[dst_v.at[c]], add=True)
        return ()

    lax.fori_loop(0, DCHUNK, _chunk, ())
    plsc.subcore_barrier()

    base = sid * RPT + cid * RPW
    pltpu.sync_copy(deg_sh.at[pl.ds(base, RPW)], dbuf_v)

    def _rs(k, _):
        d = dbuf_v[pl.ds(k * L, L)] + 1.0
        i = lax.bitcast_convert_type(d, jnp.int32)
        i = jnp.int32(0x5F3759DF) - lax.shift_right_arithmetic(i, 1)
        y = lax.bitcast_convert_type(i, jnp.float32)
        y = y * (1.5 - 0.5 * d * y * y)
        y = y * (1.5 - 0.5 * d * y * y)
        y = y * (1.5 - 0.5 * d * y * y)
        dbuf_v[pl.ds(k * L, L)] = y
        return ()

    lax.fori_loop(0, RPW // L, _rs, ())
    pltpu.sync_copy(dbuf_v, out_hbm.at[pl.ds(base, RPW)])


@functools.partial(
    pl.kernel,
    mesh=_mesh,
    out_type=jax.ShapeDtypeStruct((NC, NPAD, DH), jnp.float32),
    scratch_types=[
        pltpu.VMEM_SHARED((NPAD, DH), jnp.float32),
        pltpu.VMEM_SHARED((NPAD, DH), jnp.float32),
        pltpu.VMEM((C,), jnp.int32),
        pltpu.VMEM((C,), jnp.int32),
        pltpu.VMEM((C,), jnp.int32),
        pltpu.VMEM((C,), jnp.int32),
        pltpu.VMEM((C,), jnp.float32),
        pltpu.VMEM((C,), jnp.float32),
        pltpu.VMEM((C, DH), jnp.float32),
        pltpu.VMEM((C, DH), jnp.float32),
        pltpu.SemaphoreType.DMA,
        pltpu.SemaphoreType.DMA,
        pltpu.SemaphoreType.DMA,
        pltpu.SemaphoreType.DMA,
    ],
)
def _agg_sc(h_hbm, src_hbm, dst_hbm, ew_hbm, out_hbm,
            h_sh, acc_sh, src0, src1, dst0, dst1, ew0, ew1, rows0, rows1,
            hsem, isem0, isem1, gsem):
    cid = lax.axis_index("c")
    sid = lax.axis_index("s")

    hload = pltpu.make_async_copy(h_hbm.at[cid, pl.ds(sid * RPT, RPT)],
                                  h_sh.at[pl.ds(sid * RPT, RPT)], hsem)
    hload.start()

    zv = jnp.zeros((L,), jnp.float32)

    def _zrow(i, _):
        def _zcol(j, _):
            rows0[i, pl.ds(j * L, L)] = zv
            return ()
        lax.fori_loop(0, DH // L, _zcol, ())
        return ()

    lax.fori_loop(0, C, _zrow, ())
    for k in range(RPT // C):
        pltpu.sync_copy(rows0, acc_sh.at[pl.ds(sid * RPT + k * C, C)])
    hload.wait()
    plsc.subcore_barrier()

    def _idx(c, sb, db, eb, sem):
        return (pltpu.make_async_copy(src_hbm.at[sid, c], sb, sem),
                pltpu.make_async_copy(dst_hbm.at[sid, c], db, sem),
                pltpu.make_async_copy(ew_hbm.at[sid, c], eb, sem))

    def _issue_idx(c, sb, db, eb, sem):
        for cp in _idx(c, sb, db, eb, sem):
            cp.start()

    def _wait_idx(c, sb, db, eb, sem):
        for cp in _idx(c, sb, db, eb, sem):
            cp.wait()

    def _gather(sb, rows):
        return pltpu.make_async_copy(h_sh.at[sb], rows, gsem)

    def _scale(rows, eb):
        def _edge(e, _):
            w16 = eb[pl.ds(e & -L, L)]
            lane = jnp.full((L, 1), e & (L - 1), jnp.int32)
            w = lax.gather(
                w16, lane,
                lax.GatherDimensionNumbers(offset_dims=(),
                                           collapsed_slice_dims=(0,),
                                           start_index_map=(0,)),
                slice_sizes=(1,),
                mode=lax.GatherScatterMode.PROMISE_IN_BOUNDS)
            for j in range(DH // L):
                rows[e, pl.ds(j * L, L)] = rows[e, pl.ds(j * L, L)] * w
            return ()

        lax.fori_loop(0, C, _edge, ())

    def _scatter(rows, db):
        pltpu.sync_copy(rows, acc_sh.at[db], add=True)

    _issue_idx(0, src0, dst0, ew0, isem0)
    _wait_idx(0, src0, dst0, ew0, isem0)
    _gather(src0, rows0).start()
    _issue_idx(1, src1, dst1, ew1, isem1)

    def _pair(g, _):
        a = 2 * g
        _wait_idx(a + 1, src1, dst1, ew1, isem1)
        _gather(src0, rows0).wait()
        _gather(src1, rows1).start()
        _scale(rows0, ew0)
        _scatter(rows0, dst0)
        _issue_idx(a + 2, src0, dst0, ew0, isem0)
        _gather(src1, rows1).wait()
        _scale(rows1, ew1)
        _wait_idx(a + 2, src0, dst0, ew0, isem0)
        _gather(src0, rows0).start()
        _scatter(rows1, dst1)
        _issue_idx(a + 3, src1, dst1, ew1, isem1)
        return ()

    lax.fori_loop(0, DCHUNK // 2 - 1, _pair, ())
    _wait_idx(DCHUNK - 1, src1, dst1, ew1, isem1)
    _gather(src0, rows0).wait()
    _gather(src1, rows1).start()
    _scale(rows0, ew0)
    _scatter(rows0, dst0)
    _gather(src1, rows1).wait()
    _scale(rows1, ew1)
    _scatter(rows1, dst1)

    plsc.subcore_barrier()
    pltpu.sync_copy(acc_sh.at[pl.ds(sid * RPT, RPT)],
                    out_hbm.at[cid, pl.ds(sid * RPT, RPT)])


RB = 2000
GRID = N // RB


def _mm_body(x_ref, w_ref, o_ref):
    o_ref[...] = lax.dot_general(x_ref[...], w_ref[...],
                                 (((1,), (0,)), ((), ())),
                                 preferred_element_type=jnp.float32,
                                 precision=_HI)


def _mm(x, w):
    return pl.pallas_call(
        _mm_body,
        grid=(GRID,),
        in_specs=[pl.BlockSpec((RB, D), lambda i: (i, 0)),
                  pl.BlockSpec((D, D), lambda i: (0, 0))],
        out_specs=pl.BlockSpec((RB, D), lambda i: (i, 0)),
        out_shape=jax.ShapeDtypeStruct((N, D), jnp.float32),
    )(x, w)


def _split_store(o_ref, full):
    o_ref[0] = full[:, :DH]
    o_ref[1] = full[:, DH:]


def _prep_body(h_ref, dinv_ref, hs_ref):
    _split_store(hs_ref, h_ref[...] * dinv_ref[...])


def _prep(h, dinv):
    return pl.pallas_call(
        _prep_body,
        grid=(GRID,),
        in_specs=[pl.BlockSpec((RB, D), lambda i: (i, 0)),
                  pl.BlockSpec((RB, 1), lambda i: (i, 0))],
        out_specs=pl.BlockSpec((NC, RB, DH), lambda i: (0, i, 0)),
        out_shape=jax.ShapeDtypeStruct((NC, NPAD, DH), jnp.float32),
    )(h, dinv)


def _elu(t):
    return jnp.where(t > 0, t, jnp.exp(t) - 1.0)


def _comb_pre(a_ref, hs_ref, dinv_ref, b_ref):
    a = a_ref[...]
    hs = hs_ref[...]
    acc = jnp.concatenate([a[0], a[1]], axis=1)
    hsf = jnp.concatenate([hs[0], hs[1]], axis=1)
    return _elu(dinv_ref[...] * (acc + hsf) + b_ref[...])


def _comb1_body(a_ref, hs_ref, dinv_ref, b_ref, w_ref, o_ref):
    t = _comb_pre(a_ref, hs_ref, dinv_ref, b_ref)
    h2 = dinv_ref[...] * lax.dot_general(t, w_ref[...],
                                         (((1,), (0,)), ((), ())),
                                         preferred_element_type=jnp.float32,
                                         precision=_HI)
    _split_store(o_ref, h2)


def _comb1(acc, hs, dinv, b, w):
    return pl.pallas_call(
        _comb1_body,
        grid=(GRID,),
        in_specs=[pl.BlockSpec((NC, RB, DH), lambda i: (0, i, 0)),
                  pl.BlockSpec((NC, RB, DH), lambda i: (0, i, 0)),
                  pl.BlockSpec((RB, 1), lambda i: (i, 0)),
                  pl.BlockSpec((1, D), lambda i: (0, 0)),
                  pl.BlockSpec((D, D), lambda i: (0, 0))],
        out_specs=pl.BlockSpec((NC, RB, DH), lambda i: (0, i, 0)),
        out_shape=jax.ShapeDtypeStruct((NC, NPAD, DH), jnp.float32),
    )(acc, hs, dinv, b, w)


def _comb2_body(a_ref, hs_ref, dinv_ref, b_ref, o_ref):
    o_ref[...] = _comb_pre(a_ref, hs_ref, dinv_ref, b_ref)


def _comb2(acc, hs, dinv, b):
    return pl.pallas_call(
        _comb2_body,
        grid=(GRID,),
        in_specs=[pl.BlockSpec((NC, RB, DH), lambda i: (0, i, 0)),
                  pl.BlockSpec((NC, RB, DH), lambda i: (0, i, 0)),
                  pl.BlockSpec((RB, 1), lambda i: (i, 0)),
                  pl.BlockSpec((1, D), lambda i: (0, 0))],
        out_specs=pl.BlockSpec((RB, D), lambda i: (i, 0)),
        out_shape=jax.ShapeDtypeStruct((N, D), jnp.float32),
    )(acc, hs, dinv, b)


KB = 2000
KGRID = INPUT // KB


def _fc_body(rt_ref, w1_ref, b1_ref, w2_ref, b2_ref, o_ref, acc_ref):
    i = pl.program_id(0)

    @pl.when(i == 0)
    def _():
        acc_ref[...] = jnp.zeros_like(acc_ref)

    acc_ref[...] += lax.dot_general(rt_ref[...], w1_ref[...],
                                    (((0,), (0,)), ((), ())),
                                    preferred_element_type=jnp.float32,
                                    precision=_HI)

    @pl.when(i == KGRID - 1)
    def _():
        z = _elu(acc_ref[...] + b1_ref[...])
        y = lax.dot_general(z, w2_ref[...], (((1,), (0,)), ((), ())),
                            preferred_element_type=jnp.float32,
                            precision=_HI) + b2_ref[...]
        o_ref[...] = _elu(y)


def _fc(rt, w1, b1, w2, b2):
    return pl.pallas_call(
        _fc_body,
        grid=(KGRID,),
        in_specs=[pl.BlockSpec((KB, D), lambda i: (i, 0)),
                  pl.BlockSpec((KB, FFN), lambda i: (i, 0)),
                  pl.BlockSpec((1, FFN), lambda i: (0, 0)),
                  pl.BlockSpec((FFN, BOT), lambda i: (0, 0)),
                  pl.BlockSpec((1, BOT), lambda i: (0, 0))],
        out_specs=pl.BlockSpec((D, BOT), lambda i: (0, 0)),
        out_shape=jax.ShapeDtypeStruct((D, BOT), jnp.float32),
        scratch_shapes=[pltpu.VMEM((D, FFN), jnp.float32)],
        compiler_params=pltpu.CompilerParams(
            dimension_semantics=("arbitrary",)),
    )(rt, w1, b1, w2, b2)


def kernel(x, edge_index, edge_weight, W1, b1, W2, b2,
           fc1_W, fc1_b, fc2_W, fc2_b):
    pad = EPAD - E
    srcp = jnp.concatenate([edge_index[0],
                            jnp.zeros((pad,), jnp.int32)])
    pad_dst = N + jax.lax.rem(jnp.arange(pad, dtype=jnp.int32),
                              jnp.int32(NPAD - N))
    dstp = jnp.concatenate([edge_index[1], pad_dst])
    ewp = jnp.concatenate([edge_weight, jnp.zeros((pad,), jnp.float32)])
    src3 = srcp.reshape(NS, DCHUNK, C)
    dst3 = dstp.reshape(NS, DCHUNK, C)
    ew3 = ewp.reshape(NS, DCHUNK, C)

    dinv_vec = _dinv_sc(dst3, ew3)
    h1 = _mm(x, W1)
    dinv = dinv_vec.reshape(NPAD, 1)
    h1s = _prep(h1, dinv)
    acc1 = _agg_sc(h1s, src3, dst3, ew3)
    h2s = _comb1(acc1, h1s, dinv, b1.reshape(1, D), W2)
    acc2 = _agg_sc(h2s, src3, dst3, ew3)
    out2 = _comb2(acc2, h2s, dinv, b2.reshape(1, D))
    rt = out2.reshape(D, INPUT).T
    return _fc(rt, fc1_W, fc1_b.reshape(1, FFN), fc2_W, fc2_b.reshape(1, BOT))

# --- scband reference (transcript-rebuilt; emitter-appended) ---
"""Pipeline reference for scband-encoder-43301860278273 (READ-ONLY COPY).

The authoritative reference and input builder live on the scoring server;
editing this copy changes nothing except your own understanding.
"""

import jax, jax.numpy as jnp
import numpy as np

N = 10000
E = 320000
D = 128
FFN = 512
BOT = 128
INPUT_SIZE = 10000
NUM_GRAPHS = 1


def setup_inputs(seed: int = 0) -> dict:
    key = jax.random.key(seed)
    ks = jax.random.split(key, 12)
    x = jax.random.normal(ks[0], (N, D), dtype=jnp.float32)
    edge_index = jax.random.randint(ks[1], (2, E), 0, N, dtype=jnp.int32)
    edge_weight = jax.random.uniform(ks[2], (E,), dtype=jnp.float32)
    # GCNConv layer weights (hidden_channels = [128, 128, 128] -> two conv layers 128->128)
    W1 = jax.random.normal(ks[3], (D, D), dtype=jnp.float32) * (1.0 / np.sqrt(D))
    b1 = jnp.zeros((D,), dtype=jnp.float32)
    W2 = jax.random.normal(ks[4], (D, D), dtype=jnp.float32) * (1.0 / np.sqrt(D))
    b2 = jnp.zeros((D,), dtype=jnp.float32)
    # FFN head: Linear(input_size=10000 -> ffn=512), Linear(ffn=512 -> bottleneck=128)
    fc1_W = jax.random.normal(ks[5], (INPUT_SIZE, FFN), dtype=jnp.float32) * (1.0 / np.sqrt(INPUT_SIZE))
    fc1_b = jnp.zeros((FFN,), dtype=jnp.float32)
    fc2_W = jax.random.normal(ks[6], (FFN, BOT), dtype=jnp.float32) * (1.0 / np.sqrt(FFN))
    fc2_b = jnp.zeros((BOT,), dtype=jnp.float32)
    return {"x": x, "edge_index": edge_index, "edge_weight": edge_weight,
            "W1": W1, "b1": b1, "W2": W2, "b2": b2,
            "fc1_W": fc1_W, "fc1_b": fc1_b, "fc2_W": fc2_W, "fc2_b": fc2_b}


def gcn_conv(x, src, dst, ew, W, b, num_nodes):
    # PyG GCNConv with normalize=True, add_self_loops=True
    h = x @ W
    loop = jnp.arange(num_nodes, dtype=src.dtype)
    src_f = jnp.concatenate([src, loop])
    dst_f = jnp.concatenate([dst, loop])
    ew_f = jnp.concatenate([ew, jnp.ones((num_nodes,), dtype=ew.dtype)])
    deg = jnp.zeros((num_nodes,), dtype=ew.dtype).at[dst_f].add(ew_f)
    deg_inv_sqrt = jnp.where(deg > 0, jax.lax.rsqrt(jnp.maximum(deg, 1e-12)), 0.0)
    norm = deg_inv_sqrt[src_f] * ew_f * deg_inv_sqrt[dst_f]
    msgs = h[src_f] * norm[:, None]
    out = jnp.zeros_like(h).at[dst_f].add(msgs)
    return out + b


def reference(x, edge_index, edge_weight, W1, b1, W2, b2, fc1_W, fc1_b, fc2_W, fc2_b):
    src = edge_index[0]
    dst = edge_index[1]
    h = gcn_conv(x, src, dst, edge_weight, W1, b1, N)
    h = jax.nn.elu(h)
    h = gcn_conv(h, src, dst, edge_weight, W2, b2, N)
    h = jax.nn.elu(h)
    h = h.reshape(NUM_GRAPHS * D, INPUT_SIZE)
    h = jax.nn.elu(h @ fc1_W + fc1_b)
    h = jax.nn.elu(h @ fc2_W + fc2_b)
    return h

if __name__ == "__main__":
    import jax
    _d = setup_inputs()
    print(jax.jit(kernel)(*tuple(_d.values())))

</pallas_src>

<mosaic_0001>
#map = affine_map<(d0, d1) -> (0, 0, 0)>
module attributes {stable_mosaic.version = 14 : i64} {
  func.func @_agg_sc(%arg0: i32, %arg1: i32, %arg2: memref<2x10240x64xf32, #tpu.memory_space<hbm>>, %arg3: memref<16x160x128xi32, #tpu.memory_space<hbm>>, %arg4: memref<16x160x128xi32, #tpu.memory_space<hbm>>, %arg5: memref<16x160x128xf32, #tpu.memory_space<hbm>>, %arg6: memref<2x10240x64xf32, #tpu.memory_space<hbm>>, %arg7: memref<10240x64xf32, #tpu.memory_space<vmem_shared>>, %arg8: memref<10240x64xf32, #tpu.memory_space<vmem_shared>>, %arg9: memref<128xi32, #tpu.memory_space<vmem>>, %arg10: memref<128xi32, #tpu.memory_space<vmem>>, %arg11: memref<128xi32, #tpu.memory_space<vmem>>, %arg12: memref<128xi32, #tpu.memory_space<vmem>>, %arg13: memref<128xf32, #tpu.memory_space<vmem>>, %arg14: memref<128xf32, #tpu.memory_space<vmem>>, %arg15: memref<128x64xf32, #tpu.memory_space<vmem>>, %arg16: memref<128x64xf32, #tpu.memory_space<vmem>>, %arg17: memref<!tpu.dma_semaphore, #tpu.memory_space<semaphore_mem>>, %arg18: memref<!tpu.dma_semaphore, #tpu.memory_space<semaphore_mem>>, %arg19: memref<!tpu.dma_semaphore, #tpu.memory_space<semaphore_mem>>, %arg20: memref<!tpu.dma_semaphore, #tpu.memory_space<semaphore_mem>>) attributes {dimension_semantics = [#tpu.dimension_semantics<core_parallel>, #tpu.dimension_semantics<subcore_parallel>], iteration_bounds = array<i64: 2, 16>, scalar_prefetch = 0 : i64, scratch_operands = 14 : i64, tpu.core_type = #tpu.core_type<sc_vector_subcore>, window_params = [{transform_indices = #map}, {transform_indices = #map}, {transform_indices = #map}, {transform_indices = #map}, {transform_indices = #map}]} {
    %mul3A = arith.constant 640 : i32
    %mul3A_0 = arith.muli %arg1, %mul3A : i32
    %mul3A_1 = arith.constant 640 : i32
    %mul3A_2 = arith.muli %arg1, %mul3A_1 : i32
    %dma_start3A = arith.constant 0 : i32
    %dma_start3A_3 = tpu.memref_slice %arg7[%mul3A_2, %dma_start3A] : memref<10240x64xf32, #tpu.memory_space<vmem_shared>> -> memref<640x64xf32, #tpu.memory_space<vmem_shared>>
    %dma_start3A_4 = arith.constant 0 : i32
    %dma_start3A_5 = tpu.memref_slice %arg2[%arg0, %mul3A_0, %dma_start3A_4] : memref<2x10240x64xf32, #tpu.memory_space<hbm>> -> memref<1x640x64xf32, #tpu.memory_space<hbm>>
    %dma_start3A_6 = tpu.memref_squeeze %dma_start3A_5 : memref<1x640x64xf32, #tpu.memory_space<hbm>> -> memref<640x64xf32, #tpu.memory_space<hbm>>
    tpu.enqueue_dma source(%dma_start3A_6 : memref<640x64xf32, #tpu.memory_space<hbm>>) target(%dma_start3A_3 : memref<640x64xf32, #tpu.memory_space<vmem_shared>>) target_semaphore(%arg17 : memref<!tpu.dma_semaphore, #tpu.memory_space<semaphore_mem>>)
    %broadcast_in_dim3A = arith.constant 0.000000e+00 : f32
    %broadcast_in_dim3A_7 = vector.broadcast %broadcast_in_dim3A : f32 to vector<16xf32>
    %scan3A = arith.constant 0 : i32
    %scan3A_8 = arith.constant 128 : i32
    %scan3A_9 = arith.addi %scan3A, %scan3A_8 : i32
    %scan3A_10 = arith.constant 1 : i32
    scf.for %scan3A_151 = %scan3A to %scan3A_9 step %scan3A_10  : i32 {
      %scan3A_152 = arith.constant 0 : i32
      %scan3A_153 = arith.constant 4 : i32
      %scan3A_154 = arith.addi %scan3A_152, %scan3A_153 : i32
      %scan3A_155 = arith.constant 1 : i32
      scf.for %scan3A_157 = %scan3A_152 to %scan3A_154 step %scan3A_155  : i32 {
        %mul3A_158 = arith.constant 16 : i32
        %mul3A_159 = arith.muli %scan3A_157, %mul3A_158 : i32
        %swap3A = arith.index_cast %scan3A_151 : i32 to index
        %swap3A_160 = arith.index_cast %mul3A_159 : i32 to index
        %swap3A_161 = tpu.vector_load %arg15[%swap3A, %swap3A_160] {strides = array<i32>} : memref<128x64xf32, #tpu.memory_space<vmem>>, vector<1x16xf32>,
        %swap3A_162 = vector.shape_cast %swap3A_161 : vector<1x16xf32> to vector<16xf32>
        %swap3A_163 = vector.shape_cast %broadcast_in_dim3A_7 : vector<16xf32> to vector<1x16xf32>
        tpu.vector_store %arg15[%swap3A, %swap3A_160], %swap3A_163 {strides = array<i32>} : memref<128x64xf32, #tpu.memory_space<vmem>>, vector<1x16xf32>,
      }
      %scan3A_156 = arith.constant 4 : i32
    }
    %scan3A_11 = arith.constant 128 : i32
    %mul3A_12 = arith.constant 640 : i32
    %mul3A_13 = arith.muli %arg1, %mul3A_12 : i32
    %add3A = arith.constant 0 : i32
    %add3A_14 = arith.addi %mul3A_13, %add3A : i32
    "tpu.region"() ({
      %run_scoped3A = tpu.sem_alloc : memref<!tpu.dma_semaphore, #tpu.memory_space<semaphore_mem>>
      %dma_start3A_151 = arith.constant 0 : i32
      %dma_start3A_152 = tpu.memref_slice %arg8[%add3A_14, %dma_start3A_151] : memref<10240x64xf32, #tpu.memory_space<vmem_shared>> -> memref<128x64xf32, #tpu.memory_space<vmem_shared>>
      %dma_start3A_153 = arith.constant 0 : i32
      %dma_start3A_154 = tpu.memref_slice %arg8[%add3A_14, %dma_start3A_153] : memref<10240x64xf32, #tpu.memory_space<vmem_shared>> -> memref<128x64xf32, #tpu.memory_space<vmem_shared>>
      tpu.enqueue_dma source(%arg15 : memref<128x64xf32, #tpu.memory_space<vmem>>) target(%dma_start3A_154 : memref<128x64xf32, #tpu.memory_space<vmem_shared>>) target_semaphore(%run_scoped3A : memref<!tpu.dma_semaphore, #tpu.memory_space<semaphore_mem>>)
      %dma_wait3A_155 = arith.constant 0 : i32
      %dma_wait3A_156 = tpu.memref_slice %arg8[%add3A_14, %dma_wait3A_155] : memref<10240x64xf32, #tpu.memory_space<vmem_shared>> -> memref<128x64xf32, #tpu.memory_space<vmem_shared>>
      %dma_wait3A_157 = arith.constant 0 : i32
      %dma_wait3A_158 = tpu.memref_slice %arg8[%add3A_14, %dma_wait3A_157] : memref<10240x64xf32, #tpu.memory_space<vmem_shared>> -> memref<128x64xf32, #tpu.memory_space<vmem_shared>>
      tpu.wait_dma2 semaphore(%run_scoped3A : memref<!tpu.dma_semaphore, #tpu.memory_space<semaphore_mem>>) src(%arg15 : memref<128x64xf32, #tpu.memory_space<vmem>>) dst(%dma_wait3A_158 : memref<128x64xf32, #tpu.memory_space<vmem_shared>>)
      tpu.yield
    }) : () -> ()
    %mul3A_15 = arith.constant 640 : i32
    %mul3A_16 = arith.muli %arg1, %mul3A_15 : i32
    %add3A_17 = arith.constant 128 : i32
    %add3A_18 = arith.addi %mul3A_16, %add3A_17 : i32
    "tpu.region"() ({
      %run_scoped3A = tpu.sem_alloc : memref<!tpu.dma_semaphore, #tpu.memory_space<semaphore_mem>>
      %dma_start3A_151 = arith.constant 0 : i32
      %dma_start3A_152 = tpu.memref_slice %arg8[%add3A_18, %dma_start3A_151] : memref<10240x64xf32, #tpu.memory_space<vmem_shared>> -> memref<128x64xf32, #tpu.memory_space<vmem_shared>>
      %dma_start3A_153 = arith.constant 0 : i32
      %dma_start3A_154 = tpu.memref_slice %arg8[%add3A_18, %dma_start3A_153] : memref<10240x64xf32, #tpu.memory_space<vmem_shared>> -> memref<128x64xf32, #tpu.memory_space<vmem_shared>>
      tpu.enqueue_dma source(%arg15 : memref<128x64xf32, #tpu.memory_space<vmem>>) target(%dma_start3A_154 : memref<128x64xf32, #tpu.memory_space<vmem_shared>>) target_semaphore(%run_scoped3A : memref<!tpu.dma_semaphore, #tpu.memory_space<semaphore_mem>>)
      %dma_wait3A_155 = arith.constant 0 : i32
      %dma_wait3A_156 = tpu.memref_slice %arg8[%add3A_18, %dma_wait3A_155] : memref<10240x64xf32, #tpu.memory_space<vmem_shared>> -> memref<128x64xf32, #tpu.memory_space<vmem_shared>>
      %dma_wait3A_157 = arith.constant 0 : i32
      %dma_wait3A_158 = tpu.memref_slice %arg8[%add3A_18, %dma_wait3A_157] : memref<10240x64xf32, #tpu.memory_space<vmem_shared>> -> memref<128x64xf32, #tpu.memory_space<vmem_shared>>
      tpu.wait_dma2 semaphore(%run_scoped3A : memref<!tpu.dma_semaphore, #tpu.memory_space<semaphore_mem>>) src(%arg15 : memref<128x64xf32, #tpu.memory_space<vmem>>) dst(%dma_wait3A_158 : memref<128x64xf32, #tpu.memory_space<vmem_shared>>)
      tpu.yield
    }) : () -> ()
    %mul3A_19 = arith.constant 640 : i32
    %mul3A_20 = arith.muli %arg1, %mul3A_19 : i32
    %add3A_21 = arith.constant 256 : i32
    %add3A_22 = arith.addi %mul3A_20, %add3A_21 : i32
    "tpu.region"() ({
      %run_scoped3A = tpu.sem_alloc : memref<!tpu.dma_semaphore, #tpu.memory_space<semaphore_mem>>
      %dma_start3A_151 = arith.constant 0 : i32
      %dma_start3A_152 = tpu.memref_slice %arg8[%add3A_22, %dma_start3A_151] : memref<10240x64xf32, #tpu.memory_space<vmem_shared>> -> memref<128x64xf32, #tpu.memory_space<vmem_shared>>
      %dma_start3A_153 = arith.constant 0 : i32
      %dma_start3A_154 = tpu.memref_slice %arg8[%add3A_22, %dma_start3A_153] : memref<10240x64xf32, #tpu.memory_space<vmem_shared>> -> memref<128x64xf32, #tpu.memory_space<vmem_shared>>
      tpu.enqueue_dma source(%arg15 : memref<128x64xf32, #tpu.memory_space<vmem>>) target(%dma_start3A_154 : memref<128x64xf32, #tpu.memory_space<vmem_shared>>) target_semaphore(%run_scoped3A : memref<!tpu.dma_semaphore, #tpu.memory_space<semaphore_mem>>)
      %dma_wait3A_155 = arith.constant 0 : i32
      %dma_wait3A_156 = tpu.memref_slice %arg8[%add3A_22, %dma_wait3A_155] : memref<10240x64xf32, #tpu.memory_space<vmem_shared>> -> memref<128x64xf32, #tpu.memory_space<vmem_shared>>
      %dma_wait3A_157 = arith.constant 0 : i32
      %dma_wait3A_158 = tpu.memref_slice %arg8[%add3A_22, %dma_wait3A_157] : memref<10240x64xf32, #tpu.memory_space<vmem_shared>> -> memref<128x64xf32, #tpu.memory_space<vmem_shared>>
      tpu.wait_dma2 semaphore(%run_scoped3A : memref<!tpu.dma_semaphore, #tpu.memory_space<semaphore_mem>>) src(%arg15 : memref<128x64xf32, #tpu.memory_space<vmem>>) dst(%dma_wait3A_158 : memref<128x64xf32, #tpu.memory_space<vmem_shared>>)
      tpu.yield
    }) : () -> ()
    %mul3A_23 = arith.constant 640 : i32
    %mul3A_24 = arith.muli %arg1, %mul3A_23 : i32
    %add3A_25 = arith.constant 384 : i32
    %add3A_26 = arith.addi %mul3A_24, %add3A_25 : i32
    "tpu.region"() ({
      %run_scoped3A = tpu.sem_alloc : memref<!tpu.dma_semaphore, #tpu.memory_space<semaphore_mem>>
      %dma_start3A_151 = arith.constant 0 : i32
      %dma_start3A_152 = tpu.memref_slice %arg8[%add3A_26, %dma_start3A_151] : memref<10240x64xf32, #tpu.memory_space<vmem_shared>> -> memref<128x64xf32, #tpu.memory_space<vmem_shared>>
      %dma_start3A_153 = arith.constant 0 : i32
      %dma_start3A_154 = tpu.memref_slice %arg8[%add3A_26, %dma_start3A_153] : memref<10240x64xf32, #tpu.memory_space<vmem_shared>> -> memref<128x64xf32, #tpu.memory_space<vmem_shared>>
      tpu.enqueue_dma source(%arg15 : memref<128x64xf32, #tpu.memory_space<vmem>>) target(%dma_start3A_154 : memref<128x64xf32, #tpu.memory_space<vmem_shared>>) target_semaphore(%run_scoped3A : memref<!tpu.dma_semaphore, #tpu.memory_space<semaphore_mem>>)
      %dma_wait3A_155 = arith.constant 0 : i32
      %dma_wait3A_156 = tpu.memref_slice %arg8[%add3A_26, %dma_wait3A_155] : memref<10240x64xf32, #tpu.memory_space<vmem_shared>> -> memref<128x64xf32, #tpu.memory_space<vmem_shared>>
      %dma_wait3A_157 = arith.constant 0 : i32
      %dma_wait3A_158 = tpu.memref_slice %arg8[%add3A_26, %dma_wait3A_157] : memref<10240x64xf32, #tpu.memory_space<vmem_shared>> -> memref<128x64xf32, #tpu.memory_space<vmem_shared>>
      tpu.wait_dma2 semaphore(%run_scoped3A : memref<!tpu.dma_semaphore, #tpu.memory_space<semaphore_mem>>) src(%arg15 : memref<128x64xf32, #tpu.memory_space<vmem>>) dst(%dma_wait3A_158 : memref<128x64xf32, #tpu.memory_space<vmem_shared>>)
      tpu.yield
    }) : () -> ()
    %mul3A_27 = arith.constant 640 : i32
    %mul3A_28 = arith.muli %arg1, %mul3A_27 : i32
    %add3A_29 = arith.constant 512 : i32
    %add3A_30 = arith.addi %mul3A_28, %add3A_29 : i32
    "tpu.region"() ({
      %run_scoped3A = tpu.sem_alloc : memref<!tpu.dma_semaphore, #tpu.memory_space<semaphore_mem>>
      %dma_start3A_151 = arith.constant 0 : i32
      %dma_start3A_152 = tpu.memref_slice %arg8[%add3A_30, %dma_start3A_151] : memref<10240x64xf32, #tpu.memory_space<vmem_shared>> -> memref<128x64xf32, #tpu.memory_space<vmem_shared>>
      %dma_start3A_153 = arith.constant 0 : i32
      %dma_start3A_154 = tpu.memref_slice %arg8[%add3A_30, %dma_start3A_153] : memref<10240x64xf32, #tpu.memory_space<vmem_shared>> -> memref<128x64xf32, #tpu.memory_space<vmem_shared>>
      tpu.enqueue_dma source(%arg15 : memref<128x64xf32, #tpu.memory_space<vmem>>) target(%dma_start3A_154 : memref<128x64xf32, #tpu.memory_space<vmem_shared>>) target_semaphore(%run_scoped3A : memref<!tpu.dma_semaphore, #tpu.memory_space<semaphore_mem>>)
      %dma_wait3A_155 = arith.constant 0 : i32
      %dma_wait3A_156 = tpu.memref_slice %arg8[%add3A_30, %dma_wait3A_155] : memref<10240x64xf32, #tpu.memory_space<vmem_shared>> -> memref<128x64xf32, #tpu.memory_space<vmem_shared>>
      %dma_wait3A_157 = arith.constant 0 : i32
      %dma_wait3A_158 = tpu.memref_slice %arg8[%add3A_30, %dma_wait3A_157] : memref<10240x64xf32, #tpu.memory_space<vmem_shared>> -> memref<128x64xf32, #tpu.memory_space<vmem_shared>>
      tpu.wait_dma2 semaphore(%run_scoped3A : memref<!tpu.dma_semaphore, #tpu.memory_space<semaphore_mem>>) src(%arg15 : memref<128x64xf32, #tpu.memory_space<vmem>>) dst(%dma_wait3A_158 : memref<128x64xf32, #tpu.memory_space<vmem_shared>>)
      tpu.yield
    }) : () -> ()
    %dma_wait3A = arith.constant 0 : i32
    %dma_wait3A_31 = tpu.memref_slice %arg7[%mul3A_2, %dma_wait3A] : memref<10240x64xf32, #tpu.memory_space<vmem_shared>> -> memref<640x64xf32, #tpu.memory_space<vmem_shared>>
    %dma_wait3A_32 = arith.constant 0 : i32
    %dma_wait3A_33 = tpu.memref_slice %arg2[%arg0, %mul3A_0, %dma_wait3A_32] : memref<2x10240x64xf32, #tpu.memory_space<hbm>> -> memref<1x640x64xf32, #tpu.memory_space<hbm>>
    %dma_wait3A_34 = tpu.memref_squeeze %dma_wait3A_33 : memref<1x640x64xf32, #tpu.memory_space<hbm>> -> memref<640x64xf32, #tpu.memory_space<hbm>>
    tpu.wait_dma2 semaphore(%arg17 : memref<!tpu.dma_semaphore, #tpu.memory_space<semaphore_mem>>) src(%dma_wait3A_34 : memref<640x64xf32, #tpu.memory_space<hbm>>) dst(%dma_wait3A_31 : memref<640x64xf32, #tpu.memory_space<vmem_shared>>)
    %barrier3A = arith.constant 0 : index
    tpu.barrier barrier_id(%barrier3A)
    %dma_start3A_35 = arith.constant 0 : i32
    %dma_start3A_36 = arith.constant 0 : i32
    %dma_start3A_37 = tpu.memref_slice %arg3[%arg1, %dma_start3A_35, %dma_start3A_36] : memref<16x160x128xi32, #tpu.memory_space<hbm>> -> memref<1x1x128xi32, #tpu.memory_space<hbm>>
    %dma_start3A_38 = tpu.memref_squeeze %dma_start3A_37 : memref<1x1x128xi32, #tpu.memory_space<hbm>> -> memref<128xi32, #tpu.memory_space<hbm>>
    %dma_start3A_39 = arith.constant 0 : i32
    %dma_start3A_40 = tpu.memref_slice %arg3[%arg1, %dma_start3A_35, %dma_start3A_39] : memref<16x160x128xi32, #tpu.memory_space<hbm>> -> memref<1x1x128xi32, #tpu.memory_space<hbm>>
    %dma_start3A_41 = tpu.memref_squeeze %dma_start3A_40 : memref<1x1x128xi32, #tpu.memory_space<hbm>> -> memref<128xi32, #tpu.memory_space<hbm>>
    tpu.enqueue_dma source(%dma_start3A_41 : memref<128xi32, #tpu.memory_space<hbm>>) target(%arg9 : memref<128xi32, #tpu.memory_space<vmem>>) target_semaphore(%arg18 : memref<!tpu.dma_semaphore, #tpu.memory_space<semaphore_mem>>)
    %dma_start3A_42 = arith.constant 0 : i32
    %dma_start3A_43 = arith.constant 0 : i32
    %dma_start3A_44 = tpu.memref_slice %arg4[%arg1, %dma_start3A_42, %dma_start3A_43] : memref<16x160x128xi32, #tpu.memory_space<hbm>> -> memref<1x1x128xi32, #tpu.memory_space<hbm>>
    %dma_start3A_45 = tpu.memref_squeeze %dma_start3A_44 : memref<1x1x128xi32, #tpu.memory_space<hbm>> -> memref<128xi32, #tpu.memory_space<hbm>>
    %dma_start3A_46 = arith.constant 0 : i32
    %dma_start3A_47 = tpu.memref_slice %arg4[%arg1, %dma_start3A_42, %dma_start3A_46] : memref<16x160x128xi32, #tpu.memory_space<hbm>> -> memref<1x1x128xi32, #tpu.memory_space<hbm>>
    %dma_start3A_48 = tpu.memref_squeeze %dma_start3A_47 : memref<1x1x128xi32, #tpu.memory_space<hbm>> -> memref<128xi32, #tpu.memory_space<hbm>>
    tpu.enqueue_dma source(%dma_start3A_48 : memref<128xi32, #tpu.memory_space<hbm>>) target(%arg11 : memref<128xi32, #tpu.memory_space<vmem>>) target_semaphore(%arg18 : memref<!tpu.dma_semaphore, #tpu.memory_space<semaphore_mem>>)
    %dma_start3A_49 = arith.constant 0 : i32
    %dma_start3A_50 = arith.constant 0 : i32
    %dma_start3A_51 = tpu.memref_slice %arg5[%arg1, %dma_start3A_49, %dma_start3A_50] : memref<16x160x128xf32, #tpu.memory_space<hbm>> -> memref<1x1x128xf32, #tpu.memory_space<hbm>>
    %dma_start3A_52 = tpu.memref_squeeze %dma_start3A_51 : memref<1x1x128xf32, #tpu.memory_space<hbm>> -> memref<128xf32, #tpu.memory_space<hbm>>
    %dma_start3A_53 = arith.constant 0 : i32
    %dma_start3A_54 = tpu.memref_slice %arg5[%arg1, %dma_start3A_49, %dma_start3A_53] : memref<16x160x128xf32, #tpu.memory_space<hbm>> -> memref<1x1x128xf32, #tpu.memory_space<hbm>>
    %dma_start3A_55 = tpu.memref_squeeze %dma_start3A_54 : memref<1x1x128xf32, #tpu.memory_space<hbm>> -> memref<128xf32, #tpu.memory_space<hbm>>
    tpu.enqueue_dma source(%dma_start3A_55 : memref<128xf32, #tpu.memory_space<hbm>>) target(%arg13 : memref<128xf32, #tpu.memory_space<vmem>>) target_semaphore(%arg18 : memref<!tpu.dma_semaphore, #tpu.memory_space<semaphore_mem>>)
    %dma_wait3A_56 = arith.constant 0 : i32
    %dma_wait3A_57 = arith.constant 0 : i32
    %dma_wait3A_58 = tpu.memref_slice %arg3[%arg1, %dma_wait3A_56, %dma_wait3A_57] : memref<16x160x128xi32, #tpu.memory_space<hbm>> -> memref<1x1x128xi32, #tpu.memory_space<hbm>>
    %dma_wait3A_59 = tpu.memref_squeeze %dma_wait3A_58 : memref<1x1x128xi32, #tpu.memory_space<hbm>> -> memref<128xi32, #tpu.memory_space<hbm>>
    %dma_wait3A_60 = arith.constant 0 : i32
    %dma_wait3A_61 = tpu.memref_slice %arg3[%arg1, %dma_wait3A_56, %dma_wait3A_60] : memref<16x160x128xi32, #tpu.memory_space<hbm>> -> memref<1x1x128xi32, #tpu.memory_space<hbm>>
    %dma_wait3A_62 = tpu.memref_squeeze %dma_wait3A_61 : memref<1x1x128xi32, #tpu.memory_space<hbm>> -> memref<128xi32, #tpu.memory_space<hbm>>
    tpu.wait_dma2 semaphore(%arg18 : memref<!tpu.dma_semaphore, #tpu.memory_space<semaphore_mem>>) src(%dma_wait3A_62 : memref<128xi32, #tpu.memory_space<hbm>>) dst(%arg9 : memref<128xi32, #tpu.memory_space<vmem>>)
    %dma_wait3A_63 = arith.constant 0 : i32
    %dma_wait3A_64 = arith.constant 0 : i32
    %dma_wait3A_65 = tpu.memref_slice %arg4[%arg1, %dma_wait3A_63, %dma_wait3A_64] : memref<16x160x128xi32, #tpu.memory_space<hbm>> -> memref<1x1x128xi32, #tpu.memory_space<hbm>>
    %dma_wait3A_66 = tpu.memref_squeeze %dma_wait3A_65 : memref<1x1x128xi32, #tpu.memory_space<hbm>> -> memref<128xi32, #tpu.memory_space<hbm>>
    %dma_wait3A_67 = arith.constant 0 : i32
    %dma_wait3A_68 = tpu.memref_slice %arg4[%arg1, %dma_wait3A_63, %dma_wait3A_67] : memref<16x160x128xi32, #tpu.memory_space<hbm>> -> memref<1x1x128xi32, #tpu.memory_space<hbm>>
    %dma_wait3A_69 = tpu.memref_squeeze %dma_wait3A_68 : memref<1x1x128xi32, #tpu.memory_space<hbm>> -> memref<128xi32, #tpu.memory_space<hbm>>
    tpu.wait_dma2 semaphore(%arg18 : memref<!tpu.dma_semaphore, #tpu.memory_space<semaphore_mem>>) src(%dma_wait3A_69 : memref<128xi32, #tpu.memory_space<hbm>>) dst(%arg11 : memref<128xi32, #tpu.memory_space<vmem>>)
    %dma_wait3A_70 = arith.constant 0 : i32
    %dma_wait3A_71 = arith.constant 0 : i32
    %dma_wait3A_72 = tpu.memref_slice %arg5[%arg1, %dma_wait3A_70, %dma_wait3A_71] : memref<16x160x128xf32, #tpu.memory_space<hbm>> -> memref<1x1x128xf32, #tpu.memory_space<hbm>>
    %dma_wait3A_73 = tpu.memref_squeeze %dma_wait3A_72 : memref<1x1x128xf32, #tpu.memory_space<hbm>> -> memref<128xf32, #tpu.memory_space<hbm>>
    %dma_wait3A_74 = arith.constant 0 : i32
    %dma_wait3A_75 = tpu.memref_slice %arg5[%arg1, %dma_wait3A_70, %dma_wait3A_74] : memref<16x160x128xf32, #tpu.memory_space<hbm>> -> memref<1x1x128xf32, #tpu.memory_space<hbm>>
    %dma_wait3A_76 = tpu.memref_squeeze %dma_wait3A_75 : memref<1x1x128xf32, #tpu.memory_space<hbm>> -> memref<128xf32, #tpu.memory_space<hbm>>
    tpu.wait_dma2 semaphore(%arg18 : memref<!tpu.dma_semaphore, #tpu.memory_space<semaphore_mem>>) src(%dma_wait3A_76 : memref<128xf32, #tpu.memory_space<hbm>>) dst(%arg13 : memref<128xf32, #tpu.memory_space<vmem>>)
    %dma_start3A_77 = arith.constant 0 : i32
    %dma_start3A_78 = arith.constant 0 : i32
    %dma_start3A_79 = tpu.memref_slice %arg7[%dma_start3A_77, %dma_start3A_78] : memref<10240x64xf32, #tpu.memory_space<vmem_shared>> -> memref<10240x64xf32, #tpu.memory_space<vmem_shared>>
    tpu.enqueue_indirect_dma source(%dma_start3A_79 : memref<10240x64xf32, #tpu.memory_space<vmem_shared>>) target(%arg15 : memref<128x64xf32, #tpu.memory_space<vmem>>) offsets(%arg9 : memref<128xi32, #tpu.memory_space<vmem>>) semaphore(%arg20 : memref<!tpu.dma_semaphore, #tpu.memory_space<semaphore_mem>>)
    %dma_start3A_80 = arith.constant 1 : i32
    %dma_start3A_81 = arith.constant 0 : i32
    %dma_start3A_82 = tpu.memref_slice %arg3[%arg1, %dma_start3A_80, %dma_start3A_81] : memref<16x160x128xi32, #tpu.memory_space<hbm>> -> memref<1x1x128xi32, #tpu.memory_space<hbm>>
    %dma_start3A_83 = tpu.memref_squeeze %dma_start3A_82 : memref<1x1x128xi32, #tpu.memory_space<hbm>> -> memref<128xi32, #tpu.memory_space<hbm>>
    %dma_start3A_84 = arith.constant 0 : i32
    %dma_start3A_85 = tpu.memref_slice %arg3[%arg1, %dma_start3A_80, %dma_start3A_84] : memref<16x160x128xi32, #tpu.memory_space<hbm>> -> memref<1x1x128xi32, #tpu.memory_space<hbm>>
    %dma_start3A_86 = tpu.memref_squeeze %dma_start3A_85 : memref<1x1x128xi32, #tpu.memory_space<hbm>> -> memref<128xi32, #tpu.memory_space<hbm>>
    tpu.enqueue_dma source(%dma_start3A_86 : memref<128xi32, #tpu.memory_space<hbm>>) target(%arg10 : memref<128xi32, #tpu.memory_space<vmem>>) target_semaphore(%arg19 : memref<!tpu.dma_semaphore, #tpu.memory_space<semaphore_mem>>)
    %dma_start3A_87 = arith.constant 1 : i32
    %dma_start3A_88 = arith.constant 0 : i32
    %dma_start3A_89 = tpu.memref_slice %arg4[%arg1, %dma_start3A_87, %dma_start3A_88] : memref<16x160x128xi32, #tpu.memory_space<hbm>> -> memref<1x1x128xi32, #tpu.memory_space<hbm>>
    %dma_start3A_90 = tpu.memref_squeeze %dma_start3A_89 : memref<1x1x128xi32, #tpu.memory_space<hbm>> -> memref<128xi32, #tpu.memory_space<hbm>>
    %dma_start3A_91 = arith.constant 0 : i32
    %dma_start3A_92 = tpu.memref_slice %arg4[%arg1, %dma_start3A_87, %dma_start3A_91] : memref<16x160x128xi32, #tpu.memory_space<hbm>> -> memref<1x1x128xi32, #tpu.memory_space<hbm>>
    %dma_start3A_93 = tpu.memref_squeeze %dma_start3A_92 : memref<1x1x128xi32, #tpu.memory_space<hbm>> -> memref<128xi32, #tpu.memory_space<hbm>>
    tpu.enqueue_dma source(%dma_start3A_93 : memref<128xi32, #tpu.memory_space<hbm>>) target(%arg12 : memref<128xi32, #tpu.memory_space<vmem>>) target_semaphore(%arg19 : memref<!tpu.dma_semaphore, #tpu.memory_space<semaphore_mem>>)
    %dma_start3A_94 = arith.constant 1 : i32
    %dma_start3A_95 = arith.constant 0 : i32
    %dma_start3A_96 = tpu.memref_slice %arg5[%arg1, %dma_start3A_94, %dma_start3A_95] : memref<16x160x128xf32, #tpu.memory_space<hbm>> -> memref<1x1x128xf32, #tpu.memory_space<hbm>>
    %dma_start3A_97 = tpu.memref_squeeze %dma_start3A_96 : memref<1x1x128xf32, #tpu.memory_space<hbm>> -> memref<128xf32, #tpu.memory_space<hbm>>
    %dma_start3A_98 = arith.constant 0 : i32
    %dma_start3A_99 = tpu.memref_slice %arg5[%arg1, %dma_start3A_94, %dma_start3A_98] : memref<16x160x128xf32, #tpu.memory_space<hbm>> -> memref<1x1x128xf32, #tpu.memory_space<hbm>>
    %dma_start3A_100 = tpu.memref_squeeze %dma_start3A_99 : memref<1x1x128xf32, #tpu.memory_space<hbm>> -> memref<128xf32, #tpu.memory_space<hbm>>
    tpu.enqueue_dma source(%dma_start3A_100 : memref<128xf32, #tpu.memory_space<hbm>>) target(%arg14 : memref<128xf32, #tpu.memory_space<vmem>>) target_semaphore(%arg19 : memref<!tpu.dma_semaphore, #tpu.memory_space<semaphore_mem>>)
    %scan3A_101 = arith.constant 0 : i32
    %scan3A_102 = arith.constant 79 : i32
    %scan3A_103 = arith.addi %scan3A_101, %scan3A_102 : i32
    %scan3A_104 = arith.constant 1 : i32
    scf.for %scan3A_151 = %scan3A_101 to %scan3A_103 step %scan3A_104  : i32 {
      %mul3A_152 = arith.constant 2 : i32
      %mul3A_153 = arith.muli %mul3A_152, %scan3A_151 : i32
      %add3A_154 = arith.constant 1 : i32
      %add3A_155 = arith.addi %mul3A_153, %add3A_154 : i32
      %dma_wait3A_156 = arith.constant 0 : i32
      %dma_wait3A_157 = tpu.memref_slice %arg3[%arg1, %add3A_155, %dma_wait3A_156] : memref<16x160x128xi32, #tpu.memory_space<hbm>> -> memref<1x1x128xi32, #tpu.memory_space<hbm>>
      %dma_wait3A_158 = tpu.memref_squeeze %dma_wait3A_157 : memref<1x1x128xi32, #tpu.memory_space<hbm>> -> memref<128xi32, #tpu.memory_space<hbm>>
      %dma_wait3A_159 = arith.constant 0 : i32
      %dma_wait3A_160 = tpu.memref_slice %arg3[%arg1, %add3A_155, %dma_wait3A_159] : memref<16x160x128xi32, #tpu.memory_space<hbm>> -> memref<1x1x128xi32, #tpu.memory_space<hbm>>
      %dma_wait3A_161 = tpu.memref_squeeze %dma_wait3A_160 : memref<1x1x128xi32, #tpu.memory_space<hbm>> -> memref<128xi32, #tpu.memory_space<hbm>>
      tpu.wait_dma2 semaphore(%arg19 : memref<!tpu.dma_semaphore, #tpu.memory_space<semaphore_mem>>) src(%dma_wait3A_161 : memref<128xi32, #tpu.memory_space<hbm>>) dst(%arg10 : memref<128xi32, #tpu.memory_space<vmem>>)
      %dma_wait3A_162 = arith.constant 0 : i32
      %dma_wait3A_163 = tpu.memref_slice %arg4[%arg1, %add3A_155, %dma_wait3A_162] : memref<16x160x128xi32, #tpu.memory_space<hbm>> -> memref<1x1x128xi32, #tpu.memory_space<hbm>>
      %dma_wait3A_164 = tpu.memref_squeeze %dma_wait3A_163 : memref<1x1x128xi32, #tpu.memory_space<hbm>> -> memref<128xi32, #tpu.memory_space<hbm>>
      %dma_wait3A_165 = arith.constant 0 : i32
      %dma_wait3A_166 = tpu.memref_slice %arg4[%arg1, %add3A_155, %dma_wait3A_165] : memref<16x160x128xi32, #tpu.memory_space<hbm>> -> memref<1x1x128xi32, #tpu.memory_space<hbm>>
      %dma_wait3A_167 = tpu.memref_squeeze %dma_wait3A_166 : memref<1x1x128xi32, #tpu.memory_space<hbm>> -> memref<128xi32, #tpu.memory_space<hbm>>
      tpu.wait_dma2 semaphore(%arg19 : memref<!tpu.dma_semaphore, #tpu.memory_space<semaphore_mem>>) src(%dma_wait3A_167 : memref<128xi32, #tpu.memory_space<hbm>>) dst(%arg12 : memref<128xi32, #tpu.memory_space<vmem>>)
      %dma_wait3A_168 = arith.constant 0 : i32
      %dma_wait3A_169 = tpu.memref_slice %arg5[%arg1, %add3A_155, %dma_wait3A_168] : memref<16x160x128xf32, #tpu.memory_space<hbm>> -> memref<1x1x128xf32, #tpu.memory_space<hbm>>
      %dma_wait3A_170 = tpu.memref_squeeze %dma_wait3A_169 : memref<1x1x128xf32, #tpu.memory_space<hbm>> -> memref<128xf32, #tpu.memory_space<hbm>>
      %dma_wait3A_171 = arith.constant 0 : i32
      %dma_wait3A_172 = tpu.memref_slice %arg5[%arg1, %add3A_155, %dma_wait3A_171] : memref<16x160x128xf32, #tpu.memory_space<hbm>> -> memref<1x1x128xf32, #tpu.memory_space<hbm>>
      %dma_wait3A_173 = tpu.memref_squeeze %dma_wait3A_172 : memref<1x1x128xf32, #tpu.memory_space<hbm>> -> memref<128xf32, #tpu.memory_space<hbm>>
      tpu.wait_dma2 semaphore(%arg19 : memref<!tpu.dma_semaphore, #tpu.memory_space<semaphore_mem>>) src(%dma_wait3A_173 : memref<128xf32, #tpu.memory_space<hbm>>) dst(%arg14 : memref<128xf32, #tpu.memory_space<vmem>>)
      %dma_wait3A_174 = arith.constant 0 : i32
      %dma_wait3A_175 = arith.constant 0 : i32
      %dma_wait3A_176 = tpu.memref_slice %arg7[%dma_wait3A_174, %dma_wait3A_175] : memref<10240x64xf32, #tpu.memory_space<vmem_shared>> -> memref<10240x64xf32, #tpu.memory_space<vmem_shared>>
      tpu.wait_indirect_dma semaphore(%arg20 : memref<!tpu.dma_semaphore, #tpu.memory_space<semaphore_mem>>) src(%dma_wait3A_176 : memref<10240x64xf32, #tpu.memory_space<vmem_shared>>) dst(%arg15 : memref<128x64xf32, #tpu.memory_space<vmem>>)
      %dma_start3A_177 = arith.constant 0 : i32
      %dma_start3A_178 = arith.constant 0 : i32
      %dma_start3A_179 = tpu.memref_slice %arg7[%dma_start3A_177, %dma_start3A_178] : memref<10240x64xf32, #tpu.memory_space<vmem_shared>> -> memref<10240x64xf32, #tpu.memory_space<vmem_shared>>
      tpu.enqueue_indirect_dma source(%dma_start3A_179 : memref<10240x64xf32, #tpu.memory_space<vmem_shared>>) target(%arg16 : memref<128x64xf32, #tpu.memory_space<vmem>>) offsets(%arg10 : memref<128xi32, #tpu.memory_space<vmem>>) semaphore(%arg20 : memref<!tpu.dma_semaphore, #tpu.memory_space<semaphore_mem>>)
      %scan3A_180 = arith.constant 0 : i32
      %scan3A_181 = arith.constant 128 : i32
      %scan3A_182 = arith.addi %scan3A_180, %scan3A_181 : i32
      %scan3A_183 = arith.constant 1 : i32
      scf.for %scan3A_256 = %scan3A_180 to %scan3A_182 step %scan3A_183  : i32 {
        %and3A = arith.constant -16 : i32
        %and3A_257 = arith.andi %scan3A_256, %and3A : i32
        %get3A = arith.index_cast %and3A_257 : i32 to index
        %get3A_258 = tpu.vector_load %arg13[%get3A] {strides = array<i32>} : memref<128xf32, #tpu.memory_space<vmem>>, vector<16xf32>,
        %get3A_259 = vector.shape_cast %get3A_258 : vector<16xf32> to vector<16xf32>
        %and3A_260 = arith.constant 15 : i32
        %and3A_261 = arith.andi %scan3A_256, %and3A_260 : i32
        %broadcast_in_dim3A_262 = vector.broadcast %and3A_261 : i32 to vector<16x1xi32>
        %gather3A = vector.shape_cast %broadcast_in_dim3A_262 : vector<16x1xi32> to vector<16xi32>
        %gather3A_263 = tpu.dynamic_gather %get3A_259[%gather3A] in [0] : vector<16xf32>, vector<16xi32> -> vector<16xf32>
        %get3A_264 = arith.index_cast %scan3A_256 : i32 to index
        %get3A_265 = arith.constant 0 : index
        %get3A_266 = tpu.vector_load %arg15[%get3A_264, %get3A_265] {strides = array<i32>} : memref<128x64xf32, #tpu.memory_space<vmem>>, vector<1x16xf32>,
        %get3A_267 = vector.shape_cast %get3A_266 : vector<1x16xf32> to vector<16xf32>
        %mul3A_268 = arith.mulf %get3A_267, %gather3A_263 : vector<16xf32>
        %swap3A = arith.index_cast %scan3A_256 : i32 to index
        %swap3A_269 = arith.constant 0 : index
        %swap3A_270 = tpu.vector_load %arg15[%swap3A, %swap3A_269] {strides = array<i32>} : memref<128x64xf32, #tpu.memory_space<vmem>>, vector<1x16xf32>,
        %swap3A_271 = vector.shape_cast %swap3A_270 : vector<1x16xf32> to vector<16xf32>
        %swap3A_272 = vector.shape_cast %mul3A_268 : vector<16xf32> to vector<1x16xf32>
        tpu.vector_store %arg15[%swap3A, %swap3A_269], %swap3A_272 {strides = array<i32>} : memref<128x64xf32, #tpu.memory_space<vmem>>, vector<1x16xf32>,
        %get3A_273 = arith.index_cast %scan3A_256 : i32 to index
        %get3A_274 = arith.constant 16 : index
        %get3A_275 = tpu.vector_load %arg15[%get3A_273, %get3A_274] {strides = array<i32>} : memref<128x64xf32, #tpu.memory_space<vmem>>, vector<1x16xf32>,
        %get3A_276 = vector.shape_cast %get3A_275 : vector<1x16xf32> to vector<16xf32>
        %mul3A_277 = arith.mulf %get3A_276, %gather3A_263 : vector<16xf32>
        %swap3A_278 = arith.index_cast %scan3A_256 : i32 to index
        %swap3A_279 = arith.constant 16 : index
        %swap3A_280 = tpu.vector_load %arg15[%swap3A_278, %swap3A_279] {strides = array<i32>} : memref<128x64xf32, #tpu.memory_space<vmem>>, vector<1x16xf32>,
        %swap3A_281 = vector.shape_cast %swap3A_280 : vector<1x16xf32> to vector<16xf32>
        %swap3A_282 = vector.shape_cast %mul3A_277 : vector<16xf32> to vector<1x16xf32>
        tpu.vector_store %arg15[%swap3A_278, %swap3A_279], %swap3A_282 {strides = array<i32>} : memref<128x64xf32, #tpu.memory_space<vmem>>, vector<1x16xf32>,
        %get3A_283 = arith.index_cast %scan3A_256 : i32 to index
        %get3A_284 = arith.constant 32 : index
        %get3A_285 = tpu.vector_load %arg15[%get3A_283, %get3A_284] {strides = array<i32>} : memref<128x64xf32, #tpu.memory_space<vmem>>, vector<1x16xf32>,
        %get3A_286 = vector.shape_cast %get3A_285 : vector<1x16xf32> to vector<16xf32>
        %mul3A_287 = arith.mulf %get3A_286, %gather3A_263 : vector<16xf32>
        %swap3A_288 = arith.index_cast %scan3A_256 : i32 to index
        %swap3A_289 = arith.constant 32 : index
        %swap3A_290 = tpu.vector_load %arg15[%swap3A_288, %swap3A_289] {strides = array<i32>} : memref<128x64xf32, #tpu.memory_space<vmem>>, vector<1x16xf32>,
        %swap3A_291 = vector.shape_cast %swap3A_290 : vector<1x16xf32> to vector<16xf32>
        %swap3A_292 = vector.shape_cast %mul3A_287 : vector<16xf32> to vector<1x16xf32>
        tpu.vector_store %arg15[%swap3A_288, %swap3A_289], %swap3A_292 {strides = array<i32>} : memref<128x64xf32, #tpu.memory_space<vmem>>, vector<1x16xf32>,
        %get3A_293 = arith.index_cast %scan3A_256 : i32 to index
        %get3A_294 = arith.constant 48 : index
        %get3A_295 = tpu.vector_load %arg15[%get3A_293, %get3A_294] {strides = array<i32>} : memref<128x64xf32, #tpu.memory_space<vmem>>, vector<1x16xf32>,
        %get3A_296 = vector.shape_cast %get3A_295 : vector<1x16xf32> to vector<16xf32>
        %mul3A_297 = arith.mulf %get3A_296, %gather3A_263 : vector<16xf32>
        %swap3A_298 = arith.index_cast %scan3A_256 : i32 to index
        %swap3A_299 = arith.constant 48 : index
        %swap3A_300 = tpu.vector_load %arg15[%swap3A_298, %swap3A_299] {strides = array<i32>} : memref<128x64xf32, #tpu.memory_space<vmem>>, vector<1x16xf32>,
        %swap3A_301 = vector.shape_cast %swap3A_300 : vector<1x16xf32> to vector<16xf32>
        %swap3A_302 = vector.shape_cast %mul3A_297 : vector<16xf32> to vector<1x16xf32>
        tpu.vector_store %arg15[%swap3A_298, %swap3A_299], %swap3A_302 {strides = array<i32>} : memref<128x64xf32, #tpu.memory_space<vmem>>, vector<1x16xf32>,
      }
      %scan3A_184 = arith.constant 128 : i32
      "tpu.region"() ({
        %run_scoped3A = tpu.sem_alloc : memref<!tpu.dma_semaphore, #tpu.memory_space<semaphore_mem>>
        %dma_start3A_256 = arith.constant 0 : i32
        %dma_start3A_257 = arith.constant 0 : i32
        %dma_start3A_258 = tpu.memref_slice %arg8[%dma_start3A_256, %dma_start3A_257] : memref<10240x64xf32, #tpu.memory_space<vmem_shared>> -> memref<10240x64xf32, #tpu.memory_space<vmem_shared>>
        tpu.enqueue_indirect_dma source(%arg15 : memref<128x64xf32, #tpu.memory_space<vmem>>) target(%dma_start3A_258 : memref<10240x64xf32, #tpu.memory_space<vmem_shared>>) offsets(%arg11 : memref<128xi32, #tpu.memory_space<vmem>>) semaphore(%run_scoped3A : memref<!tpu.dma_semaphore, #tpu.memory_space<semaphore_mem>>) {add = true}
        %dma_wait3A_259 = arith.constant 0 : i32
        %dma_wait3A_260 = arith.constant 0 : i32
        %dma_wait3A_261 = tpu.memref_slice %arg8[%dma_wait3A_259, %dma_wait3A_260] : memref<10240x64xf32, #tpu.memory_space<vmem_shared>> -> memref<10240x64xf32, #tpu.memory_space<vmem_shared>>
        tpu.wait_indirect_dma semaphore(%run_scoped3A : memref<!tpu.dma_semaphore, #tpu.memory_space<semaphore_mem>>) src(%arg15 : memref<128x64xf32, #tpu.memory_space<vmem>>) dst(%dma_wait3A_261 : memref<10240x64xf32, #tpu.memory_space<vmem_shared>>)
        tpu.yield
      }) : () -> ()
      %add3A_185 = arith.constant 2 : i32
      %add3A_186 = arith.addi %mul3A_153, %add3A_185 : i32
      %dma_start3A_187 = arith.constant 0 : i32
      %dma_start3A_188 = tpu.memref_slice %arg3[%arg1, %add3A_186, %dma_start3A_187] : memref<16x160x128xi32, #tpu.memory_space<hbm>> -> memref<1x1x128xi32, #tpu.memory_space<hbm>>
      %dma_start3A_189 = tpu.memref_squeeze %dma_start3A_188 : memref<1x1x128xi32, #tpu.memory_space<hbm>> -> memref<128xi32, #tpu.memory_space<hbm>>
      %dma_start3A_190 = arith.constant 0 : i32
      %dma_start3A_191 = tpu.memref_slice %arg3[%arg1, %add3A_186, %dma_start3A_190] : memref<16x160x128xi32, #tpu.memory_space<hbm>> -> memref<1x1x128xi32, #tpu.memory_space<hbm>>
      %dma_start3A_192 = tpu.memref_squeeze %dma_start3A_191 : memref<1x1x128xi32, #tpu.memory_space<hbm>> -> memref<128xi32, #tpu.memory_space<hbm>>
      tpu.enqueue_dma source(%dma_start3A_192 : memref<128xi32, #tpu.memory_space<hbm>>) target(%arg9 : memref<128xi32, #tpu.memory_space<vmem>>) target_semaphore(%arg18 : memref<!tpu.dma_semaphore, #tpu.memory_space<semaphore_mem>>)
      %dma_start3A_193 = arith.constant 0 : i32
      %dma_start3A_194 = tpu.memref_slice %arg4[%arg1, %add3A_186, %dma_start3A_193] : memref<16x160x128xi32, #tpu.memory_space<hbm>> -> memref<1x1x128xi32, #tpu.memory_space<hbm>>
      %dma_start3A_195 = tpu.memref_squeeze %dma_start3A_194 : memref<1x1x128xi32, #tpu.memory_space<hbm>> -> memref<128xi32, #tpu.memory_space<hbm>>
      %dma_start3A_196 = arith.constant 0 : i32
      %dma_start3A_197 = tpu.memref_slice %arg4[%arg1, %add3A_186, %dma_start3A_196] : memref<16x160x128xi32, #tpu.memory_space<hbm>> -> memref<1x1x128xi32, #tpu.memory_space<hbm>>
      %dma_start3A_198 = tpu.memref_squeeze %dma_start3A_197 : memref<1x1x128xi32, #tpu.memory_space<hbm>> -> memref<128xi32, #tpu.memory_space<hbm>>
      tpu.enqueue_dma source(%dma_start3A_198 : memref<128xi32, #tpu.memory_space<hbm>>) target(%arg11 : memref<128xi32, #tpu.memory_space<vmem>>) target_semaphore(%arg18 : memref<!tpu.dma_semaphore, #tpu.memory_space<semaphore_mem>>)
      %dma_start3A_199 = arith.constant 0 : i32
      %dma_start3A_200 = tpu.memref_slice %arg5[%arg1, %add3A_186, %dma_start3A_199] : memref<16x160x128xf32, #tpu.memory_space<hbm>> -> memref<1x1x128xf32, #tpu.memory_space<hbm>>
      %dma_start3A_201 = tpu.memref_squeeze %dma_start3A_200 : memref<1x1x128xf32, #tpu.memory_space<hbm>> -> memref<128xf32, #tpu.memory_space<hbm>>
      %dma_start3A_202 = arith.constant 0 : i32
      %dma_start3A_203 = tpu.memref_slice %arg5[%arg1, %add3A_186, %dma_start3A_202] : memref<16x160x128xf32, #tpu.memory_space<hbm>> -> memref<1x1x128xf32, #tpu.memory_space<hbm>>
      %dma_start3A_204 = tpu.memref_squeeze %dma_start3A_203 : memref<1x1x128xf32, #tpu.memory_space<hbm>> -> memref<128xf32, #tpu.memory_space<hbm>>
      tpu.enqueue_dma source(%dma_start3A_204 : memref<128xf32, #tpu.memory_space<hbm>>) target(%arg13 : memref<128xf32, #tpu.memory_space<vmem>>) target_semaphore(%arg18 : memref<!tpu.dma_semaphore, #tpu.memory_space<semaphore_mem>>)
      %dma_wait3A_205 = arith.constant 0 : i32
      %dma_wait3A_206 = arith.constant 0 : i32
      %dma_wait3A_207 = tpu.memref_slice %arg7[%dma_wait3A_205, %dma_wait3A_206] : memref<10240x64xf32, #tpu.memory_space<vmem_shared>> -> memref<10240x64xf32, #tpu.memory_space<vmem_shared>>
      tpu.wait_indirect_dma semaphore(%arg20 : memref<!tpu.dma_semaphore, #tpu.memory_space<semaphore_mem>>) src(%dma_wait3A_207 : memref<10240x64xf32, #tpu.memory_space<vmem_shared>>) dst(%arg16 : memref<128x64xf32, #tpu.memory_space<vmem>>)
      %scan3A_208 = arith.constant 0 : i32
      %scan3A_209 = arith.constant 128 : i32
      %scan3A_210 = arith.addi %scan3A_208, %scan3A_209 : i32
      %scan3A_211 = arith.constant 1 : i32
      scf.for %scan3A_256 = %scan3A_208 to %scan3A_210 step %scan3A_211  : i32 {
        %and3A = arith.constant -16 : i32
        %and3A_257 = arith.andi %scan3A_256, %and3A : i32
        %get3A = arith.index_cast %and3A_257 : i32 to index
        %get3A_258 = tpu.vector_load %arg14[%get3A] {strides = array<i32>} : memref<128xf32, #tpu.memory_space<vmem>>, vector<16xf32>,
        %get3A_259 = vector.shape_cast %get3A_258 : vector<16xf32> to vector<16xf32>
        %and3A_260 = arith.constant 15 : i32
        %and3A_261 = arith.andi %scan3A_256, %and3A_260 : i32
        %broadcast_in_dim3A_262 = vector.broadcast %and3A_261 : i32 to vector<16x1xi32>
        %gather3A = vector.shape_cast %broadcast_in_dim3A_262 : vector<16x1xi32> to vector<16xi32>
        %gather3A_263 = tpu.dynamic_gather %get3A_259[%gather3A] in [0] : vector<16xf32>, vector<16xi32> -> vector<16xf32>
        %get3A_264 = arith.index_cast %scan3A_256 : i32 to index
        %get3A_265 = arith.constant 0 : index
        %get3A_266 = tpu.vector_load %arg16[%get3A_264, %get3A_265] {strides = array<i32>} : memref<128x64xf32, #tpu.memory_space<vmem>>, vector<1x16xf32>,
        %get3A_267 = vector.shape_cast %get3A_266 : vector<1x16xf32> to vector<16xf32>
        %mul3A_268 = arith.mulf %get3A_267, %gather3A_263 : vector<16xf32>
        %swap3A = arith.index_cast %scan3A_256 : i32 to index
        %swap3A_269 = arith.constant 0 : index
        %swap3A_270 = tpu.vector_load %arg16[%swap3A, %swap3A_269] {strides = array<i32>} : memref<128x64xf32, #tpu.memory_space<vmem>>, vector<1x16xf32>,
        %swap3A_271 = vector.shape_cast %swap3A_270 : vector<1x16xf32> to vector<16xf32>
        %swap3A_272 = vector.shape_cast %mul3A_268 : vector<16xf32> to vector<1x16xf32>
        tpu.vector_store %arg16[%swap3A, %swap3A_269], %swap3A_272 {strides = array<i32>} : memref<128x64xf32, #tpu.memory_space<vmem>>, vector<1x16xf32>,
        %get3A_273 = arith.index_cast %scan3A_256 : i32 to index
        %get3A_274 = arith.constant 16 : index
        %get3A_275 = tpu.vector_load %arg16[%get3A_273, %get3A_274] {strides = array<i32>} : memref<128x64xf32, #tpu.memory_space<vmem>>, vector<1x16xf32>,
        %get3A_276 = vector.shape_cast %get3A_275 : vector<1x16xf32> to vector<16xf32>
        %mul3A_277 = arith.mulf %get3A_276, %gather3A_263 : vector<16xf32>
        %swap3A_278 = arith.index_cast %scan3A_256 : i32 to index
        %swap3A_279 = arith.constant 16 : index
        %swap3A_280 = tpu.vector_load %arg16[%swap3A_278, %swap3A_279] {strides = array<i32>} : memref<128x64xf32, #tpu.memory_space<vmem>>, vector<1x16xf32>,
        %swap3A_281 = vector.shape_cast %swap3A_280 : vector<1x16xf32> to vector<16xf32>
        %swap3A_282 = vector.shape_cast %mul3A_277 : vector<16xf32> to vector<1x16xf32>
        tpu.vector_store %arg16[%swap3A_278, %swap3A_279], %swap3A_282 {strides = array<i32>} : memref<128x64xf32, #tpu.memory_space<vmem>>, vector<1x16xf32>,
        %get3A_283 = arith.index_cast %scan3A_256 : i32 to index
        %get3A_284 = arith.constant 32 : index
        %get3A_285 = tpu.vector_load %arg16[%get3A_283, %get3A_284] {strides = array<i32>} : memref<128x64xf32, #tpu.memory_space<vmem>>, vector<1x16xf32>,
        %get3A_286 = vector.shape_cast %get3A_285 : vector<1x16xf32> to vector<16xf32>
        %mul3A_287 = arith.mulf %get3A_286, %gather3A_263 : vector<16xf32>
        %swap3A_288 = arith.index_cast %scan3A_256 : i32 to index
        %swap3A_289 = arith.constant 32 : index
        %swap3A_290 = tpu.vector_load %arg16[%swap3A_288, %swap3A_289] {strides = array<i32>} : memref<128x64xf32, #tpu.memory_space<vmem>>, vector<1x16xf32>,
        %swap3A_291 = vector.shape_cast %swap3A_290 : vector<1x16xf32> to vector<16xf32>
        %swap3A_292 = vector.shape_cast %mul3A_287 : vector<16xf32> to vector<1x16xf32>
        tpu.vector_store %arg16[%swap3A_288, %swap3A_289], %swap3A_292 {strides = array<i32>} : memref<128x64xf32, #tpu.memory_space<vmem>>, vector<1x16xf32>,
        %get3A_293 = arith.index_cast %scan3A_256 : i32 to index
        %get3A_294 = arith.constant 48 : index
        %get3A_295 = tpu.vector_load %arg16[%get3A_293, %get3A_294] {strides = array<i32>} : memref<128x64xf32, #tpu.memory_space<vmem>>, vector<1x16xf32>,
        %get3A_296 = vector.shape_cast %get3A_295 : vector<1x16xf32> to vector<16xf32>
        %mul3A_297 = arith.mulf %get3A_296, %gather3A_263 : vector<16xf32>
        %swap3A_298 = arith.index_cast %scan3A_256 : i32 to index
        %swap3A_299 = arith.constant 48 : index
        %swap3A_300 = tpu.vector_load %arg16[%swap3A_298, %swap3A_299] {strides = array<i32>} : memref<128x64xf32, #tpu.memory_space<vmem>>, vector<1x16xf32>,
        %swap3A_301 = vector.shape_cast %swap3A_300 : vector<1x16xf32> to vector<16xf32>
        %swap3A_302 = vector.shape_cast %mul3A_297 : vector<16xf32> to vector<1x16xf32>
        tpu.vector_store %arg16[%swap3A_298, %swap3A_299], %swap3A_302 {strides = array<i32>} : memref<128x64xf32, #tpu.memory_space<vmem>>, vector<1x16xf32>,
      }
      %scan3A_212 = arith.constant 128 : i32
      %add3A_213 = arith.constant 2 : i32
      %add3A_214 = arith.addi %mul3A_153, %add3A_213 : i32
      %dma_wait3A_215 = arith.constant 0 : i32
      %dma_wait3A_216 = tpu.memref_slice %arg3[%arg1, %add3A_214, %dma_wait3A_215] : memref<16x160x128xi32, #tpu.memory_space<hbm>> -> memref<1x1x128xi32, #tpu.memory_space<hbm>>
      %dma_wait3A_217 = tpu.memref_squeeze %dma_wait3A_216 : memref<1x1x128xi32, #tpu.memory_space<hbm>> -> memref<128xi32, #tpu.memory_space<hbm>>
      %dma_wait3A_218 = arith.constant 0 : i32
      %dma_wait3A_219 = tpu.memref_slice %arg3[%arg1, %add3A_214, %dma_wait3A_218] : memref<16x160x128xi32, #tpu.memory_space<hbm>> -> memref<1x1x128xi32, #tpu.memory_space<hbm>>
      %dma_wait3A_220 = tpu.memref_squeeze %dma_wait3A_219 : memref<1x1x128xi32, #tpu.memory_space<hbm>> -> memref<128xi32, #tpu.memory_space<hbm>>
      tpu.wait_dma2 semaphore(%arg18 : memref<!tpu.dma_semaphore, #tpu.memory_space<semaphore_mem>>) src(%dma_wait3A_220 : memref<128xi32, #tpu.memory_space<hbm>>) dst(%arg9 : memref<128xi32, #tpu.memory_space<vmem>>)
      %dma_wait3A_221 = arith.constant 0 : i32
      %dma_wait3A_222 = tpu.memref_slice %arg4[%arg1, %add3A_214, %dma_wait3A_221] : memref<16x160x128xi32, #tpu.memory_space<hbm>> -> memref<1x1x128xi32, #tpu.memory_space<hbm>>
      %dma_wait3A_223 = tpu.memref_squeeze %dma_wait3A_222 : memref<1x1x128xi32, #tpu.memory_space<hbm>> -> memref<128xi32, #tpu.memory_space<hbm>>
      %dma_wait3A_224 = arith.constant 0 : i32
      %dma_wait3A_225 = tpu.memref_slice %arg4[%arg1, %add3A_214, %dma_wait3A_224] : memref<16x160x128xi32, #tpu.memory_space<hbm>> -> memref<1x1x128xi32, #tpu.memory_space<hbm>>
      %dma_wait3A_226 = tpu.memref_squeeze %dma_wait3A_225 : memref<1x1x128xi32, #tpu.memory_space<hbm>> -> memref<128xi32, #tpu.memory_space<hbm>>
      tpu.wait_dma2 semaphore(%arg18 : memref<!tpu.dma_semaphore, #tpu.memory_space<semaphore_mem>>) src(%dma_wait3A_226 : memref<128xi32, #tpu.memory_space<hbm>>) dst(%arg11 : memref<128xi32, #tpu.memory_space<vmem>>)
      %dma_wait3A_227 = arith.constant 0 : i32
      %dma_wait3A_228 = tpu.memref_slice %arg5[%arg1, %add3A_214, %dma_wait3A_227] : memref<16x160x128xf32, #tpu.memory_space<hbm>> -> memref<1x1x128xf32, #tpu.memory_space<hbm>>
      %dma_wait3A_229 = tpu.memref_squeeze %dma_wait3A_228 : memref<1x1x128xf32, #tpu.memory_space<hbm>> -> memref<128xf32, #tpu.memory_space<hbm>>
      %dma_wait3A_230 = arith.constant 0 : i32
      %dma_wait3A_231 = tpu.memref_slice %arg5[%arg1, %add3A_214, %dma_wait3A_230] : memref<16x160x128xf32, #tpu.memory_space<hbm>> -> memref<1x1x128xf32, #tpu.memory_space<hbm>>
      %dma_wait3A_232 = tpu.memref_squeeze %dma_wait3A_231 : memref<1x1x128xf32, #tpu.memory_space<hbm>> -> memref<128xf32, #tpu.memory_space<hbm>>
      tpu.wait_dma2 semaphore(%arg18 : memref<!tpu.dma_semaphore, #tpu.memory_space<semaphore_mem>>) src(%dma_wait3A_232 : memref<128xf32, #tpu.memory_space<hbm>>) dst(%arg13 : memref<128xf32, #tpu.memory_space<vmem>>)
      %dma_start3A_233 = arith.constant 0 : i32
      %dma_start3A_234 = arith.constant 0 : i32
      %dma_start3A_235 = tpu.memref_slice %arg7[%dma_start3A_233, %dma_start3A_234] : memref<10240x64xf32, #tpu.memory_space<vmem_shared>> -> memref<10240x64xf32, #tpu.memory_space<vmem_shared>>
      tpu.enqueue_indirect_dma source(%dma_start3A_235 : memref<10240x64xf32, #tpu.memory_space<vmem_shared>>) target(%arg15 : memref<128x64xf32, #tpu.memory_space<vmem>>) offsets(%arg9 : memref<128xi32, #tpu.memory_space<vmem>>) semaphore(%arg20 : memref<!tpu.dma_semaphore, #tpu.memory_space<semaphore_mem>>)
      "tpu.region"() ({
        %run_scoped3A = tpu.sem_alloc : memref<!tpu.dma_semaphore, #tpu.memory_space<semaphore_mem>>
        %dma_start3A_256 = arith.constant 0 : i32
        %dma_start3A_257 = arith.constant 0 : i32
        %dma_start3A_258 = tpu.memref_slice %arg8[%dma_start3A_256, %dma_start3A_257] : memref<10240x64xf32, #tpu.memory_space<vmem_shared>> -> memref<10240x64xf32, #tpu.memory_space<vmem_shared>>
        tpu.enqueue_indirect_dma source(%arg16 : memref<128x64xf32, #tpu.memory_space<vmem>>) target(%dma_start3A_258 : memref<10240x64xf32, #tpu.memory_space<vmem_shared>>) offsets(%arg12 : memref<128xi32, #tpu.memory_space<vmem>>) semaphore(%run_scoped3A : memref<!tpu.dma_semaphore, #tpu.memory_space<semaphore_mem>>) {add = true}
        %dma_wait3A_259 = arith.constant 0 : i32
        %dma_wait3A_260 = arith.constant 0 : i32
        %dma_wait3A_261 = tpu.memref_slice %arg8[%dma_wait3A_259, %dma_wait3A_260] : memref<10240x64xf32, #tpu.memory_space<vmem_shared>> -> memref<10240x64xf32, #tpu.memory_space<vmem_shared>>
        tpu.wait_indirect_dma semaphore(%run_scoped3A : memref<!tpu.dma_semaphore, #tpu.memory_space<semaphore_mem>>) src(%arg16 : memref<128x64xf32, #tpu.memory_space<vmem>>) dst(%dma_wait3A_261 : memref<10240x64xf32, #tpu.memory_space<vmem_shared>>)
        tpu.yield
      }) : () -> ()
      %add3A_236 = arith.constant 3 : i32
      %add3A_237 = arith.addi %mul3A_153, %add3A_236 : i32
      %dma_start3A_238 = arith.constant 0 : i32
      %dma_start3A_239 = tpu.memref_slice %arg3[%arg1, %add3A_237, %dma_start3A_238] : memref<16x160x128xi32, #tpu.memory_space<hbm>> -> memref<1x1x128xi32, #tpu.memory_space<hbm>>
      %dma_start3A_240 = tpu.memref_squeeze %dma_start3A_239 : memref<1x1x128xi32, #tpu.memory_space<hbm>> -> memref<128xi32, #tpu.memory_space<hbm>>
      %dma_start3A_241 = arith.constant 0 : i32
      %dma_start3A_242 = tpu.memref_slice %arg3[%arg1, %add3A_237, %dma_start3A_241] : memref<16x160x128xi32, #tpu.memory_space<hbm>> -> memref<1x1x128xi32, #tpu.memory_space<hbm>>
      %dma_start3A_243 = tpu.memref_squeeze %dma_start3A_242 : memref<1x1x128xi32, #tpu.memory_space<hbm>> -> memref<128xi32, #tpu.memory_space<hbm>>
      tpu.enqueue_dma source(%dma_start3A_243 : memref<128xi32, #tpu.memory_space<hbm>>) target(%arg10 : memref<128xi32, #tpu.memory_space<vmem>>) target_semaphore(%arg19 : memref<!tpu.dma_semaphore, #tpu.memory_space<semaphore_mem>>)
      %dma_start3A_244 = arith.constant 0 : i32
      %dma_start3A_245 = tpu.memref_slice %arg4[%arg1, %add3A_237, %dma_start3A_244] : memref<16x160x128xi32, #tpu.memory_space<hbm>> -> memref<1x1x128xi32, #tpu.memory_space<hbm>>
      %dma_start3A_246 = tpu.memref_squeeze %dma_start3A_245 : memref<1x1x128xi32, #tpu.memory_space<hbm>> -> memref<128xi32, #tpu.memory_space<hbm>>
      %dma_start3A_247 = arith.constant 0 : i32
      %dma_start3A_248 = tpu.memref_slice %arg4[%arg1, %add3A_237, %dma_start3A_247] : memref<16x160x128xi32, #tpu.memory_space<hbm>> -> memref<1x1x128xi32, #tpu.memory_space<hbm>>
      %dma_start3A_249 = tpu.memref_squeeze %dma_start3A_248 : memref<1x1x128xi32, #tpu.memory_space<hbm>> -> memref<128xi32, #tpu.memory_space<hbm>>
      tpu.enqueue_dma source(%dma_start3A_249 : memref<128xi32, #tpu.memory_space<hbm>>) target(%arg12 : memref<128xi32, #tpu.memory_space<vmem>>) target_semaphore(%arg19 : memref<!tpu.dma_semaphore, #tpu.memory_space<semaphore_mem>>)
      %dma_start3A_250 = arith.constant 0 : i32
      %dma_start3A_251 = tpu.memref_slice %arg5[%arg1, %add3A_237, %dma_start3A_250] : memref<16x160x128xf32, #tpu.memory_space<hbm>> -> memref<1x1x128xf32, #tpu.memory_space<hbm>>
      %dma_start3A_252 = tpu.memref_squeeze %dma_start3A_251 : memref<1x1x128xf32, #tpu.memory_space<hbm>> -> memref<128xf32, #tpu.memory_space<hbm>>
      %dma_start3A_253 = arith.constant 0 : i32
      %dma_start3A_254 = tpu.memref_slice %arg5[%arg1, %add3A_237, %dma_start3A_253] : memref<16x160x128xf32, #tpu.memory_space<hbm>> -> memref<1x1x128xf32, #tpu.memory_space<hbm>>
      %dma_start3A_255 = tpu.memref_squeeze %dma_start3A_254 : memref<1x1x128xf32, #tpu.memory_space<hbm>> -> memref<128xf32, #tpu.memory_space<hbm>>
      tpu.enqueue_dma source(%dma_start3A_255 : memref<128xf32, #tpu.memory_space<hbm>>) target(%arg14 : memref<128xf32, #tpu.memory_space<vmem>>) target_semaphore(%arg19 : memref<!tpu.dma_semaphore, #tpu.memory_space<semaphore_mem>>)
    }
    %scan3A_105 = arith.constant 79 : i32
    %dma_wait3A_106 = arith.constant 159 : i32
    %dma_wait3A_107 = arith.constant 0 : i32
    %dma_wait3A_108 = tpu.memref_slice %arg3[%arg1, %dma_wait3A_106, %dma_wait3A_107] : memref<16x160x128xi32, #tpu.memory_space<hbm>> -> memref<1x1x128xi32, #tpu.memory_space<hbm>>
    %dma_wait3A_109 = tpu.memref_squeeze %dma_wait3A_108 : memref<1x1x128xi32, #tpu.memory_space<hbm>> -> memref<128xi32, #tpu.memory_space<hbm>>
    %dma_wait3A_110 = arith.constant 0 : i32
    %dma_wait3A_111 = tpu.memref_slice %arg3[%arg1, %dma_wait3A_106, %dma_wait3A_110] : memref<16x160x128xi32, #tpu.memory_space<hbm>> -> memref<1x1x128xi32, #tpu.memory_space<hbm>>
    %dma_wait3A_112 = tpu.memref_squeeze %dma_wait3A_111 : memref<1x1x128xi32, #tpu.memory_space<hbm>> -> memref<128xi32, #tpu.memory_space<hbm>>
    tpu.wait_dma2 semaphore(%arg19 : memref<!tpu.dma_semaphore, #tpu.memory_space<semaphore_mem>>) src(%dma_wait3A_112 : memref<128xi32, #tpu.memory_space<hbm>>) dst(%arg10 : memref<128xi32, #tpu.memory_space<vmem>>)
    %dma_wait3A_113 = arith.constant 159 : i32
    %dma_wait3A_114 = arith.constant 0 : i32
    %dma_wait3A_115 = tpu.memref_slice %arg4[%arg1, %dma_wait3A_113, %dma_wait3A_114] : memref<16x160x128xi32, #tpu.memory_space<hbm>> -> memref<1x1x128xi32, #tpu.memory_space<hbm>>
    %dma_wait3A_116 = tpu.memref_squeeze %dma_wait3A_115 : memref<1x1x128xi32, #tpu.memory_space<hbm>> -> memref<128xi32, #tpu.memory_space<hbm>>
    %dma_wait3A_117 = arith.constant 0 : i32
    %dma_wait3A_118 = tpu.memref_slice %arg4[%arg1, %dma_wait3A_113, %dma_wait3A_117] : memref<16x160x128xi32, #tpu.memory_space<hbm>> -> memref<1x1x128xi32, #tpu.memory_space<hbm>>
    %dma_wait3A_119 = tpu.memref_squeeze %dma_wait3A_118 : memref<1x1x128xi32, #tpu.memory_space<hbm>> -> memref<128xi32, #tpu.memory_space<hbm>>
    tpu.wait_dma2 semaphore(%arg19 : memref<!tpu.dma_semaphore, #tpu.memory_space<semaphore_mem>>) src(%dma_wait3A_119 : memref<128xi32, #tpu.memory_space<hbm>>) dst(%arg12 : memref<128xi32, #tpu.memory_space<vmem>>)
    %dma_wait3A_120 = arith.constant 159 : i32
    %dma_wait3A_121 = arith.constant 0 : i32
    %dma_wait3A_122 = tpu.memref_slice %arg5[%arg1, %dma_wait3A_120, %dma_wait3A_121] : memref<16x160x128xf32, #tpu.memory_space<hbm>> -> memref<1x1x128xf32, #tpu.memory_space<hbm>>
    %dma_wait3A_123 = tpu.memref_squeeze %dma_wait3A_122 : memref<1x1x128xf32, #tpu.memory_space<hbm>> -> memref<128xf32, #tpu.memory_space<hbm>>
    %dma_wait3A_124 = arith.constant 0 : i32
    %dma_wait3A_125 = tpu.memref_slice %arg5[%arg1, %dma_wait3A_120, %dma_wait3A_124] : memref<16x160x128xf32, #tpu.memory_space<hbm>> -> memref<1x1x128xf32, #tpu.memory_space<hbm>>
    %dma_wait3A_126 = tpu.memref_squeeze %dma_wait3A_125 : memref<1x1x128xf32, #tpu.memory_space<hbm>> -> memref<128xf32, #tpu.memory_space<hbm>>
    tpu.wait_dma2 semaphore(%arg19 : memref<!tpu.dma_semaphore, #tpu.memory_space<semaphore_mem>>) src(%dma_wait3A_126 : memref<128xf32, #tpu.memory_space<hbm>>) dst(%arg14 : memref<128xf32, #tpu.memory_space<vmem>>)
    %dma_wait3A_127 = arith.constant 0 : i32
    %dma_wait3A_128 = arith.constant 0 : i32
    %dma_wait3A_129 = tpu.memref_slice %arg7[%dma_wait3A_127, %dma_wait3A_128] : memref<10240x64xf32, #tpu.memory_space<vmem_shared>> -> memref<10240x64xf32, #tpu.memory_space<vmem_shared>>
    tpu.wait_indirect_dma semaphore(%arg20 : memref<!tpu.dma_semaphore, #tpu.memory_space<semaphore_mem>>) src(%dma_wait3A_129 : memref<10240x64xf32, #tpu.memory_space<vmem_shared>>) dst(%arg15 : memref<128x64xf32, #tpu.memory_space<vmem>>)
    %dma_start3A_130 = arith.constant 0 : i32
    %dma_start3A_131 = arith.constant 0 : i32
    %dma_start3A_132 = tpu.memref_slice %arg7[%dma_start3A_130, %dma_start3A_131] : memref<10240x64xf32, #tpu.memory_space<vmem_shared>> -> memref<10240x64xf32, #tpu.memory_space<vmem_shared>>
    tpu.enqueue_indirect_dma source(%dma_start3A_132 : memref<10240x64xf32, #tpu.memory_space<vmem_shared>>) target(%arg16 : memref<128x64xf32, #tpu.memory_space<vmem>>) offsets(%arg10 : memref<128xi32, #tpu.memory_space<vmem>>) semaphore(%arg20 : memref<!tpu.dma_semaphore, #tpu.memory_space<semaphore_mem>>)
    %scan3A_133 = arith.constant 0 : i32
    %scan3A_134 = arith.constant 128 : i32
    %scan3A_135 = arith.addi %scan3A_133, %scan3A_134 : i32
    %scan3A_136 = arith.constant 1 : i32
    scf.for %scan3A_151 = %scan3A_133 to %scan3A_135 step %scan3A_136  : i32 {
      %and3A = arith.constant -16 : i32
      %and3A_152 = arith.andi %scan3A_151, %and3A : i32
      %get3A = arith.index_cast %and3A_152 : i32 to index
      %get3A_153 = tpu.vector_load %arg13[%get3A] {strides = array<i32>} : memref<128xf32, #tpu.memory_space<vmem>>, vector<16xf32>,
      %get3A_154 = vector.shape_cast %get3A_153 : vector<16xf32> to vector<16xf32>
      %and3A_155 = arith.constant 15 : i32
      %and3A_156 = arith.andi %scan3A_151, %and3A_155 : i32
      %broadcast_in_dim3A_157 = vector.broadcast %and3A_156 : i32 to vector<16x1xi32>
      %gather3A = vector.shape_cast %broadcast_in_dim3A_157 : vector<16x1xi32> to vector<16xi32>
      %gather3A_158 = tpu.dynamic_gather %get3A_154[%gather3A] in [0] : vector<16xf32>, vector<16xi32> -> vector<16xf32>
      %get3A_159 = arith.index_cast %scan3A_151 : i32 to index
      %get3A_160 = arith.constant 0 : index
      %get3A_161 = tpu.vector_load %arg15[%get3A_159, %get3A_160] {strides = array<i32>} : memref<128x64xf32, #tpu.memory_space<vmem>>, vector<1x16xf32>,
      %get3A_162 = vector.shape_cast %get3A_161 : vector<1x16xf32> to vector<16xf32>
      %mul3A_163 = arith.mulf %get3A_162, %gather3A_158 : vector<16xf32>
      %swap3A = arith.index_cast %scan3A_151 : i32 to index
      %swap3A_164 = arith.constant 0 : index
      %swap3A_165 = tpu.vector_load %arg15[%swap3A, %swap3A_164] {strides = array<i32>} : memref<128x64xf32, #tpu.memory_space<vmem>>, vector<1x16xf32>,
      %swap3A_166 = vector.shape_cast %swap3A_165 : vector<1x16xf32> to vector<16xf32>
      %swap3A_167 = vector.shape_cast %mul3A_163 : vector<16xf32> to vector<1x16xf32>
      tpu.vector_store %arg15[%swap3A, %swap3A_164], %swap3A_167 {strides = array<i32>} : memref<128x64xf32, #tpu.memory_space<vmem>>, vector<1x16xf32>,
      %get3A_168 = arith.index_cast %scan3A_151 : i32 to index
      %get3A_169 = arith.constant 16 : index
      %get3A_170 = tpu.vector_load %arg15[%get3A_168, %get3A_169] {strides = array<i32>} : memref<128x64xf32, #tpu.memory_space<vmem>>, vector<1x16xf32>,
      %get3A_171 = vector.shape_cast %get3A_170 : vector<1x16xf32> to vector<16xf32>
      %mul3A_172 = arith.mulf %get3A_171, %gather3A_158 : vector<16xf32>
      %swap3A_173 = arith.index_cast %scan3A_151 : i32 to index
      %swap3A_174 = arith.constant 16 : index
      %swap3A_175 = tpu.vector_load %arg15[%swap3A_173, %swap3A_174] {strides = array<i32>} : memref<128x64xf32, #tpu.memory_space<vmem>>, vector<1x16xf32>,
      %swap3A_176 = vector.shape_cast %swap3A_175 : vector<1x16xf32> to vector<16xf32>
      %swap3A_177 = vector.shape_cast %mul3A_172 : vector<16xf32> to vector<1x16xf32>
      tpu.vector_store %arg15[%swap3A_173, %swap3A_174], %swap3A_177 {strides = array<i32>} : memref<128x64xf32, #tpu.memory_space<vmem>>, vector<1x16xf32>,
      %get3A_178 = arith.index_cast %scan3A_151 : i32 to index
      %get3A_179 = arith.constant 32 : index
      %get3A_180 = tpu.vector_load %arg15[%get3A_178, %get3A_179] {strides = array<i32>} : memref<128x64xf32, #tpu.memory_space<vmem>>, vector<1x16xf32>,
      %get3A_181 = vector.shape_cast %get3A_180 : vector<1x16xf32> to vector<16xf32>
      %mul3A_182 = arith.mulf %get3A_181, %gather3A_158 : vector<16xf32>
      %swap3A_183 = arith.index_cast %scan3A_151 : i32 to index
      %swap3A_184 = arith.constant 32 : index
      %swap3A_185 = tpu.vector_load %arg15[%swap3A_183, %swap3A_184] {strides = array<i32>} : memref<128x64xf32, #tpu.memory_space<vmem>>, vector<1x16xf32>,
      %swap3A_186 = vector.shape_cast %swap3A_185 : vector<1x16xf32> to vector<16xf32>
      %swap3A_187 = vector.shape_cast %mul3A_182 : vector<16xf32> to vector<1x16xf32>
      tpu.vector_store %arg15[%swap3A_183, %swap3A_184], %swap3A_187 {strides = array<i32>} : memref<128x64xf32, #tpu.memory_space<vmem>>, vector<1x16xf32>,
      %get3A_188 = arith.index_cast %scan3A_151 : i32 to index
      %get3A_189 = arith.constant 48 : index
      %get3A_190 = tpu.vector_load %arg15[%get3A_188, %get3A_189] {strides = array<i32>} : memref<128x64xf32, #tpu.memory_space<vmem>>, vector<1x16xf32>,
      %get3A_191 = vector.shape_cast %get3A_190 : vector<1x16xf32> to vector<16xf32>
      %mul3A_192 = arith.mulf %get3A_191, %gather3A_158 : vector<16xf32>
      %swap3A_193 = arith.index_cast %scan3A_151 : i32 to index
      %swap3A_194 = arith.constant 48 : index
      %swap3A_195 = tpu.vector_load %arg15[%swap3A_193, %swap3A_194] {strides = array<i32>} : memref<128x64xf32, #tpu.memory_space<vmem>>, vector<1x16xf32>,
      %swap3A_196 = vector.shape_cast %swap3A_195 : vector<1x16xf32> to vector<16xf32>
      %swap3A_197 = vector.shape_cast %mul3A_192 : vector<16xf32> to vector<1x16xf32>
      tpu.vector_store %arg15[%swap3A_193, %swap3A_194], %swap3A_197 {strides = array<i32>} : memref<128x64xf32, #tpu.memory_space<vmem>>, vector<1x16xf32>,
    }
    %scan3A_137 = arith.constant 128 : i32
    "tpu.region"() ({
      %run_scoped3A = tpu.sem_alloc : memref<!tpu.dma_semaphore, #tpu.memory_space<semaphore_mem>>
      %dma_start3A_151 = arith.constant 0 : i32
      %dma_start3A_152 = arith.constant 0 : i32
      %dma_start3A_153 = tpu.memref_slice %arg8[%dma_start3A_151, %dma_start3A_152] : memref<10240x64xf32, #tpu.memory_space<vmem_shared>> -> memref<10240x64xf32, #tpu.memory_space<vmem_shared>>
      tpu.enqueue_indirect_dma source(%arg15 : memref<128x64xf32, #tpu.memory_space<vmem>>) target(%dma_start3A_153 : memref<10240x64xf32, #tpu.memory_space<vmem_shared>>) offsets(%arg11 : memref<128xi32, #tpu.memory_space<vmem>>) semaphore(%run_scoped3A : memref<!tpu.dma_semaphore, #tpu.memory_space<semaphore_mem>>) {add = true}
      %dma_wait3A_154 = arith.constant 0 : i32
      %dma_wait3A_155 = arith.constant 0 : i32
      %dma_wait3A_156 = tpu.memref_slice %arg8[%dma_wait3A_154, %dma_wait3A_155] : memref<10240x64xf32, #tpu.memory_space<vmem_shared>> -> memref<10240x64xf32, #tpu.memory_space<vmem_shared>>
      tpu.wait_indirect_dma semaphore(%run_scoped3A : memref<!tpu.dma_semaphore, #tpu.memory_space<semaphore_mem>>) src(%arg15 : memref<128x64xf32, #tpu.memory_space<vmem>>) dst(%dma_wait3A_156 : memref<10240x64xf32, #tpu.memory_space<vmem_shared>>)
      tpu.yield
    }) : () -> ()
    %dma_wait3A_138 = arith.constant 0 : i32
    %dma_wait3A_139 = arith.constant 0 : i32
    %dma_wait3A_140 = tpu.memref_slice %arg7[%dma_wait3A_138, %dma_wait3A_139] : memref<10240x64xf32, #tpu.memory_space<vmem_shared>> -> memref<10240x64xf32, #tpu.memory_space<vmem_shared>>
    tpu.wait_indirect_dma semaphore(%arg20 : memref<!tpu.dma_semaphore, #tpu.memory_space<semaphore_mem>>) src(%dma_wait3A_140 : memref<10240x64xf32, #tpu.memory_space<vmem_shared>>) dst(%arg16 : memref<128x64xf32, #tpu.memory_space<vmem>>)
    %scan3A_141 = arith.constant 0 : i32
    %scan3A_142 = arith.constant 128 : i32
    %scan3A_143 = arith.addi %scan3A_141, %scan3A_142 : i32
    %scan3A_144 = arith.constant 1 : i32
    scf.for %scan3A_151 = %scan3A_141 to %scan3A_143 step %scan3A_144  : i32 {
      %and3A = arith.constant -16 : i32
      %and3A_152 = arith.andi %scan3A_151, %and3A : i32
      %get3A = arith.index_cast %and3A_152 : i32 to index
      %get3A_153 = tpu.vector_load %arg14[%get3A] {strides = array<i32>} : memref<128xf32, #tpu.memory_space<vmem>>, vector<16xf32>,
      %get3A_154 = vector.shape_cast %get3A_153 : vector<16xf32> to vector<16xf32>
      %and3A_155 = arith.constant 15 : i32
      %and3A_156 = arith.andi %scan3A_151, %and3A_155 : i32
      %broadcast_in_dim3A_157 = vector.broadcast %and3A_156 : i32 to vector<16x1xi32>
      %gather3A = vector.shape_cast %broadcast_in_dim3A_157 : vector<16x1xi32> to vector<16xi32>
      %gather3A_158 = tpu.dynamic_gather %get3A_154[%gather3A] in [0] : vector<16xf32>, vector<16xi32> -> vector<16xf32>
      %get3A_159 = arith.index_cast %scan3A_151 : i32 to index
      %get3A_160 = arith.constant 0 : index
      %get3A_161 = tpu.vector_load %arg16[%get3A_159, %get3A_160] {strides = array<i32>} : memref<128x64xf32, #tpu.memory_space<vmem>>, vector<1x16xf32>,
      %get3A_162 = vector.shape_cast %get3A_161 : vector<1x16xf32> to vector<16xf32>
      %mul3A_163 = arith.mulf %get3A_162, %gather3A_158 : vector<16xf32>
      %swap3A = arith.index_cast %scan3A_151 : i32 to index
      %swap3A_164 = arith.constant 0 : index
      %swap3A_165 = tpu.vector_load %arg16[%swap3A, %swap3A_164] {strides = array<i32>} : memref<128x64xf32, #tpu.memory_space<vmem>>, vector<1x16xf32>,
      %swap3A_166 = vector.shape_cast %swap3A_165 : vector<1x16xf32> to vector<16xf32>
      %swap3A_167 = vector.shape_cast %mul3A_163 : vector<16xf32> to vector<1x16xf32>
      tpu.vector_store %arg16[%swap3A, %swap3A_164], %swap3A_167 {strides = array<i32>} : memref<128x64xf32, #tpu.memory_space<vmem>>, vector<1x16xf32>,
      %get3A_168 = arith.index_cast %scan3A_151 : i32 to index
      %get3A_169 = arith.constant 16 : index
      %get3A_170 = tpu.vector_load %arg16[%get3A_168, %get3A_169] {strides = array<i32>} : memref<128x64xf32, #tpu.memory_space<vmem>>, vector<1x16xf32>,
      %get3A_171 = vector.shape_cast %get3A_170 : vector<1x16xf32> to vector<16xf32>
      %mul3A_172 = arith.mulf %get3A_171, %gather3A_158 : vector<16xf32>
      %swap3A_173 = arith.index_cast %scan3A_151 : i32 to index
      %swap3A_174 = arith.constant 16 : index
      %swap3A_175 = tpu.vector_load %arg16[%swap3A_173, %swap3A_174] {strides = array<i32>} : memref<128x64xf32, #tpu.memory_space<vmem>>, vector<1x16xf32>,
      %swap3A_176 = vector.shape_cast %swap3A_175 : vector<1x16xf32> to vector<16xf32>
      %swap3A_177 = vector.shape_cast %mul3A_172 : vector<16xf32> to vector<1x16xf32>
      tpu.vector_store %arg16[%swap3A_173, %swap3A_174], %swap3A_177 {strides = array<i32>} : memref<128x64xf32, #tpu.memory_space<vmem>>, vector<1x16xf32>,
      %get3A_178 = arith.index_cast %scan3A_151 : i32 to index
      %get3A_179 = arith.constant 32 : index
      %get3A_180 = tpu.vector_load %arg16[%get3A_178, %get3A_179] {strides = array<i32>} : memref<128x64xf32, #tpu.memory_space<vmem>>, vector<1x16xf32>,
      %get3A_181 = vector.shape_cast %get3A_180 : vector<1x16xf32> to vector<16xf32>
      %mul3A_182 = arith.mulf %get3A_181, %gather3A_158 : vector<16xf32>
      %swap3A_183 = arith.index_cast %scan3A_151 : i32 to index
      %swap3A_184 = arith.constant 32 : index
      %swap3A_185 = tpu.vector_load %arg16[%swap3A_183, %swap3A_184] {strides = array<i32>} : memref<128x64xf32, #tpu.memory_space<vmem>>, vector<1x16xf32>,
      %swap3A_186 = vector.shape_cast %swap3A_185 : vector<1x16xf32> to vector<16xf32>
      %swap3A_187 = vector.shape_cast %mul3A_182 : vector<16xf32> to vector<1x16xf32>
      tpu.vector_store %arg16[%swap3A_183, %swap3A_184], %swap3A_187 {strides = array<i32>} : memref<128x64xf32, #tpu.memory_space<vmem>>, vector<1x16xf32>,
      %get3A_188 = arith.index_cast %scan3A_151 : i32 to index
      %get3A_189 = arith.constant 48 : index
      %get3A_190 = tpu.vector_load %arg16[%get3A_188, %get3A_189] {strides = array<i32>} : memref<128x64xf32, #tpu.memory_space<vmem>>, vector<1x16xf32>,
      %get3A_191 = vector.shape_cast %get3A_190 : vector<1x16xf32> to vector<16xf32>
      %mul3A_192 = arith.mulf %get3A_191, %gather3A_158 : vector<16xf32>
      %swap3A_193 = arith.index_cast %scan3A_151 : i32 to index
      %swap3A_194 = arith.constant 48 : index
      %swap3A_195 = tpu.vector_load %arg16[%swap3A_193, %swap3A_194] {strides = array<i32>} : memref<128x64xf32, #tpu.memory_space<vmem>>, vector<1x16xf32>,
      %swap3A_196 = vector.shape_cast %swap3A_195 : vector<1x16xf32> to vector<16xf32>
      %swap3A_197 = vector.shape_cast %mul3A_192 : vector<16xf32> to vector<1x16xf32>
      tpu.vector_store %arg16[%swap3A_193, %swap3A_194], %swap3A_197 {strides = array<i32>} : memref<128x64xf32, #tpu.memory_space<vmem>>, vector<1x16xf32>,
    }
    %scan3A_145 = arith.constant 128 : i32
    "tpu.region"() ({
      %run_scoped3A = tpu.sem_alloc : memref<!tpu.dma_semaphore, #tpu.memory_space<semaphore_mem>>
      %dma_start3A_151 = arith.constant 0 : i32
      %dma_start3A_152 = arith.constant 0 : i32
      %dma_start3A_153 = tpu.memref_slice %arg8[%dma_start3A_151, %dma_start3A_152] : memref<10240x64xf32, #tpu.memory_space<vmem_shared>> -> memref<10240x64xf32, #tpu.memory_space<vmem_shared>>
      tpu.enqueue_indirect_dma source(%arg16 : memref<128x64xf32, #tpu.memory_space<vmem>>) target(%dma_start3A_153 : memref<10240x64xf32, #tpu.memory_space<vmem_shared>>) offsets(%arg12 : memref<128xi32, #tpu.memory_space<vmem>>) semaphore(%run_scoped3A : memref<!tpu.dma_semaphore, #tpu.memory_space<semaphore_mem>>) {add = true}
      %dma_wait3A_154 = arith.constant 0 : i32
      %dma_wait3A_155 = arith.constant 0 : i32
      %dma_wait3A_156 = tpu.memref_slice %arg8[%dma_wait3A_154, %dma_wait3A_155] : memref<10240x64xf32, #tpu.memory_space<vmem_shared>> -> memref<10240x64xf32, #tpu.memory_space<vmem_shared>>
      tpu.wait_indirect_dma semaphore(%run_scoped3A : memref<!tpu.dma_semaphore, #tpu.memory_space<semaphore_mem>>) src(%arg16 : memref<128x64xf32, #tpu.memory_space<vmem>>) dst(%dma_wait3A_156 : memref<10240x64xf32, #tpu.memory_space<vmem_shared>>)
      tpu.yield
    }) : () -> ()
    %barrier3A_146 = arith.constant 0 : index
    tpu.barrier barrier_id(%barrier3A_146)
    %mul3A_147 = arith.constant 640 : i32
    %mul3A_148 = arith.muli %arg1, %mul3A_147 : i32
    %mul3A_149 = arith.constant 640 : i32
    %mul3A_150 = arith.muli %arg1, %mul3A_149 : i32
    "tpu.region"() ({
      %run_scoped3A = tpu.sem_alloc : memref<!tpu.dma_semaphore, #tpu.memory_space<semaphore_mem>>
      %dma_start3A_151 = arith.constant 0 : i32
      %dma_start3A_152 = tpu.memref_slice %arg6[%arg0, %mul3A_150, %dma_start3A_151] : memref<2x10240x64xf32, #tpu.memory_space<hbm>> -> memref<1x640x64xf32, #tpu.memory_space<hbm>>
      %dma_start3A_153 = tpu.memref_squeeze %dma_start3A_152 : memref<1x640x64xf32, #tpu.memory_space<hbm>> -> memref<640x64xf32, #tpu.memory_space<hbm>>
      %dma_start3A_154 = arith.constant 0 : i32
      %dma_start3A_155 = tpu.memref_slice %arg8[%mul3A_148, %dma_start3A_154] : memref<10240x64xf32, #tpu.memory_space<vmem_shared>> -> memref<640x64xf32, #tpu.memory_space<vmem_shared>>
      tpu.enqueue_dma source(%dma_start3A_155 : memref<640x64xf32, #tpu.memory_space<vmem_shared>>) target(%dma_start3A_153 : memref<640x64xf32, #tpu.memory_space<hbm>>) target_semaphore(%run_scoped3A : memref<!tpu.dma_semaphore, #tpu.memory_space<semaphore_mem>>)
      %dma_wait3A_156 = arith.constant 0 : i32
      %dma_wait3A_157 = tpu.memref_slice %arg6[%arg0, %mul3A_150, %dma_wait3A_156] : memref<2x10240x64xf32, #tpu.memory_space<hbm>> -> memref<1x640x64xf32, #tpu.memory_space<hbm>>
      %dma_wait3A_158 = tpu.memref_squeeze %dma_wait3A_157 : memref<1x640x64xf32, #tpu.memory_space<hbm>> -> memref<640x64xf32, #tpu.memory_space<hbm>>
      %dma_wait3A_159 = arith.constant 0 : i32
      %dma_wait3A_160 = tpu.memref_slice %arg8[%mul3A_148, %dma_wait3A_159] : memref<10240x64xf32, #tpu.memory_space<vmem_shared>> -> memref<640x64xf32, #tpu.memory_space<vmem_shared>>
      tpu.wait_dma2 semaphore(%run_scoped3A : memref<!tpu.dma_semaphore, #tpu.memory_space<semaphore_mem>>) src(%dma_wait3A_160 : memref<640x64xf32, #tpu.memory_space<vmem_shared>>) dst(%dma_wait3A_158 : memref<640x64xf32, #tpu.memory_space<hbm>>)
      tpu.yield
    }) : () -> ()
    return
  }
}

#map = affine_map<(d0, d1) -> (0, 0, 0)>
#map1 = affine_map<(d0, d1) -> (0)>
module attributes {stable_mosaic.version = 14 : i64} {
  func.func @_dinv_sc(%arg0: i32, %arg1: i32, %arg2: memref<16x160x128xi32, #tpu.memory_space<hbm>>, %arg3: memref<16x160x128xf32, #tpu.memory_space<hbm>>, %arg4: memref<10240xf32, #tpu.memory_space<hbm>>, %arg5: memref<10240xf32, #tpu.memory_space<vmem_shared>>, %arg6: memref<160x128xi32, #tpu.memory_space<vmem>>, %arg7: memref<160x128xf32, #tpu.memory_space<vmem>>, %arg8: memref<640xf32, #tpu.memory_space<vmem>>, %arg9: memref<320xf32, #tpu.memory_space<vmem>>) attributes {dimension_semantics = [#tpu.dimension_semantics<core_parallel>, #tpu.dimension_semantics<subcore_parallel>], iteration_bounds = array<i64: 2, 16>, scalar_prefetch = 0 : i64, scratch_operands = 5 : i64, tpu.core_type = #tpu.core_type<sc_vector_subcore>, window_params = [{transform_indices = #map}, {transform_indices = #map}, {transform_indices = #map1}]} {
    %broadcast_in_dim3A = arith.constant 0.000000e+00 : f32
    %broadcast_in_dim3A_0 = vector.broadcast %broadcast_in_dim3A : f32 to vector<16xf32>
    %scan3A = arith.constant 0 : i32
    %scan3A_1 = arith.constant 40 : i32
    %scan3A_2 = arith.addi %scan3A, %scan3A_1 : i32
    %scan3A_3 = arith.constant 1 : i32
    scf.for %scan3A_21 = %scan3A to %scan3A_2 step %scan3A_3  : i32 {
      %mul3A_22 = arith.constant 16 : i32
      %mul3A_23 = arith.muli %scan3A_21, %mul3A_22 : i32
      %swap3A = arith.index_cast %mul3A_23 : i32 to index
      %swap3A_24 = tpu.vector_load %arg8[%swap3A] {strides = array<i32>} : memref<640xf32, #tpu.memory_space<vmem>>, vector<16xf32>,
      %swap3A_25 = vector.shape_cast %swap3A_24 : vector<16xf32> to vector<16xf32>
      %swap3A_26 = vector.shape_cast %broadcast_in_dim3A_0 : vector<16xf32> to vector<16xf32>
      tpu.vector_store %arg8[%swap3A], %swap3A_26 {strides = array<i32>} : memref<640xf32, #tpu.memory_space<vmem>>, vector<16xf32>,
    }
    %scan3A_4 = arith.constant 40 : i32
    %mul3A = arith.constant 640 : i32
    %mul3A_5 = arith.muli %arg1, %mul3A : i32
    "tpu.region"() ({
      %run_scoped3A = tpu.sem_alloc : memref<!tpu.dma_semaphore, #tpu.memory_space<semaphore_mem>>
      %dma_start3A = tpu.memref_slice %arg5[%mul3A_5] : memref<10240xf32, #tpu.memory_space<vmem_shared>> -> memref<640xf32, #tpu.memory_space<vmem_shared>>
      %dma_start3A_21 = tpu.memref_slice %arg5[%mul3A_5] : memref<10240xf32, #tpu.memory_space<vmem_shared>> -> memref<640xf32, #tpu.memory_space<vmem_shared>>
      tpu.enqueue_dma source(%arg8 : memref<640xf32, #tpu.memory_space<vmem>>) target(%dma_start3A_21 : memref<640xf32, #tpu.memory_space<vmem_shared>>) target_semaphore(%run_scoped3A : memref<!tpu.dma_semaphore, #tpu.memory_space<semaphore_mem>>)
      %dma_wait3A = tpu.memref_slice %arg5[%mul3A_5] : memref<10240xf32, #tpu.memory_space<vmem_shared>> -> memref<640xf32, #tpu.memory_space<vmem_shared>>
      %dma_wait3A_22 = tpu.memref_slice %arg5[%mul3A_5] : memref<10240xf32, #tpu.memory_space<vmem_shared>> -> memref<640xf32, #tpu.memory_space<vmem_shared>>
      tpu.wait_dma2 semaphore(%run_scoped3A : memref<!tpu.dma_semaphore, #tpu.memory_space<semaphore_mem>>) src(%arg8 : memref<640xf32, #tpu.memory_space<vmem>>) dst(%dma_wait3A_22 : memref<640xf32, #tpu.memory_space<vmem_shared>>)
      tpu.yield
    }) : () -> ()
    "tpu.region"() ({
      %run_scoped3A = tpu.sem_alloc : memref<!tpu.dma_semaphore, #tpu.memory_space<semaphore_mem>>
      %dma_start3A = arith.constant 0 : i32
      %dma_start3A_21 = arith.constant 0 : i32
      %dma_start3A_22 = tpu.memref_slice %arg2[%arg1, %dma_start3A, %dma_start3A_21] : memref<16x160x128xi32, #tpu.memory_space<hbm>> -> memref<1x160x128xi32, #tpu.memory_space<hbm>>
      %dma_start3A_23 = tpu.memref_squeeze %dma_start3A_22 : memref<1x160x128xi32, #tpu.memory_space<hbm>> -> memref<160x128xi32, #tpu.memory_space<hbm>>
      %dma_start3A_24 = arith.constant 0 : i32
      %dma_start3A_25 = arith.constant 0 : i32
      %dma_start3A_26 = tpu.memref_slice %arg2[%arg1, %dma_start3A_24, %dma_start3A_25] : memref<16x160x128xi32, #tpu.memory_space<hbm>> -> memref<1x160x128xi32, #tpu.memory_space<hbm>>
      %dma_start3A_27 = tpu.memref_squeeze %dma_start3A_26 : memref<1x160x128xi32, #tpu.memory_space<hbm>> -> memref<160x128xi32, #tpu.memory_space<hbm>>
      tpu.enqueue_dma source(%dma_start3A_27 : memref<160x128xi32, #tpu.memory_space<hbm>>) target(%arg6 : memref<160x128xi32, #tpu.memory_space<vmem>>) target_semaphore(%run_scoped3A : memref<!tpu.dma_semaphore, #tpu.memory_space<semaphore_mem>>)
      %dma_wait3A = arith.constant 0 : i32
      %dma_wait3A_28 = arith.constant 0 : i32
      %dma_wait3A_29 = tpu.memref_slice %arg2[%arg1, %dma_wait3A, %dma_wait3A_28] : memref<16x160x128xi32, #tpu.memory_space<hbm>> -> memref<1x160x128xi32, #tpu.memory_space<hbm>>
      %dma_wait3A_30 = tpu.memref_squeeze %dma_wait3A_29 : memref<1x160x128xi32, #tpu.memory_space<hbm>> -> memref<160x128xi32, #tpu.memory_space<hbm>>
      %dma_wait3A_31 = arith.constant 0 : i32
      %dma_wait3A_32 = arith.constant 0 : i32
      %dma_wait3A_33 = tpu.memref_slice %arg2[%arg1, %dma_wait3A_31, %dma_wait3A_32] : memref<16x160x128xi32, #tpu.memory_space<hbm>> -> memref<1x160x128xi32, #tpu.memory_space<hbm>>
      %dma_wait3A_34 = tpu.memref_squeeze %dma_wait3A_33 : memref<1x160x128xi32, #tpu.memory_space<hbm>> -> memref<160x128xi32, #tpu.memory_space<hbm>>
      tpu.wait_dma2 semaphore(%run_scoped3A : memref<!tpu.dma_semaphore, #tpu.memory_space<semaphore_mem>>) src(%dma_wait3A_34 : memref<160x128xi32, #tpu.memory_space<hbm>>) dst(%arg6 : memref<160x128xi32, #tpu.memory_space<vmem>>)
      tpu.yield
    }) : () -> ()
    "tpu.region"() ({
      %run_scoped3A = tpu.sem_alloc : memref<!tpu.dma_semaphore, #tpu.memory_space<semaphore_mem>>
      %dma_start3A = arith.constant 0 : i32
      %dma_start3A_21 = arith.constant 0 : i32
      %dma_start3A_22 = tpu.memref_slice %arg3[%arg1, %dma_start3A, %dma_start3A_21] : memref<16x160x128xf32, #tpu.memory_space<hbm>> -> memref<1x160x128xf32, #tpu.memory_space<hbm>>
      %dma_start3A_23 = tpu.memref_squeeze %dma_start3A_22 : memref<1x160x128xf32, #tpu.memory_space<hbm>> -> memref<160x128xf32, #tpu.memory_space<hbm>>
      %dma_start3A_24 = arith.constant 0 : i32
      %dma_start3A_25 = arith.constant 0 : i32
      %dma_start3A_26 = tpu.memref_slice %arg3[%arg1, %dma_start3A_24, %dma_start3A_25] : memref<16x160x128xf32, #tpu.memory_space<hbm>> -> memref<1x160x128xf32, #tpu.memory_space<hbm>>
      %dma_start3A_27 = tpu.memref_squeeze %dma_start3A_26 : memref<1x160x128xf32, #tpu.memory_space<hbm>> -> memref<160x128xf32, #tpu.memory_space<hbm>>
      tpu.enqueue_dma source(%dma_start3A_27 : memref<160x128xf32, #tpu.memory_space<hbm>>) target(%arg7 : memref<160x128xf32, #tpu.memory_space<vmem>>) target_semaphore(%run_scoped3A : memref<!tpu.dma_semaphore, #tpu.memory_space<semaphore_mem>>)
      %dma_wait3A = arith.constant 0 : i32
      %dma_wait3A_28 = arith.constant 0 : i32
      %dma_wait3A_29 = tpu.memref_slice %arg3[%arg1, %dma_wait3A, %dma_wait3A_28] : memref<16x160x128xf32, #tpu.memory_space<hbm>> -> memref<1x160x128xf32, #tpu.memory_space<hbm>>
      %dma_wait3A_30 = tpu.memref_squeeze %dma_wait3A_29 : memref<1x160x128xf32, #tpu.memory_space<hbm>> -> memref<160x128xf32, #tpu.memory_space<hbm>>
      %dma_wait3A_31 = arith.constant 0 : i32
      %dma_wait3A_32 = arith.constant 0 : i32
      %dma_wait3A_33 = tpu.memref_slice %arg3[%arg1, %dma_wait3A_31, %dma_wait3A_32] : memref<16x160x128xf32, #tpu.memory_space<hbm>> -> memref<1x160x128xf32, #tpu.memory_space<hbm>>
      %dma_wait3A_34 = tpu.memref_squeeze %dma_wait3A_33 : memref<1x160x128xf32, #tpu.memory_space<hbm>> -> memref<160x128xf32, #tpu.memory_space<hbm>>
      tpu.wait_dma2 semaphore(%run_scoped3A : memref<!tpu.dma_semaphore, #tpu.memory_space<semaphore_mem>>) src(%dma_wait3A_34 : memref<160x128xf32, #tpu.memory_space<hbm>>) dst(%arg7 : memref<160x128xf32, #tpu.memory_space<vmem>>)
      tpu.yield
    }) : () -> ()
    %barrier3A = arith.constant 0 : index
    tpu.barrier barrier_id(%barrier3A)
    %scan3A_6 = arith.constant 0 : i32
    %scan3A_7 = arith.constant 160 : i32
    %scan3A_8 = arith.addi %scan3A_6, %scan3A_7 : i32
    %scan3A_9 = arith.constant 1 : i32
    scf.for %scan3A_21 = %scan3A_6 to %scan3A_8 step %scan3A_9  : i32 {
      "tpu.region"() ({
        %run_scoped3A = tpu.sem_alloc : memref<!tpu.dma_semaphore, #tpu.memory_space<semaphore_mem>>
        %dma_start3A = arith.constant 0 : i32
        %dma_start3A_22 = tpu.memref_slice %arg7[%scan3A_21, %dma_start3A] : memref<160x128xf32, #tpu.memory_space<vmem>> -> memref<1x128xf32, #tpu.memory_space<vmem>>
        %dma_start3A_23 = tpu.memref_squeeze %dma_start3A_22 : memref<1x128xf32, #tpu.memory_space<vmem>> -> memref<128xf32, #tpu.memory_space<vmem>>
        %dma_start3A_24 = arith.constant 0 : i32
        %dma_start3A_25 = tpu.memref_slice %arg6[%scan3A_21, %dma_start3A_24] : memref<160x128xi32, #tpu.memory_space<vmem>> -> memref<1x128xi32, #tpu.memory_space<vmem>>
        %dma_start3A_26 = tpu.memref_squeeze %dma_start3A_25 : memref<1x128xi32, #tpu.memory_space<vmem>> -> memref<128xi32, #tpu.memory_space<vmem>>
        %dma_start3A_27 = arith.constant 0 : i32
        %dma_start3A_28 = tpu.memref_slice %arg5[%dma_start3A_27] : memref<10240xf32, #tpu.memory_space<vmem_shared>> -> memref<10240xf32, #tpu.memory_space<vmem_shared>>
        tpu.enqueue_indirect_dma source(%dma_start3A_23 : memref<128xf32, #tpu.memory_space<vmem>>) target(%dma_start3A_28 : memref<10240xf32, #tpu.memory_space<vmem_shared>>) offsets(%dma_start3A_26 : memref<128xi32, #tpu.memory_space<vmem>>) semaphore(%run_scoped3A : memref<!tpu.dma_semaphore, #tpu.memory_space<semaphore_mem>>) {add = true}
        %dma_wait3A = arith.constant 0 : i32
        %dma_wait3A_29 = tpu.memref_slice %arg7[%scan3A_21, %dma_wait3A] : memref<160x128xf32, #tpu.memory_space<vmem>> -> memref<1x128xf32, #tpu.memory_space<vmem>>
        %dma_wait3A_30 = tpu.memref_squeeze %dma_wait3A_29 : memref<1x128xf32, #tpu.memory_space<vmem>> -> memref<128xf32, #tpu.memory_space<vmem>>
        %dma_wait3A_31 = arith.constant 0 : i32
        %dma_wait3A_32 = tpu.memref_slice %arg6[%scan3A_21, %dma_wait3A_31] : memref<160x128xi32, #tpu.memory_space<vmem>> -> memref<1x128xi32, #tpu.memory_space<vmem>>
        %dma_wait3A_33 = tpu.memref_squeeze %dma_wait3A_32 : memref<1x128xi32, #tpu.memory_space<vmem>> -> memref<128xi32, #tpu.memory_space<vmem>>
        %dma_wait3A_34 = arith.constant 0 : i32
        %dma_wait3A_35 = tpu.memref_slice %arg5[%dma_wait3A_34] : memref<10240xf32, #tpu.memory_space<vmem_shared>> -> memref<10240xf32, #tpu.memory_space<vmem_shared>>
        tpu.wait_indirect_dma semaphore(%run_scoped3A : memref<!tpu.dma_semaphore, #tpu.memory_space<semaphore_mem>>) src(%dma_wait3A_30 : memref<128xf32, #tpu.memory_space<vmem>>) dst(%dma_wait3A_35 : memref<10240xf32, #tpu.memory_space<vmem_shared>>)
        tpu.yield
      }) : () -> ()
    }
    %scan3A_10 = arith.constant 160 : i32
    %barrier3A_11 = arith.constant 0 : index
    tpu.barrier barrier_id(%barrier3A_11)
    %mul3A_12 = arith.constant 640 : i32
    %mul3A_13 = arith.muli %arg1, %mul3A_12 : i32
    %mul3A_14 = arith.constant 320 : i32
    %mul3A_15 = arith.muli %arg0, %mul3A_14 : i32
    %add3A = arith.addi %mul3A_13, %mul3A_15 : i32
    "tpu.region"() ({
      %run_scoped3A = tpu.sem_alloc : memref<!tpu.dma_semaphore, #tpu.memory_space<semaphore_mem>>
      %dma_start3A = tpu.memref_slice %arg5[%add3A] : memref<10240xf32, #tpu.memory_space<vmem_shared>> -> memref<320xf32, #tpu.memory_space<vmem_shared>>
      %dma_start3A_21 = tpu.memref_slice %arg5[%add3A] : memref<10240xf32, #tpu.memory_space<vmem_shared>> -> memref<320xf32, #tpu.memory_space<vmem_shared>>
      tpu.enqueue_dma source(%dma_start3A_21 : memref<320xf32, #tpu.memory_space<vmem_shared>>) target(%arg9 : memref<320xf32, #tpu.memory_space<vmem>>) target_semaphore(%run_scoped3A : memref<!tpu.dma_semaphore, #tpu.memory_space<semaphore_mem>>)
      %dma_wait3A = tpu.memref_slice %arg5[%add3A] : memref<10240xf32, #tpu.memory_space<vmem_shared>> -> memref<320xf32, #tpu.memory_space<vmem_shared>>
      %dma_wait3A_22 = tpu.memref_slice %arg5[%add3A] : memref<10240xf32, #tpu.memory_space<vmem_shared>> -> memref<320xf32, #tpu.memory_space<vmem_shared>>
      tpu.wait_dma2 semaphore(%run_scoped3A : memref<!tpu.dma_semaphore, #tpu.memory_space<semaphore_mem>>) src(%dma_wait3A_22 : memref<320xf32, #tpu.memory_space<vmem_shared>>) dst(%arg9 : memref<320xf32, #tpu.memory_space<vmem>>)
      tpu.yield
    }) : () -> ()
    %scan3A_16 = arith.constant 0 : i32
    %scan3A_17 = arith.constant 20 : i32
    %scan3A_18 = arith.addi %scan3A_16, %scan3A_17 : i32
    %scan3A_19 = arith.constant 1 : i32
    scf.for %scan3A_21 = %scan3A_16 to %scan3A_18 step %scan3A_19  : i32 {
      %mul3A_22 = arith.constant 16 : i32
      %mul3A_23 = arith.muli %scan3A_21, %mul3A_22 : i32
      %get3A = arith.index_cast %mul3A_23 : i32 to index
      %get3A_24 = tpu.vector_load %arg9[%get3A] {strides = array<i32>} : memref<320xf32, #tpu.memory_space<vmem>>, vector<16xf32>,
      %get3A_25 = vector.shape_cast %get3A_24 : vector<16xf32> to vector<16xf32>
      %add3A_26 = arith.constant 1.000000e+00 : f32
      %add3A_27 = vector.broadcast %add3A_26 : f32 to vector<16xf32>
      %add3A_28 = arith.addf %get3A_25, %add3A_27 : vector<16xf32>
      %bitcast_convert_type3A = tpu.bitcast %add3A_28 : vector<16xf32> -> vector<16xi32>
      %shift_right_arithmetic3A = arith.constant 1 : i32
      %shift_right_arithmetic3A_29 = vector.broadcast %shift_right_arithmetic3A : i32 to vector<16xi32>
      %shift_right_arithmetic3A_30 = arith.shrsi %bitcast_convert_type3A, %shift_right_arithmetic3A_29 : vector<16xi32>
      %sub3A = arith.constant 1597463007 : i32
      %sub3A_31 = vector.broadcast %sub3A : i32 to vector<16xi32>
      %sub3A_32 = arith.subi %sub3A_31, %shift_right_arithmetic3A_30 : vector<16xi32>
      %bitcast_convert_type3A_33 = tpu.bitcast %sub3A_32 : vector<16xi32> -> vector<16xf32>
      %mul3A_34 = arith.constant 5.000000e-01 : f32
      %mul3A_35 = vector.broadcast %mul3A_34 : f32 to vector<16xf32>
      %mul3A_36 = arith.mulf %mul3A_35, %add3A_28 : vector<16xf32>
      %mul3A_37 = arith.mulf %mul3A_36, %bitcast_convert_type3A_33 : vector<16xf32>
      %mul3A_38 = arith.mulf %mul3A_37, %bitcast_convert_type3A_33 : vector<16xf32>
      %sub3A_39 = arith.constant 1.500000e+00 : f32
      %sub3A_40 = vector.broadcast %sub3A_39 : f32 to vector<16xf32>
      %sub3A_41 = arith.subf %sub3A_40, %mul3A_38 : vector<16xf32>
      %mul3A_42 = arith.mulf %bitcast_convert_type3A_33, %sub3A_41 : vector<16xf32>
      %mul3A_43 = arith.constant 5.000000e-01 : f32
      %mul3A_44 = vector.broadcast %mul3A_43 : f32 to vector<16xf32>
      %mul3A_45 = arith.mulf %mul3A_44, %add3A_28 : vector<16xf32>
      %mul3A_46 = arith.mulf %mul3A_45, %mul3A_42 : vector<16xf32>
      %mul3A_47 = arith.mulf %mul3A_46, %mul3A_42 : vector<16xf32>
      %sub3A_48 = arith.constant 1.500000e+00 : f32
      %sub3A_49 = vector.broadcast %sub3A_48 : f32 to vector<16xf32>
      %sub3A_50 = arith.subf %sub3A_49, %mul3A_47 : vector<16xf32>
      %mul3A_51 = arith.mulf %mul3A_42, %sub3A_50 : vector<16xf32>
      %mul3A_52 = arith.constant 5.000000e-01 : f32
      %mul3A_53 = vector.broadcast %mul3A_52 : f32 to vector<16xf32>
      %mul3A_54 = arith.mulf %mul3A_53, %add3A_28 : vector<16xf32>
      %mul3A_55 = arith.mulf %mul3A_54, %mul3A_51 : vector<16xf32>
      %mul3A_56 = arith.mulf %mul3A_55, %mul3A_51 : vector<16xf32>
      %sub3A_57 = arith.constant 1.500000e+00 : f32
      %sub3A_58 = vector.broadcast %sub3A_57 : f32 to vector<16xf32>
      %sub3A_59 = arith.subf %sub3A_58, %mul3A_56 : vector<16xf32>
      %mul3A_60 = arith.mulf %mul3A_51, %sub3A_59 : vector<16xf32>
      %mul3A_61 = arith.constant 16 : i32
      %mul3A_62 = arith.muli %scan3A_21, %mul3A_61 : i32
      %swap3A = arith.index_cast %mul3A_62 : i32 to index
      %swap3A_63 = tpu.vector_load %arg9[%swap3A] {strides = array<i32>} : memref<320xf32, #tpu.memory_space<vmem>>, vector<16xf32>,
      %swap3A_64 = vector.shape_cast %swap3A_63 : vector<16xf32> to vector<16xf32>
      %swap3A_65 = vector.shape_cast %mul3A_60 : vector<16xf32> to vector<16xf32>
      tpu.vector_store %arg9[%swap3A], %swap3A_65 {strides = array<i32>} : memref<320xf32, #tpu.memory_space<vmem>>, vector<16xf32>,
    }
    %scan3A_20 = arith.constant 20 : i32
    "tpu.region"() ({
      %run_scoped3A = tpu.sem_alloc : memref<!tpu.dma_semaphore, #tpu.memory_space<semaphore_mem>>
      %dma_start3A = tpu.memref_slice %arg4[%add3A] : memref<10240xf32, #tpu.memory_space<hbm>> -> memref<320xf32, #tpu.memory_space<hbm>>
      %dma_start3A_21 = tpu.memref_slice %arg4[%add3A] : memref<10240xf32, #tpu.memory_space<hbm>> -> memref<320xf32, #tpu.memory_space<hbm>>
      tpu.enqueue_dma source(%arg9 : memref<320xf32, #tpu.memory_space<vmem>>) target(%dma_start3A_21 : memref<320xf32, #tpu.memory_space<hbm>>) target_semaphore(%run_scoped3A : memref<!tpu.dma_semaphore, #tpu.memory_space<semaphore_mem>>)
      %dma_wait3A = tpu.memref_slice %arg4[%add3A] : memref<10240xf32, #tpu.memory_space<hbm>> -> memref<320xf32, #tpu.memory_space<hbm>>
      %dma_wait3A_22 = tpu.memref_slice %arg4[%add3A] : memref<10240xf32, #tpu.memory_space<hbm>> -> memref<320xf32, #tpu.memory_space<hbm>>
      tpu.wait_dma2 semaphore(%run_scoped3A : memref<!tpu.dma_semaphore, #tpu.memory_space<semaphore_mem>>) src(%arg9 : memref<320xf32, #tpu.memory_space<vmem>>) dst(%dma_wait3A_22 : memref<320xf32, #tpu.memory_space<hbm>>)
      tpu.yield
    }) : () -> ()
    return
  }
}

#map = affine_map<(d0, d1) -> (0, 0, 0)>
module attributes {stable_mosaic.version = 14 : i64} {
  func.func @_agg_sc(%arg0: i32, %arg1: i32, %arg2: memref<2x10240x64xf32, #tpu.memory_space<hbm>>, %arg3: memref<16x160x128xi32, #tpu.memory_space<hbm>>, %arg4: memref<16x160x128xi32, #tpu.memory_space<hbm>>, %arg5: memref<16x160x128xf32, #tpu.memory_space<hbm>>, %arg6: memref<2x10240x64xf32, #tpu.memory_space<hbm>>, %arg7: memref<10240x64xf32, #tpu.memory_space<vmem_shared>>, %arg8: memref<10240x64xf32, #tpu.memory_space<vmem_shared>>, %arg9: memref<128xi32, #tpu.memory_space<vmem>>, %arg10: memref<128xi32, #tpu.memory_space<vmem>>, %arg11: memref<128xi32, #tpu.memory_space<vmem>>, %arg12: memref<128xi32, #tpu.memory_space<vmem>>, %arg13: memref<128xf32, #tpu.memory_space<vmem>>, %arg14: memref<128xf32, #tpu.memory_space<vmem>>, %arg15: memref<128x64xf32, #tpu.memory_space<vmem>>, %arg16: memref<128x64xf32, #tpu.memory_space<vmem>>, %arg17: memref<!tpu.dma_semaphore, #tpu.memory_space<semaphore_mem>>, %arg18: memref<!tpu.dma_semaphore, #tpu.memory_space<semaphore_mem>>, %arg19: memref<!tpu.dma_semaphore, #tpu.memory_space<semaphore_mem>>, %arg20: memref<!tpu.dma_semaphore, #tpu.memory_space<semaphore_mem>>) attributes {dimension_semantics = [#tpu.dimension_semantics<core_parallel>, #tpu.dimension_semantics<subcore_parallel>], iteration_bounds = array<i64: 2, 16>, scalar_prefetch = 0 : i64, scratch_operands = 14 : i64, tpu.core_type = #tpu.core_type<sc_vector_subcore>, window_params = [{transform_indices = #map}, {transform_indices = #map}, {transform_indices = #map}, {transform_indices = #map}, {transform_indices = #map}]} {
    %mul3A = arith.constant 640 : i32
    %mul3A_0 = arith.muli %arg1, %mul3A : i32
    %mul3A_1 = arith.constant 640 : i32
    %mul3A_2 = arith.muli %arg1, %mul3A_1 : i32
    %dma_start3A = arith.constant 0 : i32
    %dma_start3A_3 = tpu.memref_slice %arg7[%mul3A_2, %dma_start3A] : memref<10240x64xf32, #tpu.memory_space<vmem_shared>> -> memref<640x64xf32, #tpu.memory_space<vmem_shared>>
    %dma_start3A_4 = arith.constant 0 : i32
    %dma_start3A_5 = tpu.memref_slice %arg2[%arg0, %mul3A_0, %dma_start3A_4] : memref<2x10240x64xf32, #tpu.memory_space<hbm>> -> memref<1x640x64xf32, #tpu.memory_space<hbm>>
    %dma_start3A_6 = tpu.memref_squeeze %dma_start3A_5 : memref<1x640x64xf32, #tpu.memory_space<hbm>> -> memref<640x64xf32, #tpu.memory_space<hbm>>
    tpu.enqueue_dma source(%dma_start3A_6 : memref<640x64xf32, #tpu.memory_space<hbm>>) target(%dma_start3A_3 : memref<640x64xf32, #tpu.memory_space<vmem_shared>>) target_semaphore(%arg17 : memref<!tpu.dma_semaphore, #tpu.memory_space<semaphore_mem>>)
    %broadcast_in_dim3A = arith.constant 0.000000e+00 : f32
    %broadcast_in_dim3A_7 = vector.broadcast %broadcast_in_dim3A : f32 to vector<16xf32>
    %scan3A = arith.constant 0 : i32
    %scan3A_8 = arith.constant 128 : i32
    %scan3A_9 = arith.addi %scan3A, %scan3A_8 : i32
    %scan3A_10 = arith.constant 1 : i32
    scf.for %scan3A_151 = %scan3A to %scan3A_9 step %scan3A_10  : i32 {
      %scan3A_152 = arith.constant 0 : i32
      %scan3A_153 = arith.constant 4 : i32
      %scan3A_154 = arith.addi %scan3A_152, %scan3A_153 : i32
      %scan3A_155 = arith.constant 1 : i32
      scf.for %scan3A_157 = %scan3A_152 to %scan3A_154 step %scan3A_155  : i32 {
        %mul3A_158 = arith.constant 16 : i32
        %mul3A_159 = arith.muli %scan3A_157, %mul3A_158 : i32
        %swap3A = arith.index_cast %scan3A_151 : i32 to index
        %swap3A_160 = arith.index_cast %mul3A_159 : i32 to index
        %swap3A_161 = tpu.vector_load %arg15[%swap3A, %swap3A_160] {strides = array<i32>} : memref<128x64xf32, #tpu.memory_space<vmem>>, vector<1x16xf32>,
        %swap3A_162 = vector.shape_cast %swap3A_161 : vector<1x16xf32> to vector<16xf32>
        %swap3A_163 = vector.shape_cast %broadcast_in_dim3A_7 : vector<16xf32> to vector<1x16xf32>
        tpu.vector_store %arg15[%swap3A, %swap3A_160], %swap3A_163 {strides = array<i32>} : memref<128x64xf32, #tpu.memory_space<vmem>>, vector<1x16xf32>,
      }
      %scan3A_156 = arith.constant 4 : i32
    }
    %scan3A_11 = arith.constant 128 : i32
    %mul3A_12 = arith.constant 640 : i32
    %mul3A_13 = arith.muli %arg1, %mul3A_12 : i32
    %add3A = arith.constant 0 : i32
    %add3A_14 = arith.addi %mul3A_13, %add3A : i32
    "tpu.region"() ({
      %run_scoped3A = tpu.sem_alloc : memref<!tpu.dma_semaphore, #tpu.memory_space<semaphore_mem>>
      %dma_start3A_151 = arith.constant 0 : i32
      %dma_start3A_152 = tpu.memref_slice %arg8[%add3A_14, %dma_start3A_151] : memref<10240x64xf32, #tpu.memory_space<vmem_shared>> -> memref<128x64xf32, #tpu.memory_space<vmem_shared>>
      %dma_start3A_153 = arith.constant 0 : i32
      %dma_start3A_154 = tpu.memref_slice %arg8[%add3A_14, %dma_start3A_153] : memref<10240x64xf32, #tpu.memory_space<vmem_shared>> -> memref<128x64xf32, #tpu.memory_space<vmem_shared>>
      tpu.enqueue_dma source(%arg15 : memref<128x64xf32, #tpu.memory_space<vmem>>) target(%dma_start3A_154 : memref<128x64xf32, #tpu.memory_space<vmem_shared>>) target_semaphore(%run_scoped3A : memref<!tpu.dma_semaphore, #tpu.memory_space<semaphore_mem>>)
      %dma_wait3A_155 = arith.constant 0 : i32
      %dma_wait3A_156 = tpu.memref_slice %arg8[%add3A_14, %dma_wait3A_155] : memref<10240x64xf32, #tpu.memory_space<vmem_shared>> -> memref<128x64xf32, #tpu.memory_space<vmem_shared>>
      %dma_wait3A_157 = arith.constant 0 : i32
      %dma_wait3A_158 = tpu.memref_slice %arg8[%add3A_14, %dma_wait3A_157] : memref<10240x64xf32, #tpu.memory_space<vmem_shared>> -> memref<128x64xf32, #tpu.memory_space<vmem_shared>>
      tpu.wait_dma2 semaphore(%run_scoped3A : memref<!tpu.dma_semaphore, #tpu.memory_space<semaphore_mem>>) src(%arg15 : memref<128x64xf32, #tpu.memory_space<vmem>>) dst(%dma_wait3A_158 : memref<128x64xf32, #tpu.memory_space<vmem_shared>>)
      tpu.yield
    }) : () -> ()
    %mul3A_15 = arith.constant 640 : i32
    %mul3A_16 = arith.muli %arg1, %mul3A_15 : i32
    %add3A_17 = arith.constant 128 : i32
    %add3A_18 = arith.addi %mul3A_16, %add3A_17 : i32
    "tpu.region"() ({
      %run_scoped3A = tpu.sem_alloc : memref<!tpu.dma_semaphore, #tpu.memory_space<semaphore_mem>>
      %dma_start3A_151 = arith.constant 0 : i32
      %dma_start3A_152 = tpu.memref_slice %arg8[%add3A_18, %dma_start3A_151] : memref<10240x64xf32, #tpu.memory_space<vmem_shared>> -> memref<128x64xf32, #tpu.memory_space<vmem_shared>>
      %dma_start3A_153 = arith.constant 0 : i32
      %dma_start3A_154 = tpu.memref_slice %arg8[%add3A_18, %dma_start3A_153] : memref<10240x64xf32, #tpu.memory_space<vmem_shared>> -> memref<128x64xf32, #tpu.memory_space<vmem_shared>>
      tpu.enqueue_dma source(%arg15 : memref<128x64xf32, #tpu.memory_space<vmem>>) target(%dma_start3A_154 : memref<128x64xf32, #tpu.memory_space<vmem_shared>>) target_semaphore(%run_scoped3A : memref<!tpu.dma_semaphore, #tpu.memory_space<semaphore_mem>>)
      %dma_wait3A_155 = arith.constant 0 : i32
      %dma_wait3A_156 = tpu.memref_slice %arg8[%add3A_18, %dma_wait3A_155] : memref<10240x64xf32, #tpu.memory_space<vmem_shared>> -> memref<128x64xf32, #tpu.memory_space<vmem_shared>>
      %dma_wait3A_157 = arith.constant 0 : i32
      %dma_wait3A_158 = tpu.memref_slice %arg8[%add3A_18, %dma_wait3A_157] : memref<10240x64xf32, #tpu.memory_space<vmem_shared>> -> memref<128x64xf32, #tpu.memory_space<vmem_shared>>
      tpu.wait_dma2 semaphore(%run_scoped3A : memref<!tpu.dma_semaphore, #tpu.memory_space<semaphore_mem>>) src(%arg15 : memref<128x64xf32, #tpu.memory_space<vmem>>) dst(%dma_wait3A_158 : memref<128x64xf32, #tpu.memory_space<vmem_shared>>)
      tpu.yield
    }) : () -> ()
    %mul3A_19 = arith.constant 640 : i32
    %mul3A_20 = arith.muli %arg1, %mul3A_19 : i32
    %add3A_21 = arith.constant 256 : i32
    %add3A_22 = arith.addi %mul3A_20, %add3A_21 : i32
    "tpu.region"() ({
      %run_scoped3A = tpu.sem_alloc : memref<!tpu.dma_semaphore, #tpu.memory_space<semaphore_mem>>
      %dma_start3A_151 = arith.constant 0 : i32
      %dma_start3A_152 = tpu.memref_slice %arg8[%add3A_22, %dma_start3A_151] : memref<10240x64xf32, #tpu.memory_space<vmem_shared>> -> memref<128x64xf32, #tpu.memory_space<vmem_shared>>
      %dma_start3A_153 = arith.constant 0 : i32
      %dma_start3A_154 = tpu.memref_slice %arg8[%add3A_22, %dma_start3A_153] : memref<10240x64xf32, #tpu.memory_space<vmem_shared>> -> memref<128x64xf32, #tpu.memory_space<vmem_shared>>
      tpu.enqueue_dma source(%arg15 : memref<128x64xf32, #tpu.memory_space<vmem>>) target(%dma_start3A_154 : memref<128x64xf32, #tpu.memory_space<vmem_shared>>) target_semaphore(%run_scoped3A : memref<!tpu.dma_semaphore, #tpu.memory_space<semaphore_mem>>)
      %dma_wait3A_155 = arith.constant 0 : i32
      %dma_wait3A_156 = tpu.memref_slice %arg8[%add3A_22, %dma_wait3A_155] : memref<10240x64xf32, #tpu.memory_space<vmem_shared>> -> memref<128x64xf32, #tpu.memory_space<vmem_shared>>
      %dma_wait3A_157 = arith.constant 0 : i32
      %dma_wait3A_158 = tpu.memref_slice %arg8[%add3A_22, %dma_wait3A_157] : memref<10240x64xf32, #tpu.memory_space<vmem_shared>> -> memref<128x64xf32, #tpu.memory_space<vmem_shared>>
      tpu.wait_dma2 semaphore(%run_scoped3A : memref<!tpu.dma_semaphore, #tpu.memory_space<semaphore_mem>>) src(%arg15 : memref<128x64xf32, #tpu.memory_space<vmem>>) dst(%dma_wait3A_158 : memref<128x64xf32, #tpu.memory_space<vmem_shared>>)
      tpu.yield
    }) : () -> ()
    %mul3A_23 = arith.constant 640 : i32
    %mul3A_24 = arith.muli %arg1, %mul3A_23 : i32
    %add3A_25 = arith.constant 384 : i32
    %add3A_26 = arith.addi %mul3A_24, %add3A_25 : i32
    "tpu.region"() ({
      %run_scoped3A = tpu.sem_alloc : memref<!tpu.dma_semaphore, #tpu.memory_space<semaphore_mem>>
      %dma_start3A_151 = arith.constant 0 : i32
      %dma_start3A_152 = tpu.memref_slice %arg8[%add3A_26, %dma_start3A_151] : memref<10240x64xf32, #tpu.memory_space<vmem_shared>> -> memref<128x64xf32, #tpu.memory_space<vmem_shared>>
      %dma_start3A_153 = arith.constant 0 : i32
      %dma_start3A_154 = tpu.memref_slice %arg8[%add3A_26, %dma_start3A_153] : memref<10240x64xf32, #tpu.memory_space<vmem_shared>> -> memref<128x64xf32, #tpu.memory_space<vmem_shared>>
      tpu.enqueue_dma source(%arg15 : memref<128x64xf32, #tpu.memory_space<vmem>>) target(%dma_start3A_154 : memref<128x64xf32, #tpu.memory_space<vmem_shared>>) target_semaphore(%run_scoped3A : memref<!tpu.dma_semaphore, #tpu.memory_space<semaphore_mem>>)
      %dma_wait3A_155 = arith.constant 0 : i32
      %dma_wait3A_156 = tpu.memref_slice %arg8[%add3A_26, %dma_wait3A_155] : memref<10240x64xf32, #tpu.memory_space<vmem_shared>> -> memref<128x64xf32, #tpu.memory_space<vmem_shared>>
      %dma_wait3A_157 = arith.constant 0 : i32
      %dma_wait3A_158 = tpu.memref_slice %arg8[%add3A_26, %dma_wait3A_157] : memref<10240x64xf32, #tpu.memory_space<vmem_shared>> -> memref<128x64xf32, #tpu.memory_space<vmem_shared>>
      tpu.wait_dma2 semaphore(%run_scoped3A : memref<!tpu.dma_semaphore, #tpu.memory_space<semaphore_mem>>) src(%arg15 : memref<128x64xf32, #tpu.memory_space<vmem>>) dst(%dma_wait3A_158 : memref<128x64xf32, #tpu.memory_space<vmem_shared>>)
      tpu.yield
    }) : () -> ()
    %mul3A_27 = arith.constant 640 : i32
    %mul3A_28 = arith.muli %arg1, %mul3A_27 : i32
    %add3A_29 = arith.constant 512 : i32
    %add3A_30 = arith.addi %mul3A_28, %add3A_29 : i32
    "tpu.region"() ({
      %run_scoped3A = tpu.sem_alloc : memref<!tpu.dma_semaphore, #tpu.memory_space<semaphore_mem>>
      %dma_start3A_151 = arith.constant 0 : i32
      %dma_start3A_152 = tpu.memref_slice %arg8[%add3A_30, %dma_start3A_151] : memref<10240x64xf32, #tpu.memory_space<vmem_shared>> -> memref<128x64xf32, #tpu.memory_space<vmem_shared>>
      %dma_start3A_153 = arith.constant 0 : i32
      %dma_start3A_154 = tpu.memref_slice %arg8[%add3A_30, %dma_start3A_153] : memref<10240x64xf32, #tpu.memory_space<vmem_shared>> -> memref<128x64xf32, #tpu.memory_space<vmem_shared>>
      tpu.enqueue_dma source(%arg15 : memref<128x64xf32, #tpu.memory_space<vmem>>) target(%dma_start3A_154 : memref<128x64xf32, #tpu.memory_space<vmem_shared>>) target_semaphore(%run_scoped3A : memref<!tpu.dma_semaphore, #tpu.memory_space<semaphore_mem>>)
      %dma_wait3A_155 = arith.constant 0 : i32
      %dma_wait3A_156 = tpu.memref_slice %arg8[%add3A_30, %dma_wait3A_155] : memref<10240x64xf32, #tpu.memory_space<vmem_shared>> -> memref<128x64xf32, #tpu.memory_space<vmem_shared>>
      %dma_wait3A_157 = arith.constant 0 : i32
      %dma_wait3A_158 = tpu.memref_slice %arg8[%add3A_30, %dma_wait3A_157] : memref<10240x64xf32, #tpu.memory_space<vmem_shared>> -> memref<128x64xf32, #tpu.memory_space<vmem_shared>>
      tpu.wait_dma2 semaphore(%run_scoped3A : memref<!tpu.dma_semaphore, #tpu.memory_space<semaphore_mem>>) src(%arg15 : memref<128x64xf32, #tpu.memory_space<vmem>>) dst(%dma_wait3A_158 : memref<128x64xf32, #tpu.memory_space<vmem_shared>>)
      tpu.yield
    }) : () -> ()
    %dma_wait3A = arith.constant 0 : i32
    %dma_wait3A_31 = tpu.memref_slice %arg7[%mul3A_2, %dma_wait3A] : memref<10240x64xf32, #tpu.memory_space<vmem_shared>> -> memref<640x64xf32, #tpu.memory_space<vmem_shared>>
    %dma_wait3A_32 = arith.constant 0 : i32
    %dma_wait3A_33 = tpu.memref_slice %arg2[%arg0, %mul3A_0, %dma_wait3A_32] : memref<2x10240x64xf32, #tpu.memory_space<hbm>> -> memref<1x640x64xf32, #tpu.memory_space<hbm>>
    %dma_wait3A_34 = tpu.memref_squeeze %dma_wait3A_33 : memref<1x640x64xf32, #tpu.memory_space<hbm>> -> memref<640x64xf32, #tpu.memory_space<hbm>>
    tpu.wait_dma2 semaphore(%arg17 : memref<!tpu.dma_semaphore, #tpu.memory_space<semaphore_mem>>) src(%dma_wait3A_34 : memref<640x64xf32, #tpu.memory_space<hbm>>) dst(%dma_wait3A_31 : memref<640x64xf32, #tpu.memory_space<vmem_shared>>)
    %barrier3A = arith.constant 0 : index
    tpu.barrier barrier_id(%barrier3A)
    %dma_start3A_35 = arith.constant 0 : i32
    %dma_start3A_36 = arith.constant 0 : i32
    %dma_start3A_37 = tpu.memref_slice %arg3[%arg1, %dma_start3A_35, %dma_start3A_36] : memref<16x160x128xi32, #tpu.memory_space<hbm>> -> memref<1x1x128xi32, #tpu.memory_space<hbm>>
    %dma_start3A_38 = tpu.memref_squeeze %dma_start3A_37 : memref<1x1x128xi32, #tpu.memory_space<hbm>> -> memref<128xi32, #tpu.memory_space<hbm>>
    %dma_start3A_39 = arith.constant 0 : i32
    %dma_start3A_40 = tpu.memref_slice %arg3[%arg1, %dma_start3A_35, %dma_start3A_39] : memref<16x160x128xi32, #tpu.memory_space<hbm>> -> memref<1x1x128xi32, #tpu.memory_space<hbm>>
    %dma_start3A_41 = tpu.memref_squeeze %dma_start3A_40 : memref<1x1x128xi32, #tpu.memory_space<hbm>> -> memref<128xi32, #tpu.memory_space<hbm>>
    tpu.enqueue_dma source(%dma_start3A_41 : memref<128xi32, #tpu.memory_space<hbm>>) target(%arg9 : memref<128xi32, #tpu.memory_space<vmem>>) target_semaphore(%arg18 : memref<!tpu.dma_semaphore, #tpu.memory_space<semaphore_mem>>)
    %dma_start3A_42 = arith.constant 0 : i32
    %dma_start3A_43 = arith.constant 0 : i32
    %dma_start3A_44 = tpu.memref_slice %arg4[%arg1, %dma_start3A_42, %dma_start3A_43] : memref<16x160x128xi32, #tpu.memory_space<hbm>> -> memref<1x1x128xi32, #tpu.memory_space<hbm>>
    %dma_start3A_45 = tpu.memref_squeeze %dma_start3A_44 : memref<1x1x128xi32, #tpu.memory_space<hbm>> -> memref<128xi32, #tpu.memory_space<hbm>>
    %dma_start3A_46 = arith.constant 0 : i32
    %dma_start3A_47 = tpu.memref_slice %arg4[%arg1, %dma_start3A_42, %dma_start3A_46] : memref<16x160x128xi32, #tpu.memory_space<hbm>> -> memref<1x1x128xi32, #tpu.memory_space<hbm>>
    %dma_start3A_48 = tpu.memref_squeeze %dma_start3A_47 : memref<1x1x128xi32, #tpu.memory_space<hbm>> -> memref<128xi32, #tpu.memory_space<hbm>>
    tpu.enqueue_dma source(%dma_start3A_48 : memref<128xi32, #tpu.memory_space<hbm>>) target(%arg11 : memref<128xi32, #tpu.memory_space<vmem>>) target_semaphore(%arg18 : memref<!tpu.dma_semaphore, #tpu.memory_space<semaphore_mem>>)
    %dma_start3A_49 = arith.constant 0 : i32
    %dma_start3A_50 = arith.constant 0 : i32
    %dma_start3A_51 = tpu.memref_slice %arg5[%arg1, %dma_start3A_49, %dma_start3A_50] : memref<16x160x128xf32, #tpu.memory_space<hbm>> -> memref<1x1x128xf32, #tpu.memory_space<hbm>>
    %dma_start3A_52 = tpu.memref_squeeze %dma_start3A_51 : memref<1x1x128xf32, #tpu.memory_space<hbm>> -> memref<128xf32, #tpu.memory_space<hbm>>
    %dma_start3A_53 = arith.constant 0 : i32
    %dma_start3A_54 = tpu.memref_slice %arg5[%arg1, %dma_start3A_49, %dma_start3A_53] : memref<16x160x128xf32, #tpu.memory_space<hbm>> -> memref<1x1x128xf32, #tpu.memory_space<hbm>>
    %dma_start3A_55 = tpu.memref_squeeze %dma_start3A_54 : memref<1x1x128xf32, #tpu.memory_space<hbm>> -> memref<128xf32, #tpu.memory_space<hbm>>
    tpu.enqueue_dma source(%dma_start3A_55 : memref<128xf32, #tpu.memory_space<hbm>>) target(%arg13 : memref<128xf32, #tpu.memory_space<vmem>>) target_semaphore(%arg18 : memref<!tpu.dma_semaphore, #tpu.memory_space<semaphore_mem>>)
    %dma_wait3A_56 = arith.constant 0 : i32
    %dma_wait3A_57 = arith.constant 0 : i32
    %dma_wait3A_58 = tpu.memref_slice %arg3[%arg1, %dma_wait3A_56, %dma_wait3A_57] : memref<16x160x128xi32, #tpu.memory_space<hbm>> -> memref<1x1x128xi32, #tpu.memory_space<hbm>>
    %dma_wait3A_59 = tpu.memref_squeeze %dma_wait3A_58 : memref<1x1x128xi32, #tpu.memory_space<hbm>> -> memref<128xi32, #tpu.memory_space<hbm>>
    %dma_wait3A_60 = arith.constant 0 : i32
    %dma_wait3A_61 = tpu.memref_slice %arg3[%arg1, %dma_wait3A_56, %dma_wait3A_60] : memref<16x160x128xi32, #tpu.memory_space<hbm>> -> memref<1x1x128xi32, #tpu.memory_space<hbm>>
    %dma_wait3A_62 = tpu.memref_squeeze %dma_wait3A_61 : memref<1x1x128xi32, #tpu.memory_space<hbm>> -> memref<128xi32, #tpu.memory_space<hbm>>
    tpu.wait_dma2 semaphore(%arg18 : memref<!tpu.dma_semaphore, #tpu.memory_space<semaphore_mem>>) src(%dma_wait3A_62 : memref<128xi32, #tpu.memory_space<hbm>>) dst(%arg9 : memref<128xi32, #tpu.memory_space<vmem>>)
    %dma_wait3A_63 = arith.constant 0 : i32
    %dma_wait3A_64 = arith.constant 0 : i32
    %dma_wait3A_65 = tpu.memref_slice %arg4[%arg1, %dma_wait3A_63, %dma_wait3A_64] : memref<16x160x128xi32, #tpu.memory_space<hbm>> -> memref<1x1x128xi32, #tpu.memory_space<hbm>>
    %dma_wait3A_66 = tpu.memref_squeeze %dma_wait3A_65 : memref<1x1x128xi32, #tpu.memory_space<hbm>> -> memref<128xi32, #tpu.memory_space<hbm>>
    %dma_wait3A_67 = arith.constant 0 : i32
    %dma_wait3A_68 = tpu.memref_slice %arg4[%arg1, %dma_wait3A_63, %dma_wait3A_67] : memref<16x160x128xi32, #tpu.memory_space<hbm>> -> memref<1x1x128xi32, #tpu.memory_space<hbm>>
    %dma_wait3A_69 = tpu.memref_squeeze %dma_wait3A_68 : memref<1x1x128xi32, #tpu.memory_space<hbm>> -> memref<128xi32, #tpu.memory_space<hbm>>
    tpu.wait_dma2 semaphore(%arg18 : memref<!tpu.dma_semaphore, #tpu.memory_space<semaphore_mem>>) src(%dma_wait3A_69 : memref<128xi32, #tpu.memory_space<hbm>>) dst(%arg11 : memref<128xi32, #tpu.memory_space<vmem>>)
    %dma_wait3A_70 = arith.constant 0 : i32
    %dma_wait3A_71 = arith.constant 0 : i32
    %dma_wait3A_72 = tpu.memref_slice %arg5[%arg1, %dma_wait3A_70, %dma_wait3A_71] : memref<16x160x128xf32, #tpu.memory_space<hbm>> -> memref<1x1x128xf32, #tpu.memory_space<hbm>>
    %dma_wait3A_73 = tpu.memref_squeeze %dma_wait3A_72 : memref<1x1x128xf32, #tpu.memory_space<hbm>> -> memref<128xf32, #tpu.memory_space<hbm>>
    %dma_wait3A_74 = arith.constant 0 : i32
    %dma_wait3A_75 = tpu.memref_slice %arg5[%arg1, %dma_wait3A_70, %dma_wait3A_74] : memref<16x160x128xf32, #tpu.memory_space<hbm>> -> memref<1x1x128xf32, #tpu.memory_space<hbm>>
    %dma_wait3A_76 = tpu.memref_squeeze %dma_wait3A_75 : memref<1x1x128xf32, #tpu.memory_space<hbm>> -> memref<128xf32, #tpu.memory_space<hbm>>
    tpu.wait_dma2 semaphore(%arg18 : memref<!tpu.dma_semaphore, #tpu.memory_space<semaphore_mem>>) src(%dma_wait3A_76 : memref<128xf32, #tpu.memory_space<hbm>>) dst(%arg13 : memref<128xf32, #tpu.memory_space<vmem>>)
    %dma_start3A_77 = arith.constant 0 : i32
    %dma_start3A_78 = arith.constant 0 : i32
    %dma_start3A_79 = tpu.memref_slice %arg7[%dma_start3A_77, %dma_start3A_78] : memref<10240x64xf32, #tpu.memory_space<vmem_shared>> -> memref<10240x64xf32, #tpu.memory_space<vmem_shared>>
    tpu.enqueue_indirect_dma source(%dma_start3A_79 : memref<10240x64xf32, #tpu.memory_space<vmem_shared>>) target(%arg15 : memref<128x64xf32, #tpu.memory_space<vmem>>) offsets(%arg9 : memref<128xi32, #tpu.memory_space<vmem>>) semaphore(%arg20 : memref<!tpu.dma_semaphore, #tpu.memory_space<semaphore_mem>>)
    %dma_start3A_80 = arith.constant 1 : i32
    %dma_start3A_81 = arith.constant 0 : i32
    %dma_start3A_82 = tpu.memref_slice %arg3[%arg1, %dma_start3A_80, %dma_start3A_81] : memref<16x160x128xi32, #tpu.memory_space<hbm>> -> memref<1x1x128xi32, #tpu.memory_space<hbm>>
    %dma_start3A_83 = tpu.memref_squeeze %dma_start3A_82 : memref<1x1x128xi32, #tpu.memory_space<hbm>> -> memref<128xi32, #tpu.memory_space<hbm>>
    %dma_start3A_84 = arith.constant 0 : i32
    %dma_start3A_85 = tpu.memref_slice %arg3[%arg1, %dma_start3A_80, %dma_start3A_84] : memref<16x160x128xi32, #tpu.memory_space<hbm>> -> memref<1x1x128xi32, #tpu.memory_space<hbm>>
    %dma_start3A_86 = tpu.memref_squeeze %dma_start3A_85 : memref<1x1x128xi32, #tpu.memory_space<hbm>> -> memref<128xi32, #tpu.memory_space<hbm>>
    tpu.enqueue_dma source(%dma_start3A_86 : memref<128xi32, #tpu.memory_space<hbm>>) target(%arg10 : memref<128xi32, #tpu.memory_space<vmem>>) target_semaphore(%arg19 : memref<!tpu.dma_semaphore, #tpu.memory_space<semaphore_mem>>)
    %dma_start3A_87 = arith.constant 1 : i32
    %dma_start3A_88 = arith.constant 0 : i32
    %dma_start3A_89 = tpu.memref_slice %arg4[%arg1, %dma_start3A_87, %dma_start3A_88] : memref<16x160x128xi32, #tpu.memory_space<hbm>> -> memref<1x1x128xi32, #tpu.memory_space<hbm>>
    %dma_start3A_90 = tpu.memref_squeeze %dma_start3A_89 : memref<1x1x128xi32, #tpu.memory_space<hbm>> -> memref<128xi32, #tpu.memory_space<hbm>>
    %dma_start3A_91 = arith.constant 0 : i32
    %dma_start3A_92 = tpu.memref_slice %arg4[%arg1, %dma_start3A_87, %dma_start3A_91] : memref<16x160x128xi32, #tpu.memory_space<hbm>> -> memref<1x1x128xi32, #tpu.memory_space<hbm>>
    %dma_start3A_93 = tpu.memref_squeeze %dma_start3A_92 : memref<1x1x128xi32, #tpu.memory_space<hbm>> -> memref<128xi32, #tpu.memory_space<hbm>>
    tpu.enqueue_dma source(%dma_start3A_93 : memref<128xi32, #tpu.memory_space<hbm>>) target(%arg12 : memref<128xi32, #tpu.memory_space<vmem>>) target_semaphore(%arg19 : memref<!tpu.dma_semaphore, #tpu.memory_space<semaphore_mem>>)
    %dma_start3A_94 = arith.constant 1 : i32
    %dma_start3A_95 = arith.constant 0 : i32
    %dma_start3A_96 = tpu.memref_slice %arg5[%arg1, %dma_start3A_94, %dma_start3A_95] : memref<16x160x128xf32, #tpu.memory_space<hbm>> -> memref<1x1x128xf32, #tpu.memory_space<hbm>>
    %dma_start3A_97 = tpu.memref_squeeze %dma_start3A_96 : memref<1x1x128xf32, #tpu.memory_space<hbm>> -> memref<128xf32, #tpu.memory_space<hbm>>
    %dma_start3A_98 = arith.constant 0 : i32
    %dma_start3A_99 = tpu.memref_slice %arg5[%arg1, %dma_start3A_94, %dma_start3A_98] : memref<16x160x128xf32, #tpu.memory_space<hbm>> -> memref<1x1x128xf32, #tpu.memory_space<hbm>>
    %dma_start3A_100 = tpu.memref_squeeze %dma_start3A_99 : memref<1x1x128xf32, #tpu.memory_space<hbm>> -> memref<128xf32, #tpu.memory_space<hbm>>
    tpu.enqueue_dma source(%dma_start3A_100 : memref<128xf32, #tpu.memory_space<hbm>>) target(%arg14 : memref<128xf32, #tpu.memory_space<vmem>>) target_semaphore(%arg19 : memref<!tpu.dma_semaphore, #tpu.memory_space<semaphore_mem>>)
    %scan3A_101 = arith.constant 0 : i32
    %scan3A_102 = arith.constant 79 : i32
    %scan3A_103 = arith.addi %scan3A_101, %scan3A_102 : i32
    %scan3A_104 = arith.constant 1 : i32
    scf.for %scan3A_151 = %scan3A_101 to %scan3A_103 step %scan3A_104  : i32 {
      %mul3A_152 = arith.constant 2 : i32
      %mul3A_153 = arith.muli %mul3A_152, %scan3A_151 : i32
      %add3A_154 = arith.constant 1 : i32
      %add3A_155 = arith.addi %mul3A_153, %add3A_154 : i32
      %dma_wait3A_156 = arith.constant 0 : i32
      %dma_wait3A_157 = tpu.memref_slice %arg3[%arg1, %add3A_155, %dma_wait3A_156] : memref<16x160x128xi32, #tpu.memory_space<hbm>> -> memref<1x1x128xi32, #tpu.memory_space<hbm>>
      %dma_wait3A_158 = tpu.memref_squeeze %dma_wait3A_157 : memref<1x1x128xi32, #tpu.memory_space<hbm>> -> memref<128xi32, #tpu.memory_space<hbm>>
      %dma_wait3A_159 = arith.constant 0 : i32
      %dma_wait3A_160 = tpu.memref_slice %arg3[%arg1, %add3A_155, %dma_wait3A_159] : memref<16x160x128xi32, #tpu.memory_space<hbm>> -> memref<1x1x128xi32, #tpu.memory_space<hbm>>
      %dma_wait3A_161 = tpu.memref_squeeze %dma_wait3A_160 : memref<1x1x128xi32, #tpu.memory_space<hbm>> -> memref<128xi32, #tpu.memory_space<hbm>>
      tpu.wait_dma2 semaphore(%arg19 : memref<!tpu.dma_semaphore, #tpu.memory_space<semaphore_mem>>) src(%dma_wait3A_161 : memref<128xi32, #tpu.memory_space<hbm>>) dst(%arg10 : memref<128xi32, #tpu.memory_space<vmem>>)
      %dma_wait3A_162 = arith.constant 0 : i32
      %dma_wait3A_163 = tpu.memref_slice %arg4[%arg1, %add3A_155, %dma_wait3A_162] : memref<16x160x128xi32, #tpu.memory_space<hbm>> -> memref<1x1x128xi32, #tpu.memory_space<hbm>>
      %dma_wait3A_164 = tpu.memref_squeeze %dma_wait3A_163 : memref<1x1x128xi32, #tpu.memory_space<hbm>> -> memref<128xi32, #tpu.memory_space<hbm>>
      %dma_wait3A_165 = arith.constant 0 : i32
      %dma_wait3A_166 = tpu.memref_slice %arg4[%arg1, %add3A_155, %dma_wait3A_165] : memref<16x160x128xi32, #tpu.memory_space<hbm>> -> memref<1x1x128xi32, #tpu.memory_space<hbm>>
      %dma_wait3A_167 = tpu.memref_squeeze %dma_wait3A_166 : memref<1x1x128xi32, #tpu.memory_space<hbm>> -> memref<128xi32, #tpu.memory_space<hbm>>
      tpu.wait_dma2 semaphore(%arg19 : memref<!tpu.dma_semaphore, #tpu.memory_space<semaphore_mem>>) src(%dma_wait3A_167 : memref<128xi32, #tpu.memory_space<hbm>>) dst(%arg12 : memref<128xi32, #tpu.memory_space<vmem>>)
      %dma_wait3A_168 = arith.constant 0 : i32
      %dma_wait3A_169 = tpu.memref_slice %arg5[%arg1, %add3A_155, %dma_wait3A_168] : memref<16x160x128xf32, #tpu.memory_space<hbm>> -> memref<1x1x128xf32, #tpu.memory_space<hbm>>
      %dma_wait3A_170 = tpu.memref_squeeze %dma_wait3A_169 : memref<1x1x128xf32, #tpu.memory_space<hbm>> -> memref<128xf32, #tpu.memory_space<hbm>>
      %dma_wait3A_171 = arith.constant 0 : i32
      %dma_wait3A_172 = tpu.memref_slice %arg5[%arg1, %add3A_155, %dma_wait3A_171] : memref<16x160x128xf32, #tpu.memory_space<hbm>> -> memref<1x1x128xf32, #tpu.memory_space<hbm>>
      %dma_wait3A_173 = tpu.memref_squeeze %dma_wait3A_172 : memref<1x1x128xf32, #tpu.memory_space<hbm>> -> memref<128xf32, #tpu.memory_space<hbm>>
      tpu.wait_dma2 semaphore(%arg19 : memref<!tpu.dma_semaphore, #tpu.memory_space<semaphore_mem>>) src(%dma_wait3A_173 : memref<128xf32, #tpu.memory_space<hbm>>) dst(%arg14 : memref<128xf32, #tpu.memory_space<vmem>>)
      %dma_wait3A_174 = arith.constant 0 : i32
      %dma_wait3A_175 = arith.constant 0 : i32
      %dma_wait3A_176 = tpu.memref_slice %arg7[%dma_wait3A_174, %dma_wait3A_175] : memref<10240x64xf32, #tpu.memory_space<vmem_shared>> -> memref<10240x64xf32, #tpu.memory_space<vmem_shared>>
      tpu.wait_indirect_dma semaphore(%arg20 : memref<!tpu.dma_semaphore, #tpu.memory_space<semaphore_mem>>) src(%dma_wait3A_176 : memref<10240x64xf32, #tpu.memory_space<vmem_shared>>) dst(%arg15 : memref<128x64xf32, #tpu.memory_space<vmem>>)
      %dma_start3A_177 = arith.constant 0 : i32
      %dma_start3A_178 = arith.constant 0 : i32
      %dma_start3A_179 = tpu.memref_slice %arg7[%dma_start3A_177, %dma_start3A_178] : memref<10240x64xf32, #tpu.memory_space<vmem_shared>> -> memref<10240x64xf32, #tpu.memory_space<vmem_shared>>
      tpu.enqueue_indirect_dma source(%dma_start3A_179 : memref<10240x64xf32, #tpu.memory_space<vmem_shared>>) target(%arg16 : memref<128x64xf32, #tpu.memory_space<vmem>>) offsets(%arg10 : memref<128xi32, #tpu.memory_space<vmem>>) semaphore(%arg20 : memref<!tpu.dma_semaphore, #tpu.memory_space<semaphore_mem>>)
      %scan3A_180 = arith.constant 0 : i32
      %scan3A_181 = arith.constant 128 : i32
      %scan3A_182 = arith.addi %scan3A_180, %scan3A_181 : i32
      %scan3A_183 = arith.constant 1 : i32
      scf.for %scan3A_256 = %scan3A_180 to %scan3A_182 step %scan3A_183  : i32 {
        %and3A = arith.constant -16 : i32
        %and3A_257 = arith.andi %scan3A_256, %and3A : i32
        %get3A = arith.index_cast %and3A_257 : i32 to index
        %get3A_258 = tpu.vector_load %arg13[%get3A] {strides = array<i32>} : memref<128xf32, #tpu.memory_space<vmem>>, vector<16xf32>,
        %get3A_259 = vector.shape_cast %get3A_258 : vector<16xf32> to vector<16xf32>
        %and3A_260 = arith.constant 15 : i32
        %and3A_261 = arith.andi %scan3A_256, %and3A_260 : i32
        %broadcast_in_dim3A_262 = vector.broadcast %and3A_261 : i32 to vector<16x1xi32>
        %gather3A = vector.shape_cast %broadcast_in_dim3A_262 : vector<16x1xi32> to vector<16xi32>
        %gather3A_263 = tpu.dynamic_gather %get3A_259[%gather3A] in [0] : vector<16xf32>, vector<16xi32> -> vector<16xf32>
        %get3A_264 = arith.index_cast %scan3A_256 : i32 to index
        %get3A_265 = arith.constant 0 : index
        %get3A_266 = tpu.vector_load %arg15[%get3A_264, %get3A_265] {strides = array<i32>} : memref<128x64xf32, #tpu.memory_space<vmem>>, vector<1x16xf32>,
        %get3A_267 = vector.shape_cast %get3A_266 : vector<1x16xf32> to vector<16xf32>
        %mul3A_268 = arith.mulf %get3A_267, %gather3A_263 : vector<16xf32>
        %swap3A = arith.index_cast %scan3A_256 : i32 to index
        %swap3A_269 = arith.constant 0 : index
        %swap3A_270 = tpu.vector_load %arg15[%swap3A, %swap3A_269] {strides = array<i32>} : memref<128x64xf32, #tpu.memory_space<vmem>>, vector<1x16xf32>,
        %swap3A_271 = vector.shape_cast %swap3A_270 : vector<1x16xf32> to vector<16xf32>
        %swap3A_272 = vector.shape_cast %mul3A_268 : vector<16xf32> to vector<1x16xf32>
        tpu.vector_store %arg15[%swap3A, %swap3A_269], %swap3A_272 {strides = array<i32>} : memref<128x64xf32, #tpu.memory_space<vmem>>, vector<1x16xf32>,
        %get3A_273 = arith.index_cast %scan3A_256 : i32 to index
        %get3A_274 = arith.constant 16 : index
        %get3A_275 = tpu.vector_load %arg15[%get3A_273, %get3A_274] {strides = array<i32>} : memref<128x64xf32, #tpu.memory_space<vmem>>, vector<1x16xf32>,
        %get3A_276 = vector.shape_cast %get3A_275 : vector<1x16xf32> to vector<16xf32>
        %mul3A_277 = arith.mulf %get3A_276, %gather3A_263 : vector<16xf32>
        %swap3A_278 = arith.index_cast %scan3A_256 : i32 to index
        %swap3A_279 = arith.constant 16 : index
        %swap3A_280 = tpu.vector_load %arg15[%swap3A_278, %swap3A_279] {strides = array<i32>} : memref<128x64xf32, #tpu.memory_space<vmem>>, vector<1x16xf32>,
        %swap3A_281 = vector.shape_cast %swap3A_280 : vector<1x16xf32> to vector<16xf32>
        %swap3A_282 = vector.shape_cast %mul3A_277 : vector<16xf32> to vector<1x16xf32>
        tpu.vector_store %arg15[%swap3A_278, %swap3A_279], %swap3A_282 {strides = array<i32>} : memref<128x64xf32, #tpu.memory_space<vmem>>, vector<1x16xf32>,
        %get3A_283 = arith.index_cast %scan3A_256 : i32 to index
        %get3A_284 = arith.constant 32 : index
        %get3A_285 = tpu.vector_load %arg15[%get3A_283, %get3A_284] {strides = array<i32>} : memref<128x64xf32, #tpu.memory_space<vmem>>, vector<1x16xf32>,
        %get3A_286 = vector.shape_cast %get3A_285 : vector<1x16xf32> to vector<16xf32>
        %mul3A_287 = arith.mulf %get3A_286, %gather3A_263 : vector<16xf32>
        %swap3A_288 = arith.index_cast %scan3A_256 : i32 to index
        %swap3A_289 = arith.constant 32 : index
        %swap3A_290 = tpu.vector_load %arg15[%swap3A_288, %swap3A_289] {strides = array<i32>} : memref<128x64xf32, #tpu.memory_space<vmem>>, vector<1x16xf32>,
        %swap3A_291 = vector.shape_cast %swap3A_290 : vector<1x16xf32> to vector<16xf32>
        %swap3A_292 = vector.shape_cast %mul3A_287 : vector<16xf32> to vector<1x16xf32>
        tpu.vector_store %arg15[%swap3A_288, %swap3A_289], %swap3A_292 {strides = array<i32>} : memref<128x64xf32, #tpu.memory_space<vmem>>, vector<1x16xf32>,
        %get3A_293 = arith.index_cast %scan3A_256 : i32 to index
        %get3A_294 = arith.constant 48 : index
        %get3A_295 = tpu.vector_load %arg15[%get3A_293, %get3A_294] {strides = array<i32>} : memref<128x64xf32, #tpu.memory_space<vmem>>, vector<1x16xf32>,
        %get3A_296 = vector.shape_cast %get3A_295 : vector<1x16xf32> to vector<16xf32>
        %mul3A_297 = arith.mulf %get3A_296, %gather3A_263 : vector<16xf32>
        %swap3A_298 = arith.index_cast %scan3A_256 : i32 to index
        %swap3A_299 = arith.constant 48 : index
        %swap3A_300 = tpu.vector_load %arg15[%swap3A_298, %swap3A_299] {strides = array<i32>} : memref<128x64xf32, #tpu.memory_space<vmem>>, vector<1x16xf32>,
        %swap3A_301 = vector.shape_cast %swap3A_300 : vector<1x16xf32> to vector<16xf32>
        %swap3A_302 = vector.shape_cast %mul3A_297 : vector<16xf32> to vector<1x16xf32>
        tpu.vector_store %arg15[%swap3A_298, %swap3A_299], %swap3A_302 {strides = array<i32>} : memref<128x64xf32, #tpu.memory_space<vmem>>, vector<1x16xf32>,
      }
      %scan3A_184 = arith.constant 128 : i32
      "tpu.region"() ({
        %run_scoped3A = tpu.sem_alloc : memref<!tpu.dma_semaphore, #tpu.memory_space<semaphore_mem>>
        %dma_start3A_256 = arith.constant 0 : i32
        %dma_start3A_257 = arith.constant 0 : i32
        %dma_start3A_258 = tpu.memref_slice %arg8[%dma_start3A_256, %dma_start3A_257] : memref<10240x64xf32, #tpu.memory_space<vmem_shared>> -> memref<10240x64xf32, #tpu.memory_space<vmem_shared>>
        tpu.enqueue_indirect_dma source(%arg15 : memref<128x64xf32, #tpu.memory_space<vmem>>) target(%dma_start3A_258 : memref<10240x64xf32, #tpu.memory_space<vmem_shared>>) offsets(%arg11 : memref<128xi32, #tpu.memory_space<vmem>>) semaphore(%run_scoped3A : memref<!tpu.dma_semaphore, #tpu.memory_space<semaphore_mem>>) {add = true}
        %dma_wait3A_259 = arith.constant 0 : i32
        %dma_wait3A_260 = arith.constant 0 : i32
        %dma_wait3A_261 = tpu.memref_slice %arg8[%dma_wait3A_259, %dma_wait3A_260] : memref<10240x64xf32, #tpu.memory_space<vmem_shared>> -> memref<10240x64xf32, #tpu.memory_space<vmem_shared>>
        tpu.wait_indirect_dma semaphore(%run_scoped3A : memref<!tpu.dma_semaphore, #tpu.memory_space<semaphore_mem>>) src(%arg15 : memref<128x64xf32, #tpu.memory_space<vmem>>) dst(%dma_wait3A_261 : memref<10240x64xf32, #tpu.memory_space<vmem_shared>>)
        tpu.yield
      }) : () -> ()
      %add3A_185 = arith.constant 2 : i32
      %add3A_186 = arith.addi %mul3A_153, %add3A_185 : i32
      %dma_start3A_187 = arith.constant 0 : i32
      %dma_start3A_188 = tpu.memref_slice %arg3[%arg1, %add3A_186, %dma_start3A_187] : memref<16x160x128xi32, #tpu.memory_space<hbm>> -> memref<1x1x128xi32, #tpu.memory_space<hbm>>
      %dma_start3A_189 = tpu.memref_squeeze %dma_start3A_188 : memref<1x1x128xi32, #tpu.memory_space<hbm>> -> memref<128xi32, #tpu.memory_space<hbm>>
      %dma_start3A_190 = arith.constant 0 : i32
      %dma_start3A_191 = tpu.memref_slice %arg3[%arg1, %add3A_186, %dma_start3A_190] : memref<16x160x128xi32, #tpu.memory_space<hbm>> -> memref<1x1x128xi32, #tpu.memory_space<hbm>>
      %dma_start3A_192 = tpu.memref_squeeze %dma_start3A_191 : memref<1x1x128xi32, #tpu.memory_space<hbm>> -> memref<128xi32, #tpu.memory_space<hbm>>
      tpu.enqueue_dma source(%dma_start3A_192 : memref<128xi32, #tpu.memory_space<hbm>>) target(%arg9 : memref<128xi32, #tpu.memory_space<vmem>>) target_semaphore(%arg18 : memref<!tpu.dma_semaphore, #tpu.memory_space<semaphore_mem>>)
      %dma_start3A_193 = arith.constant 0 : i32
      %dma_start3A_194 = tpu.memref_slice %arg4[%arg1, %add3A_186, %dma_start3A_193] : memref<16x160x128xi32, #tpu.memory_space<hbm>> -> memref<1x1x128xi32, #tpu.memory_space<hbm>>
      %dma_start3A_195 = tpu.memref_squeeze %dma_start3A_194 : memref<1x1x128xi32, #tpu.memory_space<hbm>> -> memref<128xi32, #tpu.memory_space<hbm>>
      %dma_start3A_196 = arith.constant 0 : i32
      %dma_start3A_197 = tpu.memref_slice %arg4[%arg1, %add3A_186, %dma_start3A_196] : memref<16x160x128xi32, #tpu.memory_space<hbm>> -> memref<1x1x128xi32, #tpu.memory_space<hbm>>
      %dma_start3A_198 = tpu.memref_squeeze %dma_start3A_197 : memref<1x1x128xi32, #tpu.memory_space<hbm>> -> memref<128xi32, #tpu.memory_space<hbm>>
      tpu.enqueue_dma source(%dma_start3A_198 : memref<128xi32, #tpu.memory_space<hbm>>) target(%arg11 : memref<128xi32, #tpu.memory_space<vmem>>) target_semaphore(%arg18 : memref<!tpu.dma_semaphore, #tpu.memory_space<semaphore_mem>>)
      %dma_start3A_199 = arith.constant 0 : i32
      %dma_start3A_200 = tpu.memref_slice %arg5[%arg1, %add3A_186, %dma_start3A_199] : memref<16x160x128xf32, #tpu.memory_space<hbm>> -> memref<1x1x128xf32, #tpu.memory_space<hbm>>
      %dma_start3A_201 = tpu.memref_squeeze %dma_start3A_200 : memref<1x1x128xf32, #tpu.memory_space<hbm>> -> memref<128xf32, #tpu.memory_space<hbm>>
      %dma_start3A_202 = arith.constant 0 : i32
      %dma_start3A_203 = tpu.memref_slice %arg5[%arg1, %add3A_186, %dma_start3A_202] : memref<16x160x128xf32, #tpu.memory_space<hbm>> -> memref<1x1x128xf32, #tpu.memory_space<hbm>>
      %dma_start3A_204 = tpu.memref_squeeze %dma_start3A_203 : memref<1x1x128xf32, #tpu.memory_space<hbm>> -> memref<128xf32, #tpu.memory_space<hbm>>
      tpu.enqueue_dma source(%dma_start3A_204 : memref<128xf32, #tpu.memory_space<hbm>>) target(%arg13 : memref<128xf32, #tpu.memory_space<vmem>>) target_semaphore(%arg18 : memref<!tpu.dma_semaphore, #tpu.memory_space<semaphore_mem>>)
      %dma_wait3A_205 = arith.constant 0 : i32
      %dma_wait3A_206 = arith.constant 0 : i32
      %dma_wait3A_207 = tpu.memref_slice %arg7[%dma_wait3A_205, %dma_wait3A_206] : memref<10240x64xf32, #tpu.memory_space<vmem_shared>> -> memref<10240x64xf32, #tpu.memory_space<vmem_shared>>
      tpu.wait_indirect_dma semaphore(%arg20 : memref<!tpu.dma_semaphore, #tpu.memory_space<semaphore_mem>>) src(%dma_wait3A_207 : memref<10240x64xf32, #tpu.memory_space<vmem_shared>>) dst(%arg16 : memref<128x64xf32, #tpu.memory_space<vmem>>)
      %scan3A_208 = arith.constant 0 : i32
      %scan3A_209 = arith.constant 128 : i32
      %scan3A_210 = arith.addi %scan3A_208, %scan3A_209 : i32
      %scan3A_211 = arith.constant 1 : i32
      scf.for %scan3A_256 = %scan3A_208 to %scan3A_210 step %scan3A_211  : i32 {
        %and3A = arith.constant -16 : i32
        %and3A_257 = arith.andi %scan3A_256, %and3A : i32
        %get3A = arith.index_cast %and3A_257 : i32 to index
        %get3A_258 = tpu.vector_load %arg14[%get3A] {strides = array<i32>} : memref<128xf32, #tpu.memory_space<vmem>>, vector<16xf32>,
        %get3A_259 = vector.shape_cast %get3A_258 : vector<16xf32> to vector<16xf32>
        %and3A_260 = arith.constant 15 : i32
        %and3A_261 = arith.andi %scan3A_256, %and3A_260 : i32
        %broadcast_in_dim3A_262 = vector.broadcast %and3A_261 : i32 to vector<16x1xi32>
        %gather3A = vector.shape_cast %broadcast_in_dim3A_262 : vector<16x1xi32> to vector<16xi32>
        %gather3A_263 = tpu.dynamic_gather %get3A_259[%gather3A] in [0] : vector<16xf32>, vector<16xi32> -> vector<16xf32>
        %get3A_264 = arith.index_cast %scan3A_256 : i32 to index
        %get3A_265 = arith.constant 0 : index
        %get3A_266 = tpu.vector_load %arg16[%get3A_264, %get3A_265] {strides = array<i32>} : memref<128x64xf32, #tpu.memory_space<vmem>>, vector<1x16xf32>,
        %get3A_267 = vector.shape_cast %get3A_266 : vector<1x16xf32> to vector<16xf32>
        %mul3A_268 = arith.mulf %get3A_267, %gather3A_263 : vector<16xf32>
        %swap3A = arith.index_cast %scan3A_256 : i32 to index
        %swap3A_269 = arith.constant 0 : index
        %swap3A_270 = tpu.vector_load %arg16[%swap3A, %swap3A_269] {strides = array<i32>} : memref<128x64xf32, #tpu.memory_space<vmem>>, vector<1x16xf32>,
        %swap3A_271 = vector.shape_cast %swap3A_270 : vector<1x16xf32> to vector<16xf32>
        %swap3A_272 = vector.shape_cast %mul3A_268 : vector<16xf32> to vector<1x16xf32>
        tpu.vector_store %arg16[%swap3A, %swap3A_269], %swap3A_272 {strides = array<i32>} : memref<128x64xf32, #tpu.memory_space<vmem>>, vector<1x16xf32>,
        %get3A_273 = arith.index_cast %scan3A_256 : i32 to index
        %get3A_274 = arith.constant 16 : index
        %get3A_275 = tpu.vector_load %arg16[%get3A_273, %get3A_274] {strides = array<i32>} : memref<128x64xf32, #tpu.memory_space<vmem>>, vector<1x16xf32>,
        %get3A_276 = vector.shape_cast %get3A_275 : vector<1x16xf32> to vector<16xf32>
        %mul3A_277 = arith.mulf %get3A_276, %gather3A_263 : vector<16xf32>
        %swap3A_278 = arith.index_cast %scan3A_256 : i32 to index
        %swap3A_279 = arith.constant 16 : index
        %swap3A_280 = tpu.vector_load %arg16[%swap3A_278, %swap3A_279] {strides = array<i32>} : memref<128x64xf32, #tpu.memory_space<vmem>>, vector<1x16xf32>,
        %swap3A_281 = vector.shape_cast %swap3A_280 : vector<1x16xf32> to vector<16xf32>
        %swap3A_282 = vector.shape_cast %mul3A_277 : vector<16xf32> to vector<1x16xf32>
        tpu.vector_store %arg16[%swap3A_278, %swap3A_279], %swap3A_282 {strides = array<i32>} : memref<128x64xf32, #tpu.memory_space<vmem>>, vector<1x16xf32>,
        %get3A_283 = arith.index_cast %scan3A_256 : i32 to index
        %get3A_284 = arith.constant 32 : index
        %get3A_285 = tpu.vector_load %arg16[%get3A_283, %get3A_284] {strides = array<i32>} : memref<128x64xf32, #tpu.memory_space<vmem>>, vector<1x16xf32>,
        %get3A_286 = vector.shape_cast %get3A_285 : vector<1x16xf32> to vector<16xf32>
        %mul3A_287 = arith.mulf %get3A_286, %gather3A_263 : vector<16xf32>
        %swap3A_288 = arith.index_cast %scan3A_256 : i32 to index
        %swap3A_289 = arith.constant 32 : index
        %swap3A_290 = tpu.vector_load %arg16[%swap3A_288, %swap3A_289] {strides = array<i32>} : memref<128x64xf32, #tpu.memory_space<vmem>>, vector<1x16xf32>,
        %swap3A_291 = vector.shape_cast %swap3A_290 : vector<1x16xf32> to vector<16xf32>
        %swap3A_292 = vector.shape_cast %mul3A_287 : vector<16xf32> to vector<1x16xf32>
        tpu.vector_store %arg16[%swap3A_288, %swap3A_289], %swap3A_292 {strides = array<i32>} : memref<128x64xf32, #tpu.memory_space<vmem>>, vector<1x16xf32>,
        %get3A_293 = arith.index_cast %scan3A_256 : i32 to index
        %get3A_294 = arith.constant 48 : index
        %get3A_295 = tpu.vector_load %arg16[%get3A_293, %get3A_294] {strides = array<i32>} : memref<128x64xf32, #tpu.memory_space<vmem>>, vector<1x16xf32>,
        %get3A_296 = vector.shape_cast %get3A_295 : vector<1x16xf32> to vector<16xf32>
        %mul3A_297 = arith.mulf %get3A_296, %gather3A_263 : vector<16xf32>
        %swap3A_298 = arith.index_cast %scan3A_256 : i32 to index
        %swap3A_299 = arith.constant 48 : index
        %swap3A_300 = tpu.vector_load %arg16[%swap3A_298, %swap3A_299] {strides = array<i32>} : memref<128x64xf32, #tpu.memory_space<vmem>>, vector<1x16xf32>,
        %swap3A_301 = vector.shape_cast %swap3A_300 : vector<1x16xf32> to vector<16xf32>
        %swap3A_302 = vector.shape_cast %mul3A_297 : vector<16xf32> to vector<1x16xf32>
        tpu.vector_store %arg16[%swap3A_298, %swap3A_299], %swap3A_302 {strides = array<i32>} : memref<128x64xf32, #tpu.memory_space<vmem>>, vector<1x16xf32>,
      }
      %scan3A_212 = arith.constant 128 : i32
      %add3A_213 = arith.constant 2 : i32
      %add3A_214 = arith.addi %mul3A_153, %add3A_213 : i32
      %dma_wait3A_215 = arith.constant 0 : i32
      %dma_wait3A_216 = tpu.memref_slice %arg3[%arg1, %add3A_214, %dma_wait3A_215] : memref<16x160x128xi32, #tpu.memory_space<hbm>> -> memref<1x1x128xi32, #tpu.memory_space<hbm>>
      %dma_wait3A_217 = tpu.memref_squeeze %dma_wait3A_216 : memref<1x1x128xi32, #tpu.memory_space<hbm>> -> memref<128xi32, #tpu.memory_space<hbm>>
      %dma_wait3A_218 = arith.constant 0 : i32
      %dma_wait3A_219 = tpu.memref_slice %arg3[%arg1, %add3A_214, %dma_wait3A_218] : memref<16x160x128xi32, #tpu.memory_space<hbm>> -> memref<1x1x128xi32, #tpu.memory_space<hbm>>
      %dma_wait3A_220 = tpu.memref_squeeze %dma_wait3A_219 : memref<1x1x128xi32, #tpu.memory_space<hbm>> -> memref<128xi32, #tpu.memory_space<hbm>>
      tpu.wait_dma2 semaphore(%arg18 : memref<!tpu.dma_semaphore, #tpu.memory_space<semaphore_mem>>) src(%dma_wait3A_220 : memref<128xi32, #tpu.memory_space<hbm>>) dst(%arg9 : memref<128xi32, #tpu.memory_space<vmem>>)
      %dma_wait3A_221 = arith.constant 0 : i32
      %dma_wait3A_222 = tpu.memref_slice %arg4[%arg1, %add3A_214, %dma_wait3A_221] : memref<16x160x128xi32, #tpu.memory_space<hbm>> -> memref<1x1x128xi32, #tpu.memory_space<hbm>>
      %dma_wait3A_223 = tpu.memref_squeeze %dma_wait3A_222 : memref<1x1x128xi32, #tpu.memory_space<hbm>> -> memref<128xi32, #tpu.memory_space<hbm>>
      %dma_wait3A_224 = arith.constant 0 : i32
      %dma_wait3A_225 = tpu.memref_slice %arg4[%arg1, %add3A_214, %dma_wait3A_224] : memref<16x160x128xi32, #tpu.memory_space<hbm>> -> memref<1x1x128xi32, #tpu.memory_space<hbm>>
      %dma_wait3A_226 = tpu.memref_squeeze %dma_wait3A_225 : memref<1x1x128xi32, #tpu.memory_space<hbm>> -> memref<128xi32, #tpu.memory_space<hbm>>
      tpu.wait_dma2 semaphore(%arg18 : memref<!tpu.dma_semaphore, #tpu.memory_space<semaphore_mem>>) src(%dma_wait3A_226 : memref<128xi32, #tpu.memory_space<hbm>>) dst(%arg11 : memref<128xi32, #tpu.memory_space<vmem>>)
      %dma_wait3A_227 = arith.constant 0 : i32
      %dma_wait3A_228 = tpu.memref_slice %arg5[%arg1, %add3A_214, %dma_wait3A_227] : memref<16x160x128xf32, #tpu.memory_space<hbm>> -> memref<1x1x128xf32, #tpu.memory_space<hbm>>
      %dma_wait3A_229 = tpu.memref_squeeze %dma_wait3A_228 : memref<1x1x128xf32, #tpu.memory_space<hbm>> -> memref<128xf32, #tpu.memory_space<hbm>>
      %dma_wait3A_230 = arith.constant 0 : i32
      %dma_wait3A_231 = tpu.memref_slice %arg5[%arg1, %add3A_214, %dma_wait3A_230] : memref<16x160x128xf32, #tpu.memory_space<hbm>> -> memref<1x1x128xf32, #tpu.memory_space<hbm>>
      %dma_wait3A_232 = tpu.memref_squeeze %dma_wait3A_231 : memref<1x1x128xf32, #tpu.memory_space<hbm>> -> memref<128xf32, #tpu.memory_space<hbm>>
      tpu.wait_dma2 semaphore(%arg18 : memref<!tpu.dma_semaphore, #tpu.memory_space<semaphore_mem>>) src(%dma_wait3A_232 : memref<128xf32, #tpu.memory_space<hbm>>) dst(%arg13 : memref<128xf32, #tpu.memory_space<vmem>>)
      %dma_start3A_233 = arith.constant 0 : i32
      %dma_start3A_234 = arith.constant 0 : i32
      %dma_start3A_235 = tpu.memref_slice %arg7[%dma_start3A_233, %dma_start3A_234] : memref<10240x64xf32, #tpu.memory_space<vmem_shared>> -> memref<10240x64xf32, #tpu.memory_space<vmem_shared>>
      tpu.enqueue_indirect_dma source(%dma_start3A_235 : memref<10240x64xf32, #tpu.memory_space<vmem_shared>>) target(%arg15 : memref<128x64xf32, #tpu.memory_space<vmem>>) offsets(%arg9 : memref<128xi32, #tpu.memory_space<vmem>>) semaphore(%arg20 : memref<!tpu.dma_semaphore, #tpu.memory_space<semaphore_mem>>)
      "tpu.region"() ({
        %run_scoped3A = tpu.sem_alloc : memref<!tpu.dma_semaphore, #tpu.memory_space<semaphore_mem>>
        %dma_start3A_256 = arith.constant 0 : i32
        %dma_start3A_257 = arith.constant 0 : i32
        %dma_start3A_258 = tpu.memref_slice %arg8[%dma_start3A_256, %dma_start3A_257] : memref<10240x64xf32, #tpu.memory_space<vmem_shared>> -> memref<10240x64xf32, #tpu.memory_space<vmem_shared>>
        tpu.enqueue_indirect_dma source(%arg16 : memref<128x64xf32, #tpu.memory_space<vmem>>) target(%dma_start3A_258 : memref<10240x64xf32, #tpu.memory_space<vmem_shared>>) offsets(%arg12 : memref<128xi32, #tpu.memory_space<vmem>>) semaphore(%run_scoped3A : memref<!tpu.dma_semaphore, #tpu.memory_space<semaphore_mem>>) {add = true}
        %dma_wait3A_259 = arith.constant 0 : i32
        %dma_wait3A_260 = arith.constant 0 : i32
        %dma_wait3A_261 = tpu.memref_slice %arg8[%dma_wait3A_259, %dma_wait3A_260] : memref<10240x64xf32, #tpu.memory_space<vmem_shared>> -> memref<10240x64xf32, #tpu.memory_space<vmem_shared>>
        tpu.wait_indirect_dma semaphore(%run_scoped3A : memref<!tpu.dma_semaphore, #tpu.memory_space<semaphore_mem>>) src(%arg16 : memref<128x64xf32, #tpu.memory_space<vmem>>) dst(%dma_wait3A_261 : memref<10240x64xf32, #tpu.memory_space<vmem_shared>>)
        tpu.yield
      }) : () -> ()
      %add3A_236 = arith.constant 3 : i32
      %add3A_237 = arith.addi %mul3A_153, %add3A_236 : i32
      %dma_start3A_238 = arith.constant 0 : i32
      %dma_start3A_239 = tpu.memref_slice %arg3[%arg1, %add3A_237, %dma_start3A_238] : memref<16x160x128xi32, #tpu.memory_space<hbm>> -> memref<1x1x128xi32, #tpu.memory_space<hbm>>
      %dma_start3A_240 = tpu.memref_squeeze %dma_start3A_239 : memref<1x1x128xi32, #tpu.memory_space<hbm>> -> memref<128xi32, #tpu.memory_space<hbm>>
      %dma_start3A_241 = arith.constant 0 : i32
      %dma_start3A_242 = tpu.memref_slice %arg3[%arg1, %add3A_237, %dma_start3A_241] : memref<16x160x128xi32, #tpu.memory_space<hbm>> -> memref<1x1x128xi32, #tpu.memory_space<hbm>>
      %dma_start3A_243 = tpu.memref_squeeze %dma_start3A_242 : memref<1x1x128xi32, #tpu.memory_space<hbm>> -> memref<128xi32, #tpu.memory_space<hbm>>
      tpu.enqueue_dma source(%dma_start3A_243 : memref<128xi32, #tpu.memory_space<hbm>>) target(%arg10 : memref<128xi32, #tpu.memory_space<vmem>>) target_semaphore(%arg19 : memref<!tpu.dma_semaphore, #tpu.memory_space<semaphore_mem>>)
      %dma_start3A_244 = arith.constant 0 : i32
      %dma_start3A_245 = tpu.memref_slice %arg4[%arg1, %add3A_237, %dma_start3A_244] : memref<16x160x128xi32, #tpu.memory_space<hbm>> -> memref<1x1x128xi32, #tpu.memory_space<hbm>>
      %dma_start3A_246 = tpu.memref_squeeze %dma_start3A_245 : memref<1x1x128xi32, #tpu.memory_space<hbm>> -> memref<128xi32, #tpu.memory_space<hbm>>
      %dma_start3A_247 = arith.constant 0 : i32
      %dma_start3A_248 = tpu.memref_slice %arg4[%arg1, %add3A_237, %dma_start3A_247] : memref<16x160x128xi32, #tpu.memory_space<hbm>> -> memref<1x1x128xi32, #tpu.memory_space<hbm>>
      %dma_start3A_249 = tpu.memref_squeeze %dma_start3A_248 : memref<1x1x128xi32, #tpu.memory_space<hbm>> -> memref<128xi32, #tpu.memory_space<hbm>>
      tpu.enqueue_dma source(%dma_start3A_249 : memref<128xi32, #tpu.memory_space<hbm>>) target(%arg12 : memref<128xi32, #tpu.memory_space<vmem>>) target_semaphore(%arg19 : memref<!tpu.dma_semaphore, #tpu.memory_space<semaphore_mem>>)
      %dma_start3A_250 = arith.constant 0 : i32
      %dma_start3A_251 = tpu.memref_slice %arg5[%arg1, %add3A_237, %dma_start3A_250] : memref<16x160x128xf32, #tpu.memory_space<hbm>> -> memref<1x1x128xf32, #tpu.memory_space<hbm>>
      %dma_start3A_252 = tpu.memref_squeeze %dma_start3A_251 : memref<1x1x128xf32, #tpu.memory_space<hbm>> -> memref<128xf32, #tpu.memory_space<hbm>>
      %dma_start3A_253 = arith.constant 0 : i32
      %dma_start3A_254 = tpu.memref_slice %arg5[%arg1, %add3A_237, %dma_start3A_253] : memref<16x160x128xf32, #tpu.memory_space<hbm>> -> memref<1x1x128xf32, #tpu.memory_space<hbm>>
      %dma_start3A_255 = tpu.memref_squeeze %dma_start3A_254 : memref<1x1x128xf32, #tpu.memory_space<hbm>> -> memref<128xf32, #tpu.memory_space<hbm>>
      tpu.enqueue_dma source(%dma_start3A_255 : memref<128xf32, #tpu.memory_space<hbm>>) target(%arg14 : memref<128xf32, #tpu.memory_space<vmem>>) target_semaphore(%arg19 : memref<!tpu.dma_semaphore, #tpu.memory_space<semaphore_mem>>)
    }
    %scan3A_105 = arith.constant 79 : i32
    %dma_wait3A_106 = arith.constant 159 : i32
    %dma_wait3A_107 = arith.constant 0 : i32
    %dma_wait3A_108 = tpu.memref_slice %arg3[%arg1, %dma_wait3A_106, %dma_wait3A_107] : memref<16x160x128xi32, #tpu.memory_space<hbm>> -> memref<1x1x128xi32, #tpu.memory_space<hbm>>
    %dma_wait3A_109 = tpu.memref_squeeze %dma_wait3A_108 : memref<1x1x128xi32, #tpu.memory_space<hbm>> -> memref<128xi32, #tpu.memory_space<hbm>>
    %dma_wait3A_110 = arith.constant 0 : i32
    %dma_wait3A_111 = tpu.memref_slice %arg3[%arg1, %dma_wait3A_106, %dma_wait3A_110] : memref<16x160x128xi32, #tpu.memory_space<hbm>> -> memref<1x1x128xi32, #tpu.memory_space<hbm>>
    %dma_wait3A_112 = tpu.memref_squeeze %dma_wait3A_111 : memref<1x1x128xi32, #tpu.memory_space<hbm>> -> memref<128xi32, #tpu.memory_space<hbm>>
    tpu.wait_dma2 semaphore(%arg19 : memref<!tpu.dma_semaphore, #tpu.memory_space<semaphore_mem>>) src(%dma_wait3A_112 : memref<128xi32, #tpu.memory_space<hbm>>) dst(%arg10 : memref<128xi32, #tpu.memory_space<vmem>>)
    %dma_wait3A_113 = arith.constant 159 : i32
    %dma_wait3A_114 = arith.constant 0 : i32
    %dma_wait3A_115 = tpu.memref_slice %arg4[%arg1, %dma_wait3A_113, %dma_wait3A_114] : memref<16x160x128xi32, #tpu.memory_space<hbm>> -> memref<1x1x128xi32, #tpu.memory_space<hbm>>
    %dma_wait3A_116 = tpu.memref_squeeze %dma_wait3A_115 : memref<1x1x128xi32, #tpu.memory_space<hbm>> -> memref<128xi32, #tpu.memory_space<hbm>>
    %dma_wait3A_117 = arith.constant 0 : i32
    %dma_wait3A_118 = tpu.memref_slice %arg4[%arg1, %dma_wait3A_113, %dma_wait3A_117] : memref<16x160x128xi32, #tpu.memory_space<hbm>> -> memref<1x1x128xi32, #tpu.memory_space<hbm>>
    %dma_wait3A_119 = tpu.memref_squeeze %dma_wait3A_118 : memref<1x1x128xi32, #tpu.memory_space<hbm>> -> memref<128xi32, #tpu.memory_space<hbm>>
    tpu.wait_dma2 semaphore(%arg19 : memref<!tpu.dma_semaphore, #tpu.memory_space<semaphore_mem>>) src(%dma_wait3A_119 : memref<128xi32, #tpu.memory_space<hbm>>) dst(%arg12 : memref<128xi32, #tpu.memory_space<vmem>>)
    %dma_wait3A_120 = arith.constant 159 : i32
    %dma_wait3A_121 = arith.constant 0 : i32
    %dma_wait3A_122 = tpu.memref_slice %arg5[%arg1, %dma_wait3A_120, %dma_wait3A_121] : memref<16x160x128xf32, #tpu.memory_space<hbm>> -> memref<1x1x128xf32, #tpu.memory_space<hbm>>
    %dma_wait3A_123 = tpu.memref_squeeze %dma_wait3A_122 : memref<1x1x128xf32, #tpu.memory_space<hbm>> -> memref<128xf32, #tpu.memory_space<hbm>>
    %dma_wait3A_124 = arith.constant 0 : i32
    %dma_wait3A_125 = tpu.memref_slice %arg5[%arg1, %dma_wait3A_120, %dma_wait3A_124] : memref<16x160x128xf32, #tpu.memory_space<hbm>> -> memref<1x1x128xf32, #tpu.memory_space<hbm>>
    %dma_wait3A_126 = tpu.memref_squeeze %dma_wait3A_125 : memref<1x1x128xf32, #tpu.memory_space<hbm>> -> memref<128xf32, #tpu.memory_space<hbm>>
    tpu.wait_dma2 semaphore(%arg19 : memref<!tpu.dma_semaphore, #tpu.memory_space<semaphore_mem>>) src(%dma_wait3A_126 : memref<128xf32, #tpu.memory_space<hbm>>) dst(%arg14 : memref<128xf32, #tpu.memory_space<vmem>>)
    %dma_wait3A_127 = arith.constant 0 : i32
    %dma_wait3A_128 = arith.constant 0 : i32
    %dma_wait3A_129 = tpu.memref_slice %arg7[%dma_wait3A_127, %dma_wait3A_128] : memref<10240x64xf32, #tpu.memory_space<vmem_shared>> -> memref<10240x64xf32, #tpu.memory_space<vmem_shared>>
    tpu.wait_indirect_dma semaphore(%arg20 : memref<!tpu.dma_semaphore, #tpu.memory_space<semaphore_mem>>) src(%dma_wait3A_129 : memref<10240x64xf32, #tpu.memory_space<vmem_shared>>) dst(%arg15 : memref<128x64xf32, #tpu.memory_space<vmem>>)
    %dma_start3A_130 = arith.constant 0 : i32
    %dma_start3A_131 = arith.constant 0 : i32
    %dma_start3A_132 = tpu.memref_slice %arg7[%dma_start3A_130, %dma_start3A_131] : memref<10240x64xf32, #tpu.memory_space<vmem_shared>> -> memref<10240x64xf32, #tpu.memory_space<vmem_shared>>
    tpu.enqueue_indirect_dma source(%dma_start3A_132 : memref<10240x64xf32, #tpu.memory_space<vmem_shared>>) target(%arg16 : memref<128x64xf32, #tpu.memory_space<vmem>>) offsets(%arg10 : memref<128xi32, #tpu.memory_space<vmem>>) semaphore(%arg20 : memref<!tpu.dma_semaphore, #tpu.memory_space<semaphore_mem>>)
    %scan3A_133 = arith.constant 0 : i32
    %scan3A_134 = arith.constant 128 : i32
    %scan3A_135 = arith.addi %scan3A_133, %scan3A_134 : i32
    %scan3A_136 = arith.constant 1 : i32
    scf.for %scan3A_151 = %scan3A_133 to %scan3A_135 step %scan3A_136  : i32 {
      %and3A = arith.constant -16 : i32
      %and3A_152 = arith.andi %scan3A_151, %and3A : i32
      %get3A = arith.index_cast %and3A_152 : i32 to index
      %get3A_153 = tpu.vector_load %arg13[%get3A] {strides = array<i32>} : memref<128xf32, #tpu.memory_space<vmem>>, vector<16xf32>,
      %get3A_154 = vector.shape_cast %get3A_153 : vector<16xf32> to vector<16xf32>
      %and3A_155 = arith.constant 15 : i32
      %and3A_156 = arith.andi %scan3A_151, %and3A_155 : i32
      %broadcast_in_dim3A_157 = vector.broadcast %and3A_156 : i32 to vector<16x1xi32>
      %gather3A = vector.shape_cast %broadcast_in_dim3A_157 : vector<16x1xi32> to vector<16xi32>
      %gather3A_158 = tpu.dynamic_gather %get3A_154[%gather3A] in [0] : vector<16xf32>, vector<16xi32> -> vector<16xf32>
      %get3A_159 = arith.index_cast %scan3A_151 : i32 to index
      %get3A_160 = arith.constant 0 : index
      %get3A_161 = tpu.vector_load %arg15[%get3A_159, %get3A_160] {strides = array<i32>} : memref<128x64xf32, #tpu.memory_space<vmem>>, vector<1x16xf32>,
      %get3A_162 = vector.shape_cast %get3A_161 : vector<1x16xf32> to vector<16xf32>
      %mul3A_163 = arith.mulf %get3A_162, %gather3A_158 : vector<16xf32>
      %swap3A = arith.index_cast %scan3A_151 : i32 to index
      %swap3A_164 = arith.constant 0 : index
      %swap3A_165 = tpu.vector_load %arg15[%swap3A, %swap3A_164] {strides = array<i32>} : memref<128x64xf32, #tpu.memory_space<vmem>>, vector<1x16xf32>,
      %swap3A_166 = vector.shape_cast %swap3A_165 : vector<1x16xf32> to vector<16xf32>
      %swap3A_167 = vector.shape_cast %mul3A_163 : vector<16xf32> to vector<1x16xf32>
      tpu.vector_store %arg15[%swap3A, %swap3A_164], %swap3A_167 {strides = array<i32>} : memref<128x64xf32, #tpu.memory_space<vmem>>, vector<1x16xf32>,
      %get3A_168 = arith.index_cast %scan3A_151 : i32 to index
      %get3A_169 = arith.constant 16 : index
      %get3A_170 = tpu.vector_load %arg15[%get3A_168, %get3A_169] {strides = array<i32>} : memref<128x64xf32, #tpu.memory_space<vmem>>, vector<1x16xf32>,
      %get3A_171 = vector.shape_cast %get3A_170 : vector<1x16xf32> to vector<16xf32>
      %mul3A_172 = arith.mulf %get3A_171, %gather3A_158 : vector<16xf32>
      %swap3A_173 = arith.index_cast %scan3A_151 : i32 to index
      %swap3A_174 = arith.constant 16 : index
      %swap3A_175 = tpu.vector_load %arg15[%swap3A_173, %swap3A_174] {strides = array<i32>} : memref<128x64xf32, #tpu.memory_space<vmem>>, vector<1x16xf32>,
      %swap3A_176 = vector.shape_cast %swap3A_175 : vector<1x16xf32> to vector<16xf32>
      %swap3A_177 = vector.shape_cast %mul3A_172 : vector<16xf32> to vector<1x16xf32>
      tpu.vector_store %arg15[%swap3A_173, %swap3A_174], %swap3A_177 {strides = array<i32>} : memref<128x64xf32, #tpu.memory_space<vmem>>, vector<1x16xf32>,
      %get3A_178 = arith.index_cast %scan3A_151 : i32 to index
      %get3A_179 = arith.constant 32 : index
      %get3A_180 = tpu.vector_load %arg15[%get3A_178, %get3A_179] {strides = array<i32>} : memref<128x64xf32, #tpu.memory_space<vmem>>, vector<1x16xf32>,
      %get3A_181 = vector.shape_cast %get3A_180 : vector<1x16xf32> to vector<16xf32>
      %mul3A_182 = arith.mulf %get3A_181, %gather3A_158 : vector<16xf32>
      %swap3A_183 = arith.index_cast %scan3A_151 : i32 to index
      %swap3A_184 = arith.constant 32 : index
      %swap3A_185 = tpu.vector_load %arg15[%swap3A_183, %swap3A_184] {strides = array<i32>} : memref<128x64xf32, #tpu.memory_space<vmem>>, vector<1x16xf32>,
      %swap3A_186 = vector.shape_cast %swap3A_185 : vector<1x16xf32> to vector<16xf32>
      %swap3A_187 = vector.shape_cast %mul3A_182 : vector<16xf32> to vector<1x16xf32>
      tpu.vector_store %arg15[%swap3A_183, %swap3A_184], %swap3A_187 {strides = array<i32>} : memref<128x64xf32, #tpu.memory_space<vmem>>, vector<1x16xf32>,
      %get3A_188 = arith.index_cast %scan3A_151 : i32 to index
      %get3A_189 = arith.constant 48 : index
      %get3A_190 = tpu.vector_load %arg15[%get3A_188, %get3A_189] {strides = array<i32>} : memref<128x64xf32, #tpu.memory_space<vmem>>, vector<1x16xf32>,
      %get3A_191 = vector.shape_cast %get3A_190 : vector<1x16xf32> to vector<16xf32>
      %mul3A_192 = arith.mulf %get3A_191, %gather3A_158 : vector<16xf32>
      %swap3A_193 = arith.index_cast %scan3A_151 : i32 to index
      %swap3A_194 = arith.constant 48 : index
      %swap3A_195 = tpu.vector_load %arg15[%swap3A_193, %swap3A_194] {strides = array<i32>} : memref<128x64xf32, #tpu.memory_space<vmem>>, vector<1x16xf32>,
      %swap3A_196 = vector.shape_cast %swap3A_195 : vector<1x16xf32> to vector<16xf32>
      %swap3A_197 = vector.shape_cast %mul3A_192 : vector<16xf32> to vector<1x16xf32>
      tpu.vector_store %arg15[%swap3A_193, %swap3A_194], %swap3A_197 {strides = array<i32>} : memref<128x64xf32, #tpu.memory_space<vmem>>, vector<1x16xf32>,
    }
    %scan3A_137 = arith.constant 128 : i32
    "tpu.region"() ({
      %run_scoped3A = tpu.sem_alloc : memref<!tpu.dma_semaphore, #tpu.memory_space<semaphore_mem>>
      %dma_start3A_151 = arith.constant 0 : i32
      %dma_start3A_152 = arith.constant 0 : i32
      %dma_start3A_153 = tpu.memref_slice %arg8[%dma_start3A_151, %dma_start3A_152] : memref<10240x64xf32, #tpu.memory_space<vmem_shared>> -> memref<10240x64xf32, #tpu.memory_space<vmem_shared>>
      tpu.enqueue_indirect_dma source(%arg15 : memref<128x64xf32, #tpu.memory_space<vmem>>) target(%dma_start3A_153 : memref<10240x64xf32, #tpu.memory_space<vmem_shared>>) offsets(%arg11 : memref<128xi32, #tpu.memory_space<vmem>>) semaphore(%run_scoped3A : memref<!tpu.dma_semaphore, #tpu.memory_space<semaphore_mem>>) {add = true}
      %dma_wait3A_154 = arith.constant 0 : i32
      %dma_wait3A_155 = arith.constant 0 : i32
      %dma_wait3A_156 = tpu.memref_slice %arg8[%dma_wait3A_154, %dma_wait3A_155] : memref<10240x64xf32, #tpu.memory_space<vmem_shared>> -> memref<10240x64xf32, #tpu.memory_space<vmem_shared>>
      tpu.wait_indirect_dma semaphore(%run_scoped3A : memref<!tpu.dma_semaphore, #tpu.memory_space<semaphore_mem>>) src(%arg15 : memref<128x64xf32, #tpu.memory_space<vmem>>) dst(%dma_wait3A_156 : memref<10240x64xf32, #tpu.memory_space<vmem_shared>>)
      tpu.yield
    }) : () -> ()
    %dma_wait3A_138 = arith.constant 0 : i32
    %dma_wait3A_139 = arith.constant 0 : i32
    %dma_wait3A_140 = tpu.memref_slice %arg7[%dma_wait3A_138, %dma_wait3A_139] : memref<10240x64xf32, #tpu.memory_space<vmem_shared>> -> memref<10240x64xf32, #tpu.memory_space<vmem_shared>>
    tpu.wait_indirect_dma semaphore(%arg20 : memref<!tpu.dma_semaphore, #tpu.memory_space<semaphore_mem>>) src(%dma_wait3A_140 : memref<10240x64xf32, #tpu.memory_space<vmem_shared>>) dst(%arg16 : memref<128x64xf32, #tpu.memory_space<vmem>>)
    %scan3A_141 = arith.constant 0 : i32
    %scan3A_142 = arith.constant 128 : i32
    %scan3A_143 = arith.addi %scan3A_141, %scan3A_142 : i32
    %scan3A_144 = arith.constant 1 : i32
    scf.for %scan3A_151 = %scan3A_141 to %scan3A_143 step %scan3A_144  : i32 {
      %and3A = arith.constant -16 : i32
      %and3A_152 = arith.andi %scan3A_151, %and3A : i32
      %get3A = arith.index_cast %and3A_152 : i32 to index
      %get3A_153 = tpu.vector_load %arg14[%get3A] {strides = array<i32>} : memref<128xf32, #tpu.memory_space<vmem>>, vector<16xf32>,
      %get3A_154 = vector.shape_cast %get3A_153 : vector<16xf32> to vector<16xf32>
      %and3A_155 = arith.constant 15 : i32
      %and3A_156 = arith.andi %scan3A_151, %and3A_155 : i32
      %broadcast_in_dim3A_157 = vector.broadcast %and3A_156 : i32 to vector<16x1xi32>
      %gather3A = vector.shape_cast %broadcast_in_dim3A_157 : vector<16x1xi32> to vector<16xi32>
      %gather3A_158 = tpu.dynamic_gather %get3A_154[%gather3A] in [0] : vector<16xf32>, vector<16xi32> -> vector<16xf32>
      %get3A_159 = arith.index_cast %scan3A_151 : i32 to index
      %get3A_160 = arith.constant 0 : index
      %get3A_161 = tpu.vector_load %arg16[%get3A_159, %get3A_160] {strides = array<i32>} : memref<128x64xf32, #tpu.memory_space<vmem>>, vector<1x16xf32>,
      %get3A_162 = vector.shape_cast %get3A_161 : vector<1x16xf32> to vector<16xf32>
      %mul3A_163 = arith.mulf %get3A_162, %gather3A_158 : vector<16xf32>
      %swap3A = arith.index_cast %scan3A_151 : i32 to index
      %swap3A_164 = arith.constant 0 : index
      %swap3A_165 = tpu.vector_load %arg16[%swap3A, %swap3A_164] {strides = array<i32>} : memref<128x64xf32, #tpu.memory_space<vmem>>, vector<1x16xf32>,
      %swap3A_166 = vector.shape_cast %swap3A_165 : vector<1x16xf32> to vector<16xf32>
      %swap3A_167 = vector.shape_cast %mul3A_163 : vector<16xf32> to vector<1x16xf32>
      tpu.vector_store %arg16[%swap3A, %swap3A_164], %swap3A_167 {strides = array<i32>} : memref<128x64xf32, #tpu.memory_space<vmem>>, vector<1x16xf32>,
      %get3A_168 = arith.index_cast %scan3A_151 : i32 to index
      %get3A_169 = arith.constant 16 : index
      %get3A_170 = tpu.vector_load %arg16[%get3A_168, %get3A_169] {strides = array<i32>} : memref<128x64xf32, #tpu.memory_space<vmem>>, vector<1x16xf32>,
      %get3A_171 = vector.shape_cast %get3A_170 : vector<1x16xf32> to vector<16xf32>
      %mul3A_172 = arith.mulf %get3A_171, %gather3A_158 : vector<16xf32>
      %swap3A_173 = arith.index_cast %scan3A_151 : i32 to index
      %swap3A_174 = arith.constant 16 : index
      %swap3A_175 = tpu.vector_load %arg16[%swap3A_173, %swap3A_174] {strides = array<i32>} : memref<128x64xf32, #tpu.memory_space<vmem>>, vector<1x16xf32>,
      %swap3A_176 = vector.shape_cast %swap3A_175 : vector<1x16xf32> to vector<16xf32>
      %swap3A_177 = vector.shape_cast %mul3A_172 : vector<16xf32> to vector<1x16xf32>
      tpu.vector_store %arg16[%swap3A_173, %swap3A_174], %swap3A_177 {strides = array<i32>} : memref<128x64xf32, #tpu.memory_space<vmem>>, vector<1x16xf32>,
      %get3A_178 = arith.index_cast %scan3A_151 : i32 to index
      %get3A_179 = arith.constant 32 : index
      %get3A_180 = tpu.vector_load %arg16[%get3A_178, %get3A_179] {strides = array<i32>} : memref<128x64xf32, #tpu.memory_space<vmem>>, vector<1x16xf32>,
      %get3A_181 = vector.shape_cast %get3A_180 : vector<1x16xf32> to vector<16xf32>
      %mul3A_182 = arith.mulf %get3A_181, %gather3A_158 : vector<16xf32>
      %swap3A_183 = arith.index_cast %scan3A_151 : i32 to index
      %swap3A_184 = arith.constant 32 : index
      %swap3A_185 = tpu.vector_load %arg16[%swap3A_183, %swap3A_184] {strides = array<i32>} : memref<128x64xf32, #tpu.memory_space<vmem>>, vector<1x16xf32>,
      %swap3A_186 = vector.shape_cast %swap3A_185 : vector<1x16xf32> to vector<16xf32>
      %swap3A_187 = vector.shape_cast %mul3A_182 : vector<16xf32> to vector<1x16xf32>
      tpu.vector_store %arg16[%swap3A_183, %swap3A_184], %swap3A_187 {strides = array<i32>} : memref<128x64xf32, #tpu.memory_space<vmem>>, vector<1x16xf32>,
      %get3A_188 = arith.index_cast %scan3A_151 : i32 to index
      %get3A_189 = arith.constant 48 : index
      %get3A_190 = tpu.vector_load %arg16[%get3A_188, %get3A_189] {strides = array<i32>} : memref<128x64xf32, #tpu.memory_space<vmem>>, vector<1x16xf32>,
      %get3A_191 = vector.shape_cast %get3A_190 : vector<1x16xf32> to vector<16xf32>
      %mul3A_192 = arith.mulf %get3A_191, %gather3A_158 : vector<16xf32>
      %swap3A_193 = arith.index_cast %scan3A_151 : i32 to index
      %swap3A_194 = arith.constant 48 : index
      %swap3A_195 = tpu.vector_load %arg16[%swap3A_193, %swap3A_194] {strides = array<i32>} : memref<128x64xf32, #tpu.memory_space<vmem>>, vector<1x16xf32>,
      %swap3A_196 = vector.shape_cast %swap3A_195 : vector<1x16xf32> to vector<16xf32>
      %swap3A_197 = vector.shape_cast %mul3A_192 : vector<16xf32> to vector<1x16xf32>
      tpu.vector_store %arg16[%swap3A_193, %swap3A_194], %swap3A_197 {strides = array<i32>} : memref<128x64xf32, #tpu.memory_space<vmem>>, vector<1x16xf32>,
    }
    %scan3A_145 = arith.constant 128 : i32
    "tpu.region"() ({
      %run_scoped3A = tpu.sem_alloc : memref<!tpu.dma_semaphore, #tpu.memory_space<semaphore_mem>>
      %dma_start3A_151 = arith.constant 0 : i32
      %dma_start3A_152 = arith.constant 0 : i32
      %dma_start3A_153 = tpu.memref_slice %arg8[%dma_start3A_151, %dma_start3A_152] : memref<10240x64xf32, #tpu.memory_space<vmem_shared>> -> memref<10240x64xf32, #tpu.memory_space<vmem_shared>>
      tpu.enqueue_indirect_dma source(%arg16 : memref<128x64xf32, #tpu.memory_space<vmem>>) target(%dma_start3A_153 : memref<10240x64xf32, #tpu.memory_space<vmem_shared>>) offsets(%arg12 : memref<128xi32, #tpu.memory_space<vmem>>) semaphore(%run_scoped3A : memref<!tpu.dma_semaphore, #tpu.memory_space<semaphore_mem>>) {add = true}
      %dma_wait3A_154 = arith.constant 0 : i32
      %dma_wait3A_155 = arith.constant 0 : i32
      %dma_wait3A_156 = tpu.memref_slice %arg8[%dma_wait3A_154, %dma_wait3A_155] : memref<10240x64xf32, #tpu.memory_space<vmem_shared>> -> memref<10240x64xf32, #tpu.memory_space<vmem_shared>>
      tpu.wait_indirect_dma semaphore(%run_scoped3A : memref<!tpu.dma_semaphore, #tpu.memory_space<semaphore_mem>>) src(%arg16 : memref<128x64xf32, #tpu.memory_space<vmem>>) dst(%dma_wait3A_156 : memref<10240x64xf32, #tpu.memory_space<vmem_shared>>)
      tpu.yield
    }) : () -> ()
    %barrier3A_146 = arith.constant 0 : index
    tpu.barrier barrier_id(%barrier3A_146)
    %mul3A_147 = arith.constant 640 : i32
    %mul3A_148 = arith.muli %arg1, %mul3A_147 : i32
    %mul3A_149 = arith.constant 640 : i32
    %mul3A_150 = arith.muli %arg1, %mul3A_149 : i32
    "tpu.region"() ({
      %run_scoped3A = tpu.sem_alloc : memref<!tpu.dma_semaphore, #tpu.memory_space<semaphore_mem>>
      %dma_start3A_151 = arith.constant 0 : i32
      %dma_start3A_152 = tpu.memref_slice %arg6[%arg0, %mul3A_150, %dma_start3A_151] : memref<2x10240x64xf32, #tpu.memory_space<hbm>> -> memref<1x640x64xf32, #tpu.memory_space<hbm>>
      %dma_start3A_153 = tpu.memref_squeeze %dma_start3A_152 : memref<1x640x64xf32, #tpu.memory_space<hbm>> -> memref<640x64xf32, #tpu.memory_space<hbm>>
      %dma_start3A_154 = arith.constant 0 : i32
      %dma_start3A_155 = tpu.memref_slice %arg8[%mul3A_148, %dma_start3A_154] : memref<10240x64xf32, #tpu.memory_space<vmem_shared>> -> memref<640x64xf32, #tpu.memory_space<vmem_shared>>
      tpu.enqueue_dma source(%dma_start3A_155 : memref<640x64xf32, #tpu.memory_space<vmem_shared>>) target(%dma_start3A_153 : memref<640x64xf32, #tpu.memory_space<hbm>>) target_semaphore(%run_scoped3A : memref<!tpu.dma_semaphore, #tpu.memory_space<semaphore_mem>>)
      %dma_wait3A_156 = arith.constant 0 : i32
      %dma_wait3A_157 = tpu.memref_slice %arg6[%arg0, %mul3A_150, %dma_wait3A_156] : memref<2x10240x64xf32, #tpu.memory_space<hbm>> -> memref<1x640x64xf32, #tpu.memory_space<hbm>>
      %dma_wait3A_158 = tpu.memref_squeeze %dma_wait3A_157 : memref<1x640x64xf32, #tpu.memory_space<hbm>> -> memref<640x64xf32, #tpu.memory_space<hbm>>
      %dma_wait3A_159 = arith.constant 0 : i32
      %dma_wait3A_160 = tpu.memref_slice %arg8[%mul3A_148, %dma_wait3A_159] : memref<10240x64xf32, #tpu.memory_space<vmem_shared>> -> memref<640x64xf32, #tpu.memory_space<vmem_shared>>
      tpu.wait_dma2 semaphore(%run_scoped3A : memref<!tpu.dma_semaphore, #tpu.memory_space<semaphore_mem>>) src(%dma_wait3A_160 : memref<640x64xf32, #tpu.memory_space<vmem_shared>>) dst(%dma_wait3A_158 : memref<640x64xf32, #tpu.memory_space<hbm>>)
      tpu.yield
    }) : () -> ()
    return
  }
}

module attributes {stable_mosaic.version = 14 : i64} {
  func.func @_mm_body(%arg0: i32, %arg1: memref<2000x128xf32, #tpu.memory_space<vmem>>, %arg2: memref<128x128xf32, #tpu.memory_space<vmem>>, %arg3: memref<2000x128xf32, #tpu.memory_space<vmem>>) attributes {dimension_semantics = [#tpu.dimension_semantics<arbitrary>], iteration_bounds = array<i64: 5>, scalar_prefetch = 0 : i64, scratch_operands = 0 : i64, tpu.core_type = #tpu.core_type<tc>, window_params = [{transform_indices = @transform_0, window_bounds = array<i64: 2000, 128>}, {pipeline_mode = #tpu.pipeline_mode<synchronous>, transform_indices = @transform_1, window_bounds = array<i64: 128, 128>}, {transform_indices = @transform_2, window_bounds = array<i64: 2000, 128>}]} {
    %get3A = arith.constant 0 : index
    %get3A_0 = arith.constant 0 : index
    %get3A_1 = vector.load %arg1[%get3A, %get3A_0] : memref<2000x128xf32, #tpu.memory_space<vmem>>, vector<2000x128xf32>
    %get3A_2 = arith.constant 0 : index
    %get3A_3 = arith.constant 0 : index
    %get3A_4 = vector.load %arg2[%get3A_2, %get3A_3] : memref<128x128xf32, #tpu.memory_space<vmem>>, vector<128x128xf32>
    %dot_general3A = arith.constant dense<0.000000e+00> : vector<2000x128xf32>
    %dot_general3A_5 = tpu.matmul %get3A_1, %get3A_4, %dot_general3A {dimension_numbers = #tpu.dot_dimension_numbers<[1], [0], [0], [1], [0, 0, 1, 1], [], []>, precision = #tpu.contract_precision<fp32>, transpose_lhs_hint = false} : vector<2000x128xf32>, vector<128x128xf32>, vector<2000x128xf32> -> vector<2000x128xf32>
    %swap3A = arith.constant 0 : index
    %swap3A_6 = arith.constant 0 : index
    %swap3A_7 = vector.load %arg3[%swap3A, %swap3A_6] : memref<2000x128xf32, #tpu.memory_space<vmem>>, vector<2000x128xf32>
    tpu.vector_store %arg3[%swap3A, %swap3A_6], %dot_general3A_5 {strides = array<i32>} : memref<2000x128xf32, #tpu.memory_space<vmem>>, vector<2000x128xf32>,
    return
  }
  func.func @transform_0(%arg0: i32) -> (i32, i32) {
    %c0_i32 = arith.constant 0 : i32
    %c0_i32_0 = arith.constant 0 : i32
    return %arg0, %c0_i32 : i32, i32
  }
  func.func @transform_1(%arg0: i32) -> (i32, i32) {
    %c0_i32 = arith.constant 0 : i32
    %c0_i32_0 = arith.constant 0 : i32
    %c0_i32_1 = arith.constant 0 : i32
    return %c0_i32, %c0_i32_0 : i32, i32
  }
  func.func @transform_2(%arg0: i32) -> (i32, i32) {
    %c0_i32 = arith.constant 0 : i32
    %c0_i32_0 = arith.constant 0 : i32
    return %arg0, %c0_i32 : i32, i32
  }
}

module attributes {stable_mosaic.version = 14 : i64} {
  func.func @_prep_body(%arg0: i32, %arg1: memref<2000x128xf32, #tpu.memory_space<vmem>>, %arg2: memref<2000x1xf32, #tpu.memory_space<vmem>>, %arg3: memref<2x2000x64xf32, #tpu.memory_space<vmem>>) attributes {dimension_semantics = [#tpu.dimension_semantics<arbitrary>], iteration_bounds = array<i64: 5>, scalar_prefetch = 0 : i64, scratch_operands = 0 : i64, tpu.core_type = #tpu.core_type<tc>, window_params = [{transform_indices = @transform_0, window_bounds = array<i64: 2000, 128>}, {transform_indices = @transform_1, window_bounds = array<i64: 2000, 1>}, {transform_indices = @transform_2, window_bounds = array<i64: 2, 2000, 64>}]} {
    %get3A = arith.constant 0 : index
    %get3A_0 = arith.constant 0 : index
    %get3A_1 = vector.load %arg1[%get3A, %get3A_0] : memref<2000x128xf32, #tpu.memory_space<vmem>>, vector<2000x128xf32>
    %get3A_2 = arith.constant 0 : index
    %get3A_3 = arith.constant 0 : index
    %get3A_4 = vector.load %arg2[%get3A_2, %get3A_3] : memref<2000x1xf32, #tpu.memory_space<vmem>>, vector<2000x1xf32>
    %mul3A = vector.broadcast %get3A_4 : vector<2000x1xf32> to vector<2000x128xf32>
    %mul3A_5 = arith.mulf %get3A_1, %mul3A : vector<2000x128xf32>
    %slice3A = vector.extract_strided_slice %mul3A_5 {offsets = [0, 0], sizes = [2000, 64], strides = [1, 1]} : vector<2000x128xf32> to vector<2000x64xf32>
    %swap3A = arith.constant 0 : index
    %swap3A_6 = arith.constant 0 : index
    %swap3A_7 = arith.constant 0 : index
    %swap3A_8 = vector.load %arg3[%swap3A, %swap3A_6, %swap3A_7] : memref<2x2000x64xf32, #tpu.memory_space<vmem>>, vector<1x2000x64xf32>
    %swap3A_9 = vector.shape_cast %swap3A_8 : vector<1x2000x64xf32> to vector<2000x64xf32>
    %swap3A_10 = vector.shape_cast %slice3A : vector<2000x64xf32> to vector<1x2000x64xf32>
    tpu.vector_store %arg3[%swap3A, %swap3A_6, %swap3A_7], %swap3A_10 {strides = array<i32>} : memref<2x2000x64xf32, #tpu.memory_space<vmem>>, vector<1x2000x64xf32>,
    %slice3A_11 = vector.extract_strided_slice %mul3A_5 {offsets = [0, 64], sizes = [2000, 64], strides = [1, 1]} : vector<2000x128xf32> to vector<2000x64xf32>
    %swap3A_12 = arith.constant 1 : index
    %swap3A_13 = arith.constant 0 : index
    %swap3A_14 = arith.constant 0 : index
    %swap3A_15 = vector.load %arg3[%swap3A_12, %swap3A_13, %swap3A_14] : memref<2x2000x64xf32, #tpu.memory_space<vmem>>, vector<1x2000x64xf32>
    %swap3A_16 = vector.shape_cast %swap3A_15 : vector<1x2000x64xf32> to vector<2000x64xf32>
    %swap3A_17 = vector.shape_cast %slice3A_11 : vector<2000x64xf32> to vector<1x2000x64xf32>
    tpu.vector_store %arg3[%swap3A_12, %swap3A_13, %swap3A_14], %swap3A_17 {strides = array<i32>} : memref<2x2000x64xf32, #tpu.memory_space<vmem>>, vector<1x2000x64xf32>,
    return
  }
  func.func @transform_0(%arg0: i32) -> (i32, i32) {
    %c0_i32 = arith.constant 0 : i32
    %c0_i32_0 = arith.constant 0 : i32
    return %arg0, %c0_i32 : i32, i32
  }
  func.func @transform_1(%arg0: i32) -> (i32, i32) {
    %c0_i32 = arith.constant 0 : i32
    %c0_i32_0 = arith.constant 0 : i32
    return %arg0, %c0_i32 : i32, i32
  }
  func.func @transform_2(%arg0: i32) -> (i32, i32, i32) {
    %c0_i32 = arith.constant 0 : i32
    %c0_i32_0 = arith.constant 0 : i32
    %c0_i32_1 = arith.constant 0 : i32
    return %c0_i32, %arg0, %c0_i32_0 : i32, i32, i32
  }
}

module attributes {stable_mosaic.version = 14 : i64} {
  func.func @_comb1_body(%arg0: i32, %arg1: memref<2x2000x64xf32, #tpu.memory_space<vmem>>, %arg2: memref<2x2000x64xf32, #tpu.memory_space<vmem>>, %arg3: memref<2000x1xf32, #tpu.memory_space<vmem>>, %arg4: memref<1x128xf32, #tpu.memory_space<vmem>>, %arg5: memref<128x128xf32, #tpu.memory_space<vmem>>, %arg6: memref<2x2000x64xf32, #tpu.memory_space<vmem>>) attributes {dimension_semantics = [#tpu.dimension_semantics<arbitrary>], iteration_bounds = array<i64: 5>, scalar_prefetch = 0 : i64, scratch_operands = 0 : i64, tpu.core_type = #tpu.core_type<tc>, window_params = [{transform_indices = @transform_0, window_bounds = array<i64: 2, 2000, 64>}, {transform_indices = @transform_1, window_bounds = array<i64: 2, 2000, 64>}, {transform_indices = @transform_2, window_bounds = array<i64: 2000, 1>}, {pipeline_mode = #tpu.pipeline_mode<synchronous>, transform_indices = @transform_3, window_bounds = array<i64: 1, 128>}, {pipeline_mode = #tpu.pipeline_mode<synchronous>, transform_indices = @transform_4, window_bounds = array<i64: 128, 128>}, {transform_indices = @transform_5, window_bounds = array<i64: 2, 2000, 64>}]} {
    %get3A = arith.constant 0 : index
    %get3A_0 = arith.constant 0 : index
    %get3A_1 = arith.constant 0 : index
    %get3A_2 = vector.load %arg1[%get3A, %get3A_0, %get3A_1] : memref<2x2000x64xf32, #tpu.memory_space<vmem>>, vector<2x2000x64xf32>
    %get3A_3 = arith.constant 0 : index
    %get3A_4 = arith.constant 0 : index
    %get3A_5 = arith.constant 0 : index
    %get3A_6 = vector.load %arg2[%get3A_3, %get3A_4, %get3A_5] : memref<2x2000x64xf32, #tpu.memory_space<vmem>>, vector<2x2000x64xf32>
    %slice3A = vector.extract_strided_slice %get3A_2 {offsets = [0, 0, 0], sizes = [1, 2000, 64], strides = [1, 1, 1]} : vector<2x2000x64xf32> to vector<1x2000x64xf32>
    %squeeze3A = vector.shape_cast %slice3A : vector<1x2000x64xf32> to vector<2000x64xf32>
    %slice3A_7 = vector.extract_strided_slice %get3A_2 {offsets = [1, 0, 0], sizes = [1, 2000, 64], strides = [1, 1, 1]} : vector<2x2000x64xf32> to vector<1x2000x64xf32>
    %squeeze3A_8 = vector.shape_cast %slice3A_7 : vector<1x2000x64xf32> to vector<2000x64xf32>
    %concatenate3A = tpu.concatenate %squeeze3A, %squeeze3A_8 in 1 : vector<2000x64xf32>, vector<2000x64xf32> -> vector<2000x128xf32>
    %slice3A_9 = vector.extract_strided_slice %get3A_6 {offsets = [0, 0, 0], sizes = [1, 2000, 64], strides = [1, 1, 1]} : vector<2x2000x64xf32> to vector<1x2000x64xf32>
    %squeeze3A_10 = vector.shape_cast %slice3A_9 : vector<1x2000x64xf32> to vector<2000x64xf32>
    %slice3A_11 = vector.extract_strided_slice %get3A_6 {offsets = [1, 0, 0], sizes = [1, 2000, 64], strides = [1, 1, 1]} : vector<2x2000x64xf32> to vector<1x2000x64xf32>
    %squeeze3A_12 = vector.shape_cast %slice3A_11 : vector<1x2000x64xf32> to vector<2000x64xf32>
    %concatenate3A_13 = tpu.concatenate %squeeze3A_10, %squeeze3A_12 in 1 : vector<2000x64xf32>, vector<2000x64xf32> -> vector<2000x128xf32>
    %get3A_14 = arith.constant 0 : index
    %get3A_15 = arith.constant 0 : index
    %get3A_16 = vector.load %arg3[%get3A_14, %get3A_15] : memref<2000x1xf32, #tpu.memory_space<vmem>>, vector<2000x1xf32>
    %add3A = arith.addf %concatenate3A, %concatenate3A_13 : vector<2000x128xf32>
    %mul3A = vector.broadcast %get3A_16 : vector<2000x1xf32> to vector<2000x128xf32>
    %mul3A_17 = arith.mulf %mul3A, %add3A : vector<2000x128xf32>
    %get3A_18 = arith.constant 0 : index
    %get3A_19 = arith.constant 0 : index
    %get3A_20 = vector.load %arg4[%get3A_18, %get3A_19] : memref<1x128xf32, #tpu.memory_space<vmem>>, vector<1x128xf32>
    %add3A_21 = vector.broadcast %get3A_20 : vector<1x128xf32> to vector<2000x128xf32>
    %add3A_22 = arith.addf %mul3A_17, %add3A_21 : vector<2000x128xf32>
    %gt3A = arith.constant 0.000000e+00 : f32
    %gt3A_23 = vector.broadcast %gt3A : f32 to vector<2000x128xf32>
    %gt3A_24 = arith.cmpf ogt, %add3A_22, %gt3A_23 : vector<2000x128xf32>
    %exp3A = math.exp %add3A_22 : vector<2000x128xf32>
    %sub3A = arith.constant 1.000000e+00 : f32
    %sub3A_25 = vector.broadcast %sub3A : f32 to vector<2000x128xf32>
    %sub3A_26 = arith.subf %exp3A, %sub3A_25 : vector<2000x128xf32>
    %select_n3A = arith.select %gt3A_24, %add3A_22, %sub3A_26 : vector<2000x128xi1>, vector<2000x128xf32>
    %get3A_27 = arith.constant 0 : index
    %get3A_28 = arith.constant 0 : index
    %get3A_29 = vector.load %arg3[%get3A_27, %get3A_28] : memref<2000x1xf32, #tpu.memory_space<vmem>>, vector<2000x1xf32>
    %get3A_30 = arith.constant 0 : index
    %get3A_31 = arith.constant 0 : index
    %get3A_32 = vector.load %arg5[%get3A_30, %get3A_31] : memref<128x128xf32, #tpu.memory_space<vmem>>, vector<128x128xf32>
    %dot_general3A = arith.constant dense<0.000000e+00> : vector<2000x128xf32>
    %dot_general3A_33 = tpu.matmul %select_n3A, %get3A_32, %dot_general3A {dimension_numbers = #tpu.dot_dimension_numbers<[1], [0], [0], [1], [0, 0, 1, 1], [], []>, precision = #tpu.contract_precision<fp32>, transpose_lhs_hint = false} : vector<2000x128xf32>, vector<128x128xf32>, vector<2000x128xf32> -> vector<2000x128xf32>
    %mul3A_34 = vector.broadcast %get3A_29 : vector<2000x1xf32> to vector<2000x128xf32>
    %mul3A_35 = arith.mulf %mul3A_34, %dot_general3A_33 : vector<2000x128xf32>
    %slice3A_36 = vector.extract_strided_slice %mul3A_35 {offsets = [0, 0], sizes = [2000, 64], strides = [1, 1]} : vector<2000x128xf32> to vector<2000x64xf32>
    %swap3A = arith.constant 0 : index
    %swap3A_37 = arith.constant 0 : index
    %swap3A_38 = arith.constant 0 : index
    %swap3A_39 = vector.load %arg6[%swap3A, %swap3A_37, %swap3A_38] : memref<2x2000x64xf32, #tpu.memory_space<vmem>>, vector<1x2000x64xf32>
    %swap3A_40 = vector.shape_cast %swap3A_39 : vector<1x2000x64xf32> to vector<2000x64xf32>
    %swap3A_41 = vector.shape_cast %slice3A_36 : vector<2000x64xf32> to vector<1x2000x64xf32>
    tpu.vector_store %arg6[%swap3A, %swap3A_37, %swap3A_38], %swap3A_41 {strides = array<i32>} : memref<2x2000x64xf32, #tpu.memory_space<vmem>>, vector<1x2000x64xf32>,
    %slice3A_42 = vector.extract_strided_slice %mul3A_35 {offsets = [0, 64], sizes = [2000, 64], strides = [1, 1]} : vector<2000x128xf32> to vector<2000x64xf32>
    %swap3A_43 = arith.constant 1 : index
    %swap3A_44 = arith.constant 0 : index
    %swap3A_45 = arith.constant 0 : index
    %swap3A_46 = vector.load %arg6[%swap3A_43, %swap3A_44, %swap3A_45] : memref<2x2000x64xf32, #tpu.memory_space<vmem>>, vector<1x2000x64xf32>
    %swap3A_47 = vector.shape_cast %swap3A_46 : vector<1x2000x64xf32> to vector<2000x64xf32>
    %swap3A_48 = vector.shape_cast %slice3A_42 : vector<2000x64xf32> to vector<1x2000x64xf32>
    tpu.vector_store %arg6[%swap3A_43, %swap3A_44, %swap3A_45], %swap3A_48 {strides = array<i32>} : memref<2x2000x64xf32, #tpu.memory_space<vmem>>, vector<1x2000x64xf32>,
    return
  }
  func.func @transform_0(%arg0: i32) -> (i32, i32, i32) {
    %c0_i32 = arith.constant 0 : i32
    %c0_i32_0 = arith.constant 0 : i32
    %c0_i32_1 = arith.constant 0 : i32
    return %c0_i32, %arg0, %c0_i32_0 : i32, i32, i32
  }
  func.func @transform_1(%arg0: i32) -> (i32, i32, i32) {
    %c0_i32 = arith.constant 0 : i32
    %c0_i32_0 = arith.constant 0 : i32
    %c0_i32_1 = arith.constant 0 : i32
    return %c0_i32, %arg0, %c0_i32_0 : i32, i32, i32
  }
  func.func @transform_2(%arg0: i32) -> (i32, i32) {
    %c0_i32 = arith.constant 0 : i32
    %c0_i32_0 = arith.constant 0 : i32
    return %arg0, %c0_i32 : i32, i32
  }
  func.func @transform_3(%arg0: i32) -> (i32, i32) {
    %c0_i32 = arith.constant 0 : i32
    %c0_i32_0 = arith.constant 0 : i32
    %c0_i32_1 = arith.constant 0 : i32
    return %c0_i32, %c0_i32_0 : i32, i32
  }
  func.func @transform_4(%arg0: i32) -> (i32, i32) {
    %c0_i32 = arith.constant 0 : i32
    %c0_i32_0 = arith.constant 0 : i32
    %c0_i32_1 = arith.constant 0 : i32
    return %c0_i32, %c0_i32_0 : i32, i32
  }
  func.func @transform_5(%arg0: i32) -> (i32, i32, i32) {
    %c0_i32 = arith.constant 0 : i32
    %c0_i32_0 = arith.constant 0 : i32
    %c0_i32_1 = arith.constant 0 : i32
    return %c0_i32, %arg0, %c0_i32_0 : i32, i32, i32
  }
}

module attributes {stable_mosaic.version = 14 : i64} {
  func.func @_comb2_body(%arg0: i32, %arg1: memref<2x2000x64xf32, #tpu.memory_space<vmem>>, %arg2: memref<2x2000x64xf32, #tpu.memory_space<vmem>>, %arg3: memref<2000x1xf32, #tpu.memory_space<vmem>>, %arg4: memref<1x128xf32, #tpu.memory_space<vmem>>, %arg5: memref<2000x128xf32, #tpu.memory_space<vmem>>) attributes {dimension_semantics = [#tpu.dimension_semantics<arbitrary>], iteration_bounds = array<i64: 5>, scalar_prefetch = 0 : i64, scratch_operands = 0 : i64, tpu.core_type = #tpu.core_type<tc>, window_params = [{transform_indices = @transform_0, window_bounds = array<i64: 2, 2000, 64>}, {transform_indices = @transform_1, window_bounds = array<i64: 2, 2000, 64>}, {transform_indices = @transform_2, window_bounds = array<i64: 2000, 1>}, {pipeline_mode = #tpu.pipeline_mode<synchronous>, transform_indices = @transform_3, window_bounds = array<i64: 1, 128>}, {transform_indices = @transform_4, window_bounds = array<i64: 2000, 128>}]} {
    %get3A = arith.constant 0 : index
    %get3A_0 = arith.constant 0 : index
    %get3A_1 = arith.constant 0 : index
    %get3A_2 = vector.load %arg1[%get3A, %get3A_0, %get3A_1] : memref<2x2000x64xf32, #tpu.memory_space<vmem>>, vector<2x2000x64xf32>
    %get3A_3 = arith.constant 0 : index
    %get3A_4 = arith.constant 0 : index
    %get3A_5 = arith.constant 0 : index
    %get3A_6 = vector.load %arg2[%get3A_3, %get3A_4, %get3A_5] : memref<2x2000x64xf32, #tpu.memory_space<vmem>>, vector<2x2000x64xf32>
    %slice3A = vector.extract_strided_slice %get3A_2 {offsets = [0, 0, 0], sizes = [1, 2000, 64], strides = [1, 1, 1]} : vector<2x2000x64xf32> to vector<1x2000x64xf32>
    %squeeze3A = vector.shape_cast %slice3A : vector<1x2000x64xf32> to vector<2000x64xf32>
    %slice3A_7 = vector.extract_strided_slice %get3A_2 {offsets = [1, 0, 0], sizes = [1, 2000, 64], strides = [1, 1, 1]} : vector<2x2000x64xf32> to vector<1x2000x64xf32>
    %squeeze3A_8 = vector.shape_cast %slice3A_7 : vector<1x2000x64xf32> to vector<2000x64xf32>
    %concatenate3A = tpu.concatenate %squeeze3A, %squeeze3A_8 in 1 : vector<2000x64xf32>, vector<2000x64xf32> -> vector<2000x128xf32>
    %slice3A_9 = vector.extract_strided_slice %get3A_6 {offsets = [0, 0, 0], sizes = [1, 2000, 64], strides = [1, 1, 1]} : vector<2x2000x64xf32> to vector<1x2000x64xf32>
    %squeeze3A_10 = vector.shape_cast %slice3A_9 : vector<1x2000x64xf32> to vector<2000x64xf32>
    %slice3A_11 = vector.extract_strided_slice %get3A_6 {offsets = [1, 0, 0], sizes = [1, 2000, 64], strides = [1, 1, 1]} : vector<2x2000x64xf32> to vector<1x2000x64xf32>
    %squeeze3A_12 = vector.shape_cast %slice3A_11 : vector<1x2000x64xf32> to vector<2000x64xf32>
    %concatenate3A_13 = tpu.concatenate %squeeze3A_10, %squeeze3A_12 in 1 : vector<2000x64xf32>, vector<2000x64xf32> -> vector<2000x128xf32>
    %get3A_14 = arith.constant 0 : index
    %get3A_15 = arith.constant 0 : index
    %get3A_16 = vector.load %arg3[%get3A_14, %get3A_15] : memref<2000x1xf32, #tpu.memory_space<vmem>>, vector<2000x1xf32>
    %add3A = arith.addf %concatenate3A, %concatenate3A_13 : vector<2000x128xf32>
    %mul3A = vector.broadcast %get3A_16 : vector<2000x1xf32> to vector<2000x128xf32>
    %mul3A_17 = arith.mulf %mul3A, %add3A : vector<2000x128xf32>
    %get3A_18 = arith.constant 0 : index
    %get3A_19 = arith.constant 0 : index
    %get3A_20 = vector.load %arg4[%get3A_18, %get3A_19] : memref<1x128xf32, #tpu.memory_space<vmem>>, vector<1x128xf32>
    %add3A_21 = vector.broadcast %get3A_20 : vector<1x128xf32> to vector<2000x128xf32>
    %add3A_22 = arith.addf %mul3A_17, %add3A_21 : vector<2000x128xf32>
    %gt3A = arith.constant 0.000000e+00 : f32
    %gt3A_23 = vector.broadcast %gt3A : f32 to vector<2000x128xf32>
    %gt3A_24 = arith.cmpf ogt, %add3A_22, %gt3A_23 : vector<2000x128xf32>
    %exp3A = math.exp %add3A_22 : vector<2000x128xf32>
    %sub3A = arith.constant 1.000000e+00 : f32
    %sub3A_25 = vector.broadcast %sub3A : f32 to vector<2000x128xf32>
    %sub3A_26 = arith.subf %exp3A, %sub3A_25 : vector<2000x128xf32>
    %select_n3A = arith.select %gt3A_24, %add3A_22, %sub3A_26 : vector<2000x128xi1>, vector<2000x128xf32>
    %swap3A = arith.constant 0 : index
    %swap3A_27 = arith.constant 0 : index
    %swap3A_28 = vector.load %arg5[%swap3A, %swap3A_27] : memref<2000x128xf32, #tpu.memory_space<vmem>>, vector<2000x128xf32>
    tpu.vector_store %arg5[%swap3A, %swap3A_27], %select_n3A {strides = array<i32>} : memref<2000x128xf32, #tpu.memory_space<vmem>>, vector<2000x128xf32>,
    return
  }
  func.func @transform_0(%arg0: i32) -> (i32, i32, i32) {
    %c0_i32 = arith.constant 0 : i32
    %c0_i32_0 = arith.constant 0 : i32
    %c0_i32_1 = arith.constant 0 : i32
    return %c0_i32, %arg0, %c0_i32_0 : i32, i32, i32
  }
  func.func @transform_1(%arg0: i32) -> (i32, i32, i32) {
    %c0_i32 = arith.constant 0 : i32
    %c0_i32_0 = arith.constant 0 : i32
    %c0_i32_1 = arith.constant 0 : i32
    return %c0_i32, %arg0, %c0_i32_0 : i32, i32, i32
  }
  func.func @transform_2(%arg0: i32) -> (i32, i32) {
    %c0_i32 = arith.constant 0 : i32
    %c0_i32_0 = arith.constant 0 : i32
    return %arg0, %c0_i32 : i32, i32
  }
  func.func @transform_3(%arg0: i32) -> (i32, i32) {
    %c0_i32 = arith.constant 0 : i32
    %c0_i32_0 = arith.constant 0 : i32
    %c0_i32_1 = arith.constant 0 : i32
    return %c0_i32, %c0_i32_0 : i32, i32
  }
  func.func @transform_4(%arg0: i32) -> (i32, i32) {
    %c0_i32 = arith.constant 0 : i32
    %c0_i32_0 = arith.constant 0 : i32
    return %arg0, %c0_i32 : i32, i32
  }
}

module attributes {stable_mosaic.version = 14 : i64} {
  func.func @_fc_body(%arg0: i32, %arg1: memref<2000x128xf32, #tpu.memory_space<vmem>>, %arg2: memref<2000x512xf32, #tpu.memory_space<vmem>>, %arg3: memref<1x512xf32, #tpu.memory_space<vmem>>, %arg4: memref<512x128xf32, #tpu.memory_space<vmem>>, %arg5: memref<1x128xf32, #tpu.memory_space<vmem>>, %arg6: memref<128x128xf32, #tpu.memory_space<vmem>>, %arg7: memref<128x512xf32, #tpu.memory_space<vmem>>) attributes {dimension_semantics = [#tpu.dimension_semantics<arbitrary>], iteration_bounds = array<i64: 5>, scalar_prefetch = 0 : i64, scratch_operands = 1 : i64, tpu.core_type = #tpu.core_type<tc>, window_params = [{transform_indices = @transform_0, window_bounds = array<i64: 2000, 128>}, {transform_indices = @transform_1, window_bounds = array<i64: 2000, 512>}, {pipeline_mode = #tpu.pipeline_mode<synchronous>, transform_indices = @transform_2, window_bounds = array<i64: 1, 512>}, {pipeline_mode = #tpu.pipeline_mode<synchronous>, transform_indices = @transform_3, window_bounds = array<i64: 512, 128>}, {pipeline_mode = #tpu.pipeline_mode<synchronous>, transform_indices = @transform_4, window_bounds = array<i64: 1, 128>}, {pipeline_mode = #tpu.pipeline_mode<synchronous>, transform_indices = @transform_5, window_bounds = array<i64: 128, 128>}]} {
    %eq3A = arith.constant 0 : i32
    %eq3A_0 = arith.cmpi eq, %arg0, %eq3A : i32
    %convert_element_type3A = arith.extui %eq3A_0 : i1 to i32
    %cond3A = arith.constant 0 : i32
    %cond3A_1 = arith.cmpi ne, %convert_element_type3A, %cond3A : i32
    scf.if %cond3A_1 {
      %broadcast_in_dim3A = arith.constant 0.000000e+00 : f32
      %broadcast_in_dim3A_18 = vector.broadcast %broadcast_in_dim3A : f32 to vector<128x512xf32>
      %swap3A_19 = arith.constant 0 : index
      %swap3A_20 = arith.constant 0 : index
      %swap3A_21 = vector.load %arg7[%swap3A_19, %swap3A_20] : memref<128x512xf32, #tpu.memory_space<vmem>>, vector<128x512xf32>
      tpu.vector_store %arg7[%swap3A_19, %swap3A_20], %broadcast_in_dim3A_18 {strides = array<i32>} : memref<128x512xf32, #tpu.memory_space<vmem>>, vector<128x512xf32>,
    } else {
    }
    %get3A = arith.constant 0 : index
    %get3A_2 = arith.constant 0 : index
    %get3A_3 = vector.load %arg7[%get3A, %get3A_2] : memref<128x512xf32, #tpu.memory_space<vmem>>, vector<128x512xf32>
    %get3A_4 = arith.constant 0 : index
    %get3A_5 = arith.constant 0 : index
    %get3A_6 = vector.load %arg1[%get3A_4, %get3A_5] : memref<2000x128xf32, #tpu.memory_space<vmem>>, vector<2000x128xf32>
    %get3A_7 = arith.constant 0 : index
    %get3A_8 = arith.constant 0 : index
    %get3A_9 = vector.load %arg2[%get3A_7, %get3A_8] : memref<2000x512xf32, #tpu.memory_space<vmem>>, vector<2000x512xf32>
    %dot_general3A = arith.constant dense<0.000000e+00> : vector<128x512xf32>
    %dot_general3A_10 = tpu.matmul %get3A_6, %get3A_9, %dot_general3A {dimension_numbers = #tpu.dot_dimension_numbers<[0], [0], [1], [1], [0, 1, 1, 1], [], []>, precision = #tpu.contract_precision<fp32>, transpose_lhs_hint = false} : vector<2000x128xf32>, vector<2000x512xf32>, vector<128x512xf32> -> vector<128x512xf32>
    %add3A = arith.addf %get3A_3, %dot_general3A_10 : vector<128x512xf32>
    %swap3A = arith.constant 0 : index
    %swap3A_11 = arith.constant 0 : index
    %swap3A_12 = vector.load %arg7[%swap3A, %swap3A_11] : memref<128x512xf32, #tpu.memory_space<vmem>>, vector<128x512xf32>
    tpu.vector_store %arg7[%swap3A, %swap3A_11], %add3A {strides = array<i32>} : memref<128x512xf32, #tpu.memory_space<vmem>>, vector<128x512xf32>,
    %eq3A_13 = arith.constant 4 : i32
    %eq3A_14 = arith.cmpi eq, %arg0, %eq3A_13 : i32
    %convert_element_type3A_15 = arith.extui %eq3A_14 : i1 to i32
    %cond3A_16 = arith.constant 0 : i32
    %cond3A_17 = arith.cmpi ne, %convert_element_type3A_15, %cond3A_16 : i32
    scf.if %cond3A_17 {
      %get3A_18 = arith.constant 0 : index
      %get3A_19 = arith.constant 0 : index
      %get3A_20 = vector.load %arg7[%get3A_18, %get3A_19] : memref<128x512xf32, #tpu.memory_space<vmem>>, vector<128x512xf32>
      %get3A_21 = arith.constant 0 : index
      %get3A_22 = arith.constant 0 : index
      %get3A_23 = vector.load %arg3[%get3A_21, %get3A_22] : memref<1x512xf32, #tpu.memory_space<vmem>>, vector<1x512xf32>
      %add3A_24 = vector.broadcast %get3A_23 : vector<1x512xf32> to vector<128x512xf32>
      %add3A_25 = arith.addf %get3A_20, %add3A_24 : vector<128x512xf32>
      %gt3A = arith.constant 0.000000e+00 : f32
      %gt3A_26 = vector.broadcast %gt3A : f32 to vector<128x512xf32>
      %gt3A_27 = arith.cmpf ogt, %add3A_25, %gt3A_26 : vector<128x512xf32>
      %exp3A = math.exp %add3A_25 : vector<128x512xf32>
      %sub3A = arith.constant 1.000000e+00 : f32
      %sub3A_28 = vector.broadcast %sub3A : f32 to vector<128x512xf32>
      %sub3A_29 = arith.subf %exp3A, %sub3A_28 : vector<128x512xf32>
      %select_n3A = arith.select %gt3A_27, %add3A_25, %sub3A_29 : vector<128x512xi1>, vector<128x512xf32>
      %get3A_30 = arith.constant 0 : index
      %get3A_31 = arith.constant 0 : index
      %get3A_32 = vector.load %arg4[%get3A_30, %get3A_31] : memref<512x128xf32, #tpu.memory_space<vmem>>, vector<512x128xf32>
      %dot_general3A_33 = arith.constant dense<0.000000e+00> : vector<128x128xf32>
      %dot_general3A_34 = tpu.matmul %select_n3A, %get3A_32, %dot_general3A_33 {dimension_numbers = #tpu.dot_dimension_numbers<[1], [0], [0], [1], [0, 0, 1, 1], [], []>, precision = #tpu.contract_precision<fp32>, transpose_lhs_hint = false} : vector<128x512xf32>, vector<512x128xf32>, vector<128x128xf32> -> vector<128x128xf32>
      %get3A_35 = arith.constant 0 : index
      %get3A_36 = arith.constant 0 : index
      %get3A_37 = vector.load %arg5[%get3A_35, %get3A_36] : memref<1x128xf32, #tpu.memory_space<vmem>>, vector<1x128xf32>
      %add3A_38 = vector.broadcast %get3A_37 : vector<1x128xf32> to vector<128x128xf32>
      %add3A_39 = arith.addf %dot_general3A_34, %add3A_38 : vector<128x128xf32>
      %gt3A_40 = arith.constant 0.000000e+00 : f32
      %gt3A_41 = vector.broadcast %gt3A_40 : f32 to vector<128x128xf32>
      %gt3A_42 = arith.cmpf ogt, %add3A_39, %gt3A_41 : vector<128x128xf32>
      %exp3A_43 = math.exp %add3A_39 : vector<128x128xf32>
      %sub3A_44 = arith.constant 1.000000e+00 : f32
      %sub3A_45 = vector.broadcast %sub3A_44 : f32 to vector<128x128xf32>
      %sub3A_46 = arith.subf %exp3A_43, %sub3A_45 : vector<128x128xf32>
      %select_n3A_47 = arith.select %gt3A_42, %add3A_39, %sub3A_46 : vector<128x128xi1>, vector<128x128xf32>
      %swap3A_48 = arith.constant 0 : index
      %swap3A_49 = arith.constant 0 : index
      %swap3A_50 = vector.load %arg6[%swap3A_48, %swap3A_49] : memref<128x128xf32, #tpu.memory_space<vmem>>, vector<128x128xf32>
      tpu.vector_store %arg6[%swap3A_48, %swap3A_49], %select_n3A_47 {strides = array<i32>} : memref<128x128xf32, #tpu.memory_space<vmem>>, vector<128x128xf32>,
    } else {
    }
    return
  }
  func.func @transform_0(%arg0: i32) -> (i32, i32) {
    %c0_i32 = arith.constant 0 : i32
    %c0_i32_0 = arith.constant 0 : i32
    return %arg0, %c0_i32 : i32, i32
  }
  func.func @transform_1(%arg0: i32) -> (i32, i32) {
    %c0_i32 = arith.constant 0 : i32
    %c0_i32_0 = arith.constant 0 : i32
    return %arg0, %c0_i32 : i32, i32
  }
  func.func @transform_2(%arg0: i32) -> (i32, i32) {
    %c0_i32 = arith.constant 0 : i32
    %c0_i32_0 = arith.constant 0 : i32
    %c0_i32_1 = arith.constant 0 : i32
    return %c0_i32, %c0_i32_0 : i32, i32
  }
  func.func @transform_3(%arg0: i32) -> (i32, i32) {
    %c0_i32 = arith.constant 0 : i32
    %c0_i32_0 = arith.constant 0 : i32
    %c0_i32_1 = arith.constant 0 : i32
    return %c0_i32, %c0_i32_0 : i32, i32
  }
  func.func @transform_4(%arg0: i32) -> (i32, i32) {
    %c0_i32 = arith.constant 0 : i32
    %c0_i32_0 = arith.constant 0 : i32
    %c0_i32_1 = arith.constant 0 : i32
    return %c0_i32, %c0_i32_0 : i32, i32
  }
  func.func @transform_5(%arg0: i32) -> (i32, i32) {
    %c0_i32 = arith.constant 0 : i32
    %c0_i32_0 = arith.constant 0 : i32
    %c0_i32_1 = arith.constant 0 : i32
    return %c0_i32, %c0_i32_0 : i32, i32
  }
}

</mosaic_0001>

<sc_bundles>
// kernel: kernel.10.cloned.1.call-start
scs
__scs_entry_jumppad:
0x0: {  	(pc) =	sbr.rel $0x88, $3  }
0x1: {  	(tag) =	ssettag $0x0;
	lr =	simm.s32 $0x1  }
0x2: {  	[smem:$0x3F96] =	sst lr;
	_ =	strace $0xD0000000  }
0x3: {  	_ = 	snop  }
0x4: {  	_ = 	snop  }
0x5: {  	_ = 	snop  }
0x6: {  	_ = 	snop  }
0x7: {  	_ = 	snop  }
__scs_overlays_trampoline_lowered:
0x8: {  	[smem:$0x3FA5] =	sst s0  }
0x9: {  	[smem:$0x3FA6] =	sst s1  }
0xa: {  	[smem:$0x3FA7] =	sst s2  }
0xb: {  	[smem:$0x3FA8] =	sst s3  }
0xc: {  	[smem:$0x3FA9] =	sst s4  }
0xd: {  	[smem:$0x3FAA] =	sst s5  }
0xe: {  	[smem:$0x3FAB] =	sst s6  }
0xf: {  	[smem:$0x3FAC] =	sst s7  }
0x10: {  	[smem:$0x3FAD] =	sst s8  }
0x11: {  	[smem:$0x3FAE] =	sst s9;
	s0 =	simm.s32 @!p0 $0x0  }
0x12: {  	s1 =	sld [smem:$0x3F94];
	s0 =	simm.s32 @p0 $0x1  }
0x13: {  	[smem:$0x3FAF] =	sst s0;
	s0 =	simm.s32 @!p1 $0x0  }
0x14: {  	s2 =	sld [smem:$0x3F93];
	s0 =	simm.s32 @p1 $0x1  }
0x15: {  	[smem:$0x3FB0] =	sst s0;
	s0 =	simm.s32 @!p2 $0x0  }
0x16: {  	s3 =	sld [smem:$0x3FDB];
	s0 =	simm.s32 @p2 $0x1  }
0x17: {  	s4 =	simm.s32 $0x1BF5;
	[smem:$0x3FB2] =	sst s0  }
0x18: {  	s0 =	sld [smem:$0x3F95];
	_ =	swait.ge [sflag:s4], $0x0  }
0x19: {  	s7 =	sld [smem:$0x3F96]  }
0x1a: {  	s8 =	sadd.s32 $0xFFFFE003, lr  }
0x1b: {  	s9 =	sadd.s32 $0xFFFFFEF7, lr;
	s5 =	simm.s32 $0xFFFFFFFF;
	p2 =	slt.u32 s8, $0xFFFFF086  }
0x1c: {  	p1 =	slt.u32 s9, $0xF7A;
	s5 =	simm.s32 @!p2 $0x0  }
0x1d: {  	s5 =	simm.s32 @p1 $0x1;
	p0 =	seq.s32 s7, s2  }
0x1e: {  	s7 =	smul.u32 @!p0 $0xF7A, s2;
	p2 =	seq.s32 @!p0 s5, $0x0  }
0x1f: {  	s9 =	smul.u32 $0xF7A, s1;
	s8 =	simm.s32 @!p0 $0x1BF5;
	p2 =	por !p2, p0  }
0x20: {  	[sflag:s8] =	ssyncset.s32 @!p0 $0xFFFFF086;
	s6 =	sadd.s32 @!p0 s3, s7;
	s7 =	simm.s32 @!p0 $0x108  }
0x21: {  	s3 =	sadd.s32 s3, s9;
	s6 =	sadd.s32 @!p0 $0x88, s6;
	s7 =	simm.s32 @p2 $0x1082  }
0x22: {  	[simem:s7], [sflag:s8] =	dma.local @!p0 [hbm:s6], $0xF7A  }
0x23: {  	s9 =	sor.u32 $0xD0000000, s2;
	s6 =	simm.s32 $0x108;
	_ =	swait.ge @!p0 [sflag:s8], $0x0  }
0x24: {  	s3 =	sadd.s32 $0x88, s3;
	s6 =	simm.s32 @!p1 $0x1082;
	[sflag:s4] =	ssyncset.s32 $0xFFFFF086  }
0x25: {  	[simem:s6], [sflag:s4] =	dma.local [hbm:s3], $0xF7A  }
0x26: {  	[smem:$0x3F96] =	sst s1;
	(tag) =	ssettag s2;
	_ =	strace s9  }
0x27: {  	s1 =	sld [smem:$0x3FA6]  }
0x28: {  	s2 =	sld [smem:$0x3FA7]  }
0x29: {  	s4 =	sld [smem:$0x3FA9]  }
0x2a: {  	p0 =	seq.s32 s5, $0x0;
	s5 =	sld [smem:$0x3FAA]  }
0x2b: {  	s6 =	sld [smem:$0x3FAB]  }
0x2c: {  	s7 =	sld [smem:$0x3FAC]  }
0x2d: {  	s3 =	simm.s32 $0x108;
	s8 =	sld [smem:$0x3FAD]  }
0x2e: {  	s3 =	simm.s32 @!p0 $0x1082;
	s9 =	sld [smem:$0x3FAE]  }
0x2f: {  	lr =	sadd.s32 s0, s3;
	s0 =	sld [smem:$0x3FA5]  }
0x30: {  	s3 =	sld [smem:$0x3FA8]  }
0x31: {  	[smem:$0x3FB1] =	sst s10  }
0x32: {  	s10 =	sld [smem:$0x3FAF];
	_ =	sdelay $0x3  }
0x33: {  	p0 =	seq.s32 s10, $0x1;
	s10 =	sld [smem:$0x3FB1];
	_ =	sdelay $0x3  }
0x34: {  	[smem:$0x3FB1] =	sst s10  }
0x35: {  	s10 =	sld [smem:$0x3FB0];
	_ =	sdelay $0x3  }
0x36: {  	p1 =	seq.s32 s10, $0x1;
	s10 =	sld [smem:$0x3FB1];
	_ =	sdelay $0x3  }
0x37: {  	[smem:$0x3FB1] =	sst s10  }
0x38: {  	s10 =	sld [smem:$0x3FB2]  }
0x39: {  	_ = 	snop;
	(pc) =	sbr.ind lr, $3  }
0x3a: {  	_ = 	snop  }
0x3b: {  	_ = 	snop  }
0x3c: {  	p2 =	seq.s32 s10, $0x1;
	s10 =	sld [smem:$0x3FB1]  }
0x3d: {  	_ =	shalt  }
0x3e: {  	_ =	shalt  }
0x3f: {  	_ =	shalt  }
0x40: {  	_ =	shalt  }
0x41: {  	_ =	shalt  }
0x42: {  	_ =	shalt  }
0x43: {  	_ =	shalt  }
0x44: {  	_ =	shalt  }
0x45: {  	_ =	shalt  }
0x46: {  	_ =	shalt  }
0x47: {  	_ =	shalt  }
0x48: {  	_ =	shalt  }
0x49: {  	_ =	shalt  }
0x4a: {  	_ =	shalt  }
0x4b: {  	_ =	shalt  }
0x4c: {  	_ =	shalt  }
0x4d: {  	_ =	shalt  }
0x4e: {  	_ =	shalt  }
0x4f: {  	_ =	shalt  }
0x50: {  	_ =	shalt  }
0x51: {  	_ =	shalt  }
0x52: {  	_ =	shalt  }
0x53: {  	_ =	shalt  }
0x54: {  	_ =	shalt  }
0x55: {  	_ =	shalt  }
0x56: {  	_ =	shalt  }
0x57: {  	_ =	shalt  }
0x58: {  	_ =	shalt  }
0x59: {  	_ =	shalt  }
0x5a: {  	_ =	shalt  }
0x5b: {  	_ =	shalt  }
0x5c: {  	_ =	shalt  }
0x5d: {  	_ =	shalt  }
0x5e: {  	_ =	shalt  }
0x5f: {  	_ =	shalt  }
0x60: {  	_ =	shalt  }
0x61: {  	_ =	shalt  }
0x62: {  	_ =	shalt  }
0x63: {  	_ =	shalt  }
0x64: {  	_ =	shalt  }
0x65: {  	_ =	shalt  }
0x66: {  	_ =	shalt  }
0x67: {  	_ =	shalt  }
0x68: {  	_ =	shalt  }
0x69: {  	_ =	shalt  }
0x6a: {  	_ =	shalt  }
0x6b: {  	_ =	shalt  }
0x6c: {  	_ =	shalt  }
0x6d: {  	_ =	shalt  }
0x6e: {  	_ =	shalt  }
0x6f: {  	_ =	shalt  }
0x70: {  	_ =	shalt  }
0x71: {  	_ =	shalt  }
0x72: {  	_ =	shalt  }
0x73: {  	_ =	shalt  }
0x74: {  	_ =	shalt  }
0x75: {  	_ =	shalt  }
0x76: {  	_ =	shalt  }
0x77: {  	_ =	shalt  }
0x78: {  	_ =	shalt  }
0x79: {  	_ =	shalt  }
0x7a: {  	_ =	shalt  }
0x7b: {  	_ =	shalt  }
0x7c: {  	_ =	shalt  }
0x7d: {  	_ =	shalt  }
0x7e: {  	_ =	shalt  }
0x7f: {  	_ =	shalt  }
0x80: {  	_ =	shalt  }
0x81: {  	_ =	shalt  }
0x82: {  	_ =	shalt  }
0x83: {  	_ =	shalt  }
0x84: {  	_ =	shalt  }
0x85: {  	_ =	shalt  }
0x86: {  	_ =	shalt  }
0x87: {  	_ =	shalt  }
.Lfunc_end0:
.L_simem_size_0:
called_computation_lowered:
.L_overlay_start_0:
0x88: {  	s2 =	sld [smem:$0x3FD9]  }
0x89: {  	s3 =	sld [smem:$0x3FFE];
	_ =	sdelay $0x1  }
0x8a: {  	s1 =	srdreg.scid  }
0x8b: {  	s0 =	sand.u32 $0x1, s1  }
0x8c: {  	s17 =	sshll.u32 s0, $0xA;
	s2 =	sadd.s32 s3, s2  }
0x8d: {  	s2 =	sadd.s32 s2, s17  }
0x8e: {  	[smem:$0x3FBD] =	sst s2  }
0x8f: {  	_ = 	snop  }
0x90: {  	s2 =	sld [smem:$0x3FD0];
	(tm) =	ssettm $0x1  }
0x91: {  	s18 =	sld [smem:$0x3FFB];
	_ =	sdelay $0x3  }
0x92: {  	_ =	strace s18  }
0x93: {  	s3 =	sld [smem:$0x3FFC];
	_ =	sdelay $0x3  }
0x94: {  	_ =	strace s3  }
0x95: {  	s3 =	sld [smem:$0x3FFD];
	_ =	sdelay $0x3  }
0x96: {  	_ =	strace s3  }
0x97: {  	_ =	strace $0x8FFFFFFF  }
0x98: {  	s19 =	sld [smem:$0x3FDB];
	_ =	sdelay $0x1  }
0x99: {  	s4 =	simm.s32 $_scs_section_size  }
0x9a: {  	s5 =	simm.s32 $_size__tile_overlayer_lowered;
	s6 =	simm.s32 $_tile_overlayer_lowered  }
0x9b: {  	s22 =	simm.s32 $0x1BFF;
	s21 =	sshll.u32 s6, $0x1;
	s3 =	sadd.s32 s4, s19  }
0x9c: {  	s7 =	simm.s32 $0x0;
	s20 =	sshll.u32 s5, $0x1;
	s5 =	sadd.s32 s21, s3  }
0x9d: {  	[timem:s7], [sflag:s22] =	dma.local [hbm:s5], s20  }
0x9e: {  	_ =	swait.ge [sflag:s22], s20  }
0x9f: {  	s4 =	ssub.s32 $0x0, s20;
	[sflag:s22] =	ssyncset.done $0x0  }
0xa0: {  	[sflag:s22] =	ssyncadd.s32 s4;
	_ =	sdelay $0x1  }
0xa1: {  	s23 =	simm.s32 $0x1B8B  }
0xa2: {  	_ =	swait.ge [sflag:s23], $0x1  }
0xa3: {  	[sflag:s23] =	ssyncset.done $0x0  }
0xa4: {  	s25 =	simm.s32 $0x1B8E;
	s24 =	sld [smem:$0x3FFE];
	[sflag:s23] =	ssyncadd.s32 $0xFFFFFFFF  }
0xa5: {  	s26 =	simm.s32 $execute0_lowered;
	[smem:$0x3FD2] =	sst s25  }
0xa6: {  	s5 =	sshll.u32 s26, $0x1;
	_ =	strace $0x80000046;
	[dreg:$0x1] =	wrdreg $0xFFFFFFFF  }
0xa7: {  	s28 =	simm.s32 $_size_execute0_lowered;
	s3 =	sadd.s32 s3, s5;
	[dreg:$0x0] =	wrdreg $0x0  }
0xa8: {  	s5 =	sshll.u32 s28, $0x1;
	[dreg:$0x2] =	wrdreg s3  }
0xa9: {  	[dreg:$0x3] =	wrdreg s5  }
0xaa: {  	[dreg:$0x4] =	wrdreg $0xC0  }
0xab: {  	_ =	task [dreg:s7], $0x5FFFF  }
0xac: {  	[dreg:$0x1] =	wrdreg $0xFFFFFFFF  }
0xad: {  	[dreg:$0x0] =	wrdreg $0x60  }
0xae: {  	[dreg:$0x2] =	wrdreg s24  }
0xaf: {  	[dreg:$0x3] =	wrdreg s2  }
0xb0: {  	[dreg:$0x4] =	wrdreg $0x0  }
0xb1: {  	[dreg:$0x5] =	wrdreg $0x9  }
0xb2: {  	_ =	task.clear_ibuf [dreg:s7], $0x6FFFF;
	_ =	strace $0x90000046  }
0xb3: {  	s29 =	simm.s32 $0x9;
	_ =	strace $0x80000048  }
0xb4: {  	_ =	swait.ge [sflag:s29], $0x1  }
0xb5: {  	[sflag:s29] =	ssyncadd.s32 $0xFFFFFFFF  }
0xb6: {  	_ =	strace $0x90000048  }
0xb7: {  	_ =	sfence  }
0xb8: {  	s30 =	sld [smem:$0x0];
	_ =	sdelay $0x2  }
0xb9: {  	s31 =	sshll.u32 s1, $0xD;
	s1 =	sshrl.u32 s1, $0x2  }
0xba: {  	s3 =	sand.u32 $0x4000, s31;
	s1 =	sadd.s32 s1, s30  }
0xbb: {  	s0 =	sor.u32 s3, s0;
	s1 =	sshll.u32 s1, $0x11  }
0xbc: {  	s0 =	sor.u32 s1, s0  }
0xbd: {  	s0 =	sadd.s32 $0x8F2B, s0  }
0xbe: {  	[sflag:s0] =	ssyncadd.remote.s32 $0x1  }
0xbf: {  	_ =	sfence.sel $0xFFFF  }
0xc0: {  	[dreg:$0x0] =	wrdreg $0xFFFFFFFF;
	(pc) =	sbr.abs _section_cstart, $3  }
0xc1: {  	[dreg:$0x1] =	wrdreg $0xFFFFFFFF  }
0xc2: {  	_ =	task.clear_ibuf [dreg:s7], $0x2FFFF;
	_ =	strace $0x9FFFFFFF  }
0xc3: {  	(tm) =	ssettm $0x7FFFFFFF  }
tec
execute0_lowered:
.L_overlay_start_1:
0x0: {  	(tag) =	ssettag $0x1  }
0x1: {  	s4 =	rddreg [dreg:$0x0]  }
0x2: {  	s8 =	rddreg [dreg:$0x1]  }
0x3: {  	s2 =	rddreg [dreg:$0x2]  }
0x4: {  	s1 =	stileid.u32;
	s3 =	srdreg.scid  }
0x5: {  	s0 =	rddreg [dreg:$0x3];
	s12 =	simm.s32 $0x280;
	s13 =	simm.s32 $0x5280  }
0x6: {  	s14 =	simm.s32 $0x80;
	s15 =	simm.s32 $0xA500;
	s16 =	simm.s32 $0x0  }
0x7: {  	s5 =	smul.u32 $0xA00, s1;
	s6 =	sand.u32 $0x1, s3;
	s3 =	simm.s32 $0x0  }
0x8: {  	s9 =	smul.u32 $0x280, s1;
	s7 =	ssub.s32 $0x2, s6;
	[smem:$0x7FF] =	sst s3  }
0x9: {  	s6 =	smul.u32 $0x140, s6;
	s10 =	sshrl.u32 s7, $0x1;
	_ =	strace $0x80000047  }
0xa: {  	s11 =	sadd.s32 s5, s4;
	s4 =	sadd.s32 s9, s2;
	s10 =	ssub.s32 s7, s10  }
0xb: {  	s5 =	sadd.s32 $0xC200, s11;
	s9 =	sadd.s32 s6, s9;
	s6 =	sadd.s32 $0x2200, s11  }
0xc: {  	s11 =	simm.s32 $0x1;
	s7 =	sadd.s32 s9, s2;
	s9 =	sshrl.u32 s9, $0x3  }
0xd: {  	v0 =	vimm.f32 $0.0e+00;
	s8 =	sadd.s32 s8, s9;
	s9 =	smax.u32 s10, $0x1;
	s10 =	simm.s32 $0xA280  }
.LBB2_1:
0xe: {  	[tilespmem:$0xA280] =	vst v0  }
0xf: {  	[tilespmem:$0xA290] =	vst v0  }
0x10: {  	[tilespmem:$0xA2A0] =	vst v0  }
0x11: {  	[tilespmem:$0xA2B0] =	vst v0  }
0x12: {  	[tilespmem:$0xA2C0] =	vst v0  }
0x13: {  	[tilespmem:$0xA2D0] =	vst v0  }
0x14: {  	[tilespmem:$0xA2E0] =	vst v0  }
0x15: {  	[tilespmem:$0xA2F0] =	vst v0  }
0x16: {  	[tilespmem:$0xA300] =	vst v0  }
0x17: {  	[tilespmem:$0xA310] =	vst v0  }
0x18: {  	[tilespmem:$0xA320] =	vst v0  }
0x19: {  	[tilespmem:$0xA330] =	vst v0  }
0x1a: {  	[tilespmem:$0xA340] =	vst v0  }
0x1b: {  	[tilespmem:$0xA350] =	vst v0  }
0x1c: {  	[tilespmem:$0xA360] =	vst v0  }
0x1d: {  	[tilespmem:$0xA370] =	vst v0  }
0x1e: {  	[tilespmem:$0xA380] =	vst v0  }
0x1f: {  	[tilespmem:$0xA390] =	vst v0  }
0x20: {  	[tilespmem:$0xA3A0] =	vst v0  }
0x21: {  	[tilespmem:$0xA3B0] =	vst v0  }
0x22: {  	[tilespmem:$0xA3C0] =	vst v0  }
0x23: {  	[tilespmem:$0xA3D0] =	vst v0  }
0x24: {  	[tilespmem:$0xA3E0] =	vst v0  }
0x25: {  	[tilespmem:$0xA3F0] =	vst v0  }
0x26: {  	[tilespmem:$0xA400] =	vst v0  }
0x27: {  	[tilespmem:$0xA410] =	vst v0  }
0x28: {  	[tilespmem:$0xA420] =	vst v0  }
0x29: {  	[tilespmem:$0xA430] =	vst v0  }
0x2a: {  	[tilespmem:$0xA440] =	vst v0  }
0x2b: {  	[tilespmem:$0xA450] =	vst v0  }
0x2c: {  	[tilespmem:$0xA460] =	vst v0  }
0x2d: {  	[tilespmem:$0xA470] =	vst v0  }
0x2e: {  	[tilespmem:$0xA480] =	vst v0  }
0x2f: {  	[tilespmem:$0xA490] =	vst v0  }
0x30: {  	[tilespmem:$0xA4A0] =	vst v0  }
0x31: {  	[tilespmem:$0xA4B0] =	vst v0  }
0x32: {  	[tilespmem:$0xA4C0] =	vst v0  }
0x33: {  	[tilespmem:$0xA4D0] =	vst v0  }
0x34: {  	[tilespmem:$0xA4E0] =	vst v0  }
0x35: {  	[tilespmem:$0xA4F0] =	vst v0  }
0x36: {  	[spmem:s4] =	stream.linear.scatter [tilespmem:s10], [sflag:$0x1], $0x280, $0x38;
	[tilespmem:$0xA680] =	vst v63  }
0x37: {  	_ =	swait.ge [sflag:s11], $0x280  }
0x38: {  	[sflag:s11] =	ssyncset.done $0x0  }
0x39: {  	[sflag:s11] =	ssyncadd.s32 $0xFFFFFD80  }
0x3a: {  	[tilespmem:s12], [sflag:$0x1] =	stream.linear.gather [hbm4b:s5+s3], $0x5000, $0x38;
	[tilespmem:$0xA680] =	vst v63  }
0x3b: {  	_ =	swait.ge [sflag:s11], $0x5000  }
0x3c: {  	[sflag:s11] =	ssyncset.done $0x0  }
0x3d: {  	[sflag:s11] =	ssyncadd.s32 $0xFFFFB000  }
0x3e: {  	[tilespmem:s13], [sflag:$0x1] =	stream.linear.gather [hbm4b:s6+s3], $0x5000, $0x38;
	[tilespmem:$0xA680] =	vst v63  }
0x3f: {  	_ =	swait.ge [sflag:s11], $0x5000  }
0x40: {  	[sflag:s11] =	ssyncset.done $0x0  }
0x41: {  	[sflag:s11] =	ssyncadd.s32 $0xFFFFB000  }
0x42: {  	s17 =	simm.s32 $0x5280;
	s18 =	simm.s32 $0x280;
	[bflag:$0x0] =	sbarrier.arrive $0xFFFF  }
0x43: {  	[spmem:s2] =	stream.indirect.scatter.add.f32 [tilespmem:s17], [sflag:$0x1], $0x1, s18, s14, $0xb8;
	[tilespmem:$0xA680] =	vst v63  }
0x44: {  	s17 =	simm.s32 $0x200;
	_ =	swait.ge [sflag:s11], $0x80  }
.LBB2_2:
0x45: {  	s18 =	sshra.s32 s17, $0x2  }
0x46: {  	[sflag:s11] =	ssyncset.done $0x0;
	p0 =	sne.s32 s17, $0x13E00;
	s19 =	sadd.s32 $0x5280, s18  }
.Ltmp0:
0x47: {  	s18 =	sadd.s32 $0x280, s18;
	[sflag:s11] =	ssyncadd.s32 $0xFFFFFF80;
	(pc) =	sbr.rel @p0 .LBB2_2-.Ltmp0, $3  }
0x48: {  	[spmem:s2] =	stream.indirect.scatter.add.f32 [tilespmem:s19], [sflag:$0x1], $0x1, s18, s14, $0xb8;
	[tilespmem:$0xA680] =	vst v63  }
0x49: {  	s17 =	sadd.s32 $0x200, s17;
	_ =	sdelay $0x1  }
0x4a: {  	_ =	swait.ge [sflag:s11], $0x80  }
0x4b: {  	[sflag:s11] =	ssyncset.done $0x0  }
0x4c: {  	[sflag:s11] =	ssyncadd.s32 $0xFFFFFF80  }
0x4d: {  	[bflag:$0x0] =	sbarrier.arrive $0xFFFF  }
0x4e: {  	[tilespmem:s15], [sflag:$0x1] =	stream.linear.gather [spmem:s7], $0x140, $0x38;
	[tilespmem:$0xA680] =	vst v63  }
0x4f: {  	_ =	swait.ge [sflag:s11], $0x140  }
0x50: {  	[sflag:s11] =	ssyncset.done $0x0  }
0x51: {  	s17 =	simm.s32 $0x0;
	s18 =	simm.s32 $0x40;
	[sflag:s11] =	ssyncadd.s32 $0xFFFFFEC0  }
.LBB2_4:
0x52: {  	p0 =	sne.s32 s18, $0x4C0;
	v1 =	vld [tilespmem:s17+$0xA500];
	_ =	sdelay $0x4  }
0x53: {  	v1 =	vadd.f32 $1.000000000e+00, v1;
	_ =	sdelay $0x1  }
0x54: {  	v2 =	vshra.s32 v1, $0x1;
	v1 =	vmul.f32 $5.000000000e-01, v1  }
0x55: {  	v2 =	vsub.s32 $0x5F3759DF, v2  }
0x56: {  	v3 =	vmul.f32 v2, v1;
	_ =	sdelay $0x1  }
0x57: {  	v3 =	vmul.f32 v2, v3;
	_ =	sdelay $0x1  }
0x58: {  	v3 =	vsub.f32 $1.500000000e+00, v3;
	_ =	sdelay $0x1  }
0x59: {  	v2 =	vmul.f32 v2, v3;
	_ =	sdelay $0x1  }
0x5a: {  	v3 =	vmul.f32 v2, v1;
	_ =	sdelay $0x1  }
0x5b: {  	v3 =	vmul.f32 v3, v2;
	_ =	sdelay $0x1  }
0x5c: {  	v3 =	vsub.f32 $1.500000000e+00, v3;
	_ =	sdelay $0x1  }
0x5d: {  	v2 =	vmul.f32 v3, v2;
	_ =	sdelay $0x1  }
0x5e: {  	v1 =	vmul.f32 v2, v1;
	_ =	sdelay $0x1  }
0x5f: {  	v1 =	vmul.f32 v1, v2;
	_ =	sdelay $0x1  }
.Ltmp1:
0x60: {  	v1 =	vsub.f32 $1.500000000e+00, v1;
	(pc) =	sbr.rel @p0 .LBB2_4-.Ltmp1, $3  }
0x61: {  	_ = 	snop  }
0x62: {  	v1 =	vmul.f32 v1, v2;
	_ =	sdelay $0x1  }
0x63: {  	[tilespmem:s17+$0xA500] =	vst v1;
	s17 =	sshra.s32 s18, $0x2;
	s18 =	sadd.s32 $0x40, s18  }
0x64: {  	v1 =	vld [tilespmem:s17+$0xA500];
	_ =	sdelay $0x4  }
0x65: {  	v1 =	vadd.f32 $1.000000000e+00, v1;
	_ =	sdelay $0x1  }
0x66: {  	v2 =	vshra.s32 v1, $0x1;
	v1 =	vmul.f32 $5.000000000e-01, v1  }
0x67: {  	v2 =	vsub.s32 $0x5F3759DF, v2  }
0x68: {  	v3 =	vmul.f32 v2, v1;
	_ =	sdelay $0x1  }
0x69: {  	v3 =	vmul.f32 v2, v3;
	_ =	sdelay $0x1  }
0x6a: {  	v3 =	vsub.f32 $1.500000000e+00, v3;
	_ =	sdelay $0x1  }
0x6b: {  	v2 =	vmul.f32 v2, v3;
	_ =	sdelay $0x1  }
0x6c: {  	v3 =	vmul.f32 v2, v1;
	_ =	sdelay $0x1  }
0x6d: {  	v3 =	vmul.f32 v3, v2;
	_ =	sdelay $0x1  }
0x6e: {  	v3 =	vsub.f32 $1.500000000e+00, v3;
	_ =	sdelay $0x1  }
0x6f: {  	v2 =	vmul.f32 v3, v2;
	_ =	sdelay $0x1  }
0x70: {  	v1 =	vmul.f32 v2, v1;
	_ =	sdelay $0x1  }
0x71: {  	v1 =	vmul.f32 v1, v2;
	_ =	sdelay $0x1  }
0x72: {  	v1 =	vsub.f32 $1.500000000e+00, v1;
	_ =	sdelay $0x1  }
0x73: {  	s16 =	sadd.s32 $0x1, s16;
	v1 =	vmul.f32 v1, v2  }
0x74: {  	p0 =	sne.s32 s16, s9  }
.Ltmp2:
0x75: {  	[tilespmem:s17+$0xA500] =	vst v1;
	(pc) =	sbr.rel @p0 .LBB2_1-.Ltmp2, $4  }
0x76: {  	[hbm4b:s8+s3] =	stream.linear.scatter [tilespmem:s15], [sflag:$0x1], $0x140, $0x38;
	[tilespmem:$0xA680] =	vst v63  }
0x77: {  	_ =	swait.ge [sflag:s11], $0x140  }
0x78: {  	[sflag:s11] =	ssyncset.done $0x0  }
0x79: {  	[sflag:s11] =	ssyncadd.s32 $0xFFFFFEC0  }
0x7a: {  	_ =	sfence.sel $0x180000  }
0x7b: {  	[bflag:$0x0] =	sbarrier.arrive $0xFFFF  }
0x7c: {  	p0 =	sne.s32 s1, $0x0;
	_ =	strace $0x90000047  }
0x7d: {  	s0 =	sadd.s32 @!p0 $0x100000, s0;
	[bflag:$0x2] =	sbarrier.arrive $0xFFFF  }
0x7e: {  	[sflag:s0] =	ssyncadd.tile.s32 @!p0 $0x1;
	_ =	shalt  }
.Lfunc_end2:
_tile_overlayer_lowered:
.L_overlay_start_2:
0x7f: {  	(tag) =	ssettag $0x2  }
0x80: {  	s0 =	rddreg [dreg:$0x0];
	s2 =	stileid.u32  }
0x81: {  	s1 =	rddreg [dreg:$0x1];
	p0 =	sne.s32 s2, $0x0  }
0x82: {  	s3 =	rddreg [dreg:$0x2];
	[bflag:$0x3] =	sbarrier.arrive $0xFFFF;
	s2 =	simm.s32 @!p0 $0x1C01  }
0x83: {  	[timem:s3], [sflag:s2] =	dma.local @!p0 [hbm:s0], s1  }
0x84: {  	s0 =	simm.s32 @!p0 $0x1  }
0x85: {  	_ =	swait.ge @!p0 [sflag:s0], s1  }
0x86: {  	s1 =	ssub.s32 @!p0 $0x0, s1;
	[sflag:s0] =	ssyncset.done @!p0 $0x0  }
0x87: {  	[sflag:s0] =	ssyncadd.s32 @!p0 s1  }
0x88: {  	[bflag:$0x3] =	sbarrier.arrive $0xFFFF  }
0x89: {  	_ =	shalt  }

// kernel: kernel.13.cloned.1.call-start
scs
__scs_entry_jumppad:
0x0: {  	(pc) =	sbr.rel $0x88, $3  }
0x1: {  	(tag) =	ssettag $0x0;
	lr =	simm.s32 $0x1  }
0x2: {  	[smem:$0x3F96] =	sst lr;
	_ =	strace $0xD0000000  }
0x3: {  	_ = 	snop  }
0x4: {  	_ = 	snop  }
0x5: {  	_ = 	snop  }
0x6: {  	_ = 	snop  }
0x7: {  	_ = 	snop  }
__scs_overlays_trampoline_lowered:
0x8: {  	[smem:$0x3FA5] =	sst s0  }
0x9: {  	[smem:$0x3FA6] =	sst s1  }
0xa: {  	[smem:$0x3FA7] =	sst s2  }
0xb: {  	[smem:$0x3FA8] =	sst s3  }
0xc: {  	[smem:$0x3FA9] =	sst s4  }
0xd: {  	[smem:$0x3FAA] =	sst s5  }
0xe: {  	[smem:$0x3FAB] =	sst s6  }
0xf: {  	[smem:$0x3FAC] =	sst s7  }
0x10: {  	[smem:$0x3FAD] =	sst s8  }
0x11: {  	[smem:$0x3FAE] =	sst s9;
	s0 =	simm.s32 @!p0 $0x0  }
0x12: {  	s1 =	sld [smem:$0x3F94];
	s0 =	simm.s32 @p0 $0x1  }
0x13: {  	[smem:$0x3FAF] =	sst s0;
	s0 =	simm.s32 @!p1 $0x0  }
0x14: {  	s2 =	sld [smem:$0x3F93];
	s0 =	simm.s32 @p1 $0x1  }
0x15: {  	[smem:$0x3FB0] =	sst s0;
	s0 =	simm.s32 @!p2 $0x0  }
0x16: {  	s3 =	sld [smem:$0x3FDB];
	s0 =	simm.s32 @p2 $0x1  }
0x17: {  	s4 =	simm.s32 $0x1BF5;
	[smem:$0x3FB2] =	sst s0  }
0x18: {  	s0 =	sld [smem:$0x3F95];
	_ =	swait.ge [sflag:s4], $0x0  }
0x19: {  	s7 =	sld [smem:$0x3F96]  }
0x1a: {  	s8 =	sadd.s32 $0xFFFFE003, lr  }
0x1b: {  	s9 =	sadd.s32 $0xFFFFFEF7, lr;
	s5 =	simm.s32 $0xFFFFFFFF;
	p2 =	slt.u32 s8, $0xFFFFF086  }
0x1c: {  	p1 =	slt.u32 s9, $0xF7A;
	s5 =	simm.s32 @!p2 $0x0  }
0x1d: {  	s5 =	simm.s32 @p1 $0x1;
	p0 =	seq.s32 s7, s2  }
0x1e: {  	s7 =	smul.u32 @!p0 $0xF7A, s2;
	p2 =	seq.s32 @!p0 s5, $0x0  }
0x1f: {  	s9 =	smul.u32 $0xF7A, s1;
	s8 =	simm.s32 @!p0 $0x1BF5;
	p2 =	por !p2, p0  }
0x20: {  	[sflag:s8] =	ssyncset.s32 @!p0 $0xFFFFF086;
	s6 =	sadd.s32 @!p0 s3, s7;
	s7 =	simm.s32 @!p0 $0x108  }
0x21: {  	s3 =	sadd.s32 s3, s9;
	s6 =	sadd.s32 @!p0 $0x88, s6;
	s7 =	simm.s32 @p2 $0x1082  }
0x22: {  	[simem:s7], [sflag:s8] =	dma.local @!p0 [hbm:s6], $0xF7A  }
0x23: {  	s9 =	sor.u32 $0xD0000000, s2;
	s6 =	simm.s32 $0x108;
	_ =	swait.ge @!p0 [sflag:s8], $0x0  }
0x24: {  	s3 =	sadd.s32 $0x88, s3;
	s6 =	simm.s32 @!p1 $0x1082;
	[sflag:s4] =	ssyncset.s32 $0xFFFFF086  }
0x25: {  	[simem:s6], [sflag:s4] =	dma.local [hbm:s3], $0xF7A  }
0x26: {  	[smem:$0x3F96] =	sst s1;
	(tag) =	ssettag s2;
	_ =	strace s9  }
0x27: {  	s1 =	sld [smem:$0x3FA6]  }
0x28: {  	s2 =	sld [smem:$0x3FA7]  }
0x29: {  	s4 =	sld [smem:$0x3FA9]  }
0x2a: {  	p0 =	seq.s32 s5, $0x0;
	s5 =	sld [smem:$0x3FAA]  }
0x2b: {  	s6 =	sld [smem:$0x3FAB]  }
0x2c: {  	s7 =	sld [smem:$0x3FAC]  }
0x2d: {  	s3 =	simm.s32 $0x108;
	s8 =	sld [smem:$0x3FAD]  }
0x2e: {  	s3 =	simm.s32 @!p0 $0x1082;
	s9 =	sld [smem:$0x3FAE]  }
0x2f: {  	lr =	sadd.s32 s0, s3;
	s0 =	sld [smem:$0x3FA5]  }
0x30: {  	s3 =	sld [smem:$0x3FA8]  }
0x31: {  	[smem:$0x3FB1] =	sst s10  }
0x32: {  	s10 =	sld [smem:$0x3FAF];
	_ =	sdelay $0x3  }
0x33: {  	p0 =	seq.s32 s10, $0x1;
	s10 =	sld [smem:$0x3FB1];
	_ =	sdelay $0x3  }
0x34: {  	[smem:$0x3FB1] =	sst s10  }
0x35: {  	s10 =	sld [smem:$0x3FB0];
	_ =	sdelay $0x3  }
0x36: {  	p1 =	seq.s32 s10, $0x1;
	s10 =	sld [smem:$0x3FB1];
	_ =	sdelay $0x3  }
0x37: {  	[smem:$0x3FB1] =	sst s10  }
0x38: {  	s10 =	sld [smem:$0x3FB2]  }
0x39: {  	_ = 	snop;
	(pc) =	sbr.ind lr, $3  }
0x3a: {  	_ = 	snop  }
0x3b: {  	_ = 	snop  }
0x3c: {  	p2 =	seq.s32 s10, $0x1;
	s10 =	sld [smem:$0x3FB1]  }
0x3d: {  	_ =	shalt  }
0x3e: {  	_ =	shalt  }
0x3f: {  	_ =	shalt  }
0x40: {  	_ =	shalt  }
0x41: {  	_ =	shalt  }
0x42: {  	_ =	shalt  }
0x43: {  	_ =	shalt  }
0x44: {  	_ =	shalt  }
0x45: {  	_ =	shalt  }
0x46: {  	_ =	shalt  }
0x47: {  	_ =	shalt  }
0x48: {  	_ =	shalt  }
0x49: {  	_ =	shalt  }
0x4a: {  	_ =	shalt  }
0x4b: {  	_ =	shalt  }
0x4c: {  	_ =	shalt  }
0x4d: {  	_ =	shalt  }
0x4e: {  	_ =	shalt  }
0x4f: {  	_ =	shalt  }
0x50: {  	_ =	shalt  }
0x51: {  	_ =	shalt  }
0x52: {  	_ =	shalt  }
0x53: {  	_ =	shalt  }
0x54: {  	_ =	shalt  }
0x55: {  	_ =	shalt  }
0x56: {  	_ =	shalt  }
0x57: {  	_ =	shalt  }
0x58: {  	_ =	shalt  }
0x59: {  	_ =	shalt  }
0x5a: {  	_ =	shalt  }
0x5b: {  	_ =	shalt  }
0x5c: {  	_ =	shalt  }
0x5d: {  	_ =	shalt  }
0x5e: {  	_ =	shalt  }
0x5f: {  	_ =	shalt  }
0x60: {  	_ =	shalt  }
0x61: {  	_ =	shalt  }
0x62: {  	_ =	shalt  }
0x63: {  	_ =	shalt  }
0x64: {  	_ =	shalt  }
0x65: {  	_ =	shalt  }
0x66: {  	_ =	shalt  }
0x67: {  	_ =	shalt  }
0x68: {  	_ =	shalt  }
0x69: {  	_ =	shalt  }
0x6a: {  	_ =	shalt  }
0x6b: {  	_ =	shalt  }
0x6c: {  	_ =	shalt  }
0x6d: {  	_ =	shalt  }
0x6e: {  	_ =	shalt  }
0x6f: {  	_ =	shalt  }
0x70: {  	_ =	shalt  }
0x71: {  	_ =	shalt  }
0x72: {  	_ =	shalt  }
0x73: {  	_ =	shalt  }
0x74: {  	_ =	shalt  }
0x75: {  	_ =	shalt  }
0x76: {  	_ =	shalt  }
0x77: {  	_ =	shalt  }
0x78: {  	_ =	shalt  }
0x79: {  	_ =	shalt  }
0x7a: {  	_ =	shalt  }
0x7b: {  	_ =	shalt  }
0x7c: {  	_ =	shalt  }
0x7d: {  	_ =	shalt  }
0x7e: {  	_ =	shalt  }
0x7f: {  	_ =	shalt  }
0x80: {  	_ =	shalt  }
0x81: {  	_ =	shalt  }
0x82: {  	_ =	shalt  }
0x83: {  	_ =	shalt  }
0x84: {  	_ =	shalt  }
0x85: {  	_ =	shalt  }
0x86: {  	_ =	shalt  }
0x87: {  	_ =	shalt  }
.Lfunc_end0:
.L_simem_size_0:
called_computation.1_lowered:
.L_overlay_start_0:
0x88: {  	s2 =	sld [smem:$0x3FD9]  }
0x89: {  	s3 =	sld [smem:$0x3FFE];
	_ =	sdelay $0x1  }
0x8a: {  	s1 =	srdreg.scid  }
0x8b: {  	s0 =	sand.u32 $0x1, s1  }
0x8c: {  	s16 =	sshll.u32 s0, $0xA;
	s2 =	sadd.s32 s3, s2  }
0x8d: {  	s2 =	sadd.s32 s2, s16  }
0x8e: {  	[smem:$0x3FBD] =	sst s2  }
0x8f: {  	_ = 	snop  }
0x90: {  	(tm) =	ssettm $0x1  }
0x91: {  	s17 =	sld [smem:$0x3FFB];
	_ =	sdelay $0x3  }
0x92: {  	_ =	strace s17  }
0x93: {  	s2 =	sld [smem:$0x3FFC];
	_ =	sdelay $0x3  }
0x94: {  	_ =	strace s2  }
0x95: {  	s2 =	sld [smem:$0x3FFD];
	_ =	sdelay $0x3  }
0x96: {  	_ =	strace s2  }
0x97: {  	_ =	strace $0x8FFFFFFF  }
0x98: {  	s18 =	sld [smem:$0x3FDB];
	_ =	sdelay $0x1  }
0x99: {  	s19 =	simm.s32 $_scs_section_size  }
0x9a: {  	s4 =	simm.s32 $_size__tile_overlayer_lowered;
	s5 =	simm.s32 $_tile_overlayer_lowered  }
0x9b: {  	s22 =	simm.s32 $0x1BFF;
	s21 =	sshll.u32 s5, $0x1;
	s2 =	sadd.s32 s19, s18  }
0x9c: {  	s6 =	simm.s32 $0x0;
	s20 =	sshll.u32 s4, $0x1;
	s4 =	sadd.s32 s21, s2  }
0x9d: {  	[timem:s6], [sflag:s22] =	dma.local [hbm:s4], s20  }
0x9e: {  	_ =	swait.ge [sflag:s22], s20  }
0x9f: {  	s3 =	ssub.s32 $0x0, s20;
	[sflag:s22] =	ssyncset.done $0x0  }
0xa0: {  	[sflag:s22] =	ssyncadd.s32 s3;
	_ =	sdelay $0x1  }
0xa1: {  	s23 =	simm.s32 $0x1B8B  }
0xa2: {  	_ =	swait.ge [sflag:s23], $0x1  }
0xa3: {  	[sflag:s23] =	ssyncset.done $0x0  }
0xa4: {  	s25 =	simm.s32 $0x1B8E;
	s24 =	sld [smem:$0x3FFE];
	[sflag:s23] =	ssyncadd.s32 $0xFFFFFFFF  }
0xa5: {  	s26 =	simm.s32 $execute0_lowered;
	[smem:$0x3FD2] =	sst s25  }
0xa6: {  	s4 =	sshll.u32 s26, $0x1;
	_ =	strace $0x80000049;
	[dreg:$0x1] =	wrdreg $0xFFFFFFFF  }
0xa7: {  	s28 =	simm.s32 $_size_execute0_lowered;
	s2 =	sadd.s32 s2, s4;
	[dreg:$0x0] =	wrdreg $0x0  }
0xa8: {  	s4 =	sshll.u32 s28, $0x1;
	[dreg:$0x2] =	wrdreg s2  }
0xa9: {  	[dreg:$0x3] =	wrdreg s4  }
0xaa: {  	[dreg:$0x4] =	wrdreg $0xC0  }
0xab: {  	_ =	task [dreg:s6], $0x5FFFF  }
0xac: {  	[dreg:$0x1] =	wrdreg $0xFFFFFFFF  }
0xad: {  	[dreg:$0x0] =	wrdreg $0x60  }
0xae: {  	[dreg:$0x2] =	wrdreg s24  }
0xaf: {  	[dreg:$0x3] =	wrdreg $0x0  }
0xb0: {  	[dreg:$0x4] =	wrdreg $0xA0000  }
0xb1: {  	[dreg:$0x5] =	wrdreg $0x9  }
0xb2: {  	_ =	task.clear_ibuf [dreg:s6], $0x6FFFF;
	_ =	strace $0x90000049  }
0xb3: {  	s29 =	simm.s32 $0x9;
	_ =	strace $0x8000004B  }
0xb4: {  	_ =	swait.ge [sflag:s29], $0x1  }
0xb5: {  	[sflag:s29] =	ssyncadd.s32 $0xFFFFFFFF  }
0xb6: {  	_ =	strace $0x9000004B  }
0xb7: {  	_ =	sfence  }
0xb8: {  	s30 =	sld [smem:$0x0];
	_ =	sdelay $0x2  }
0xb9: {  	s31 =	sshll.u32 s1, $0xD;
	s1 =	sshrl.u32 s1, $0x2  }
0xba: {  	s3 =	sand.u32 $0x4000, s31;
	s1 =	sadd.s32 s1, s30  }
0xbb: {  	s0 =	sor.u32 s3, s0;
	s1 =	sshll.u32 s1, $0x11  }
0xbc: {  	s0 =	sor.u32 s1, s0  }
0xbd: {  	s0 =	sadd.s32 $0x8F2B, s0  }
0xbe: {  	[sflag:s0] =	ssyncadd.remote.s32 $0x1  }
0xbf: {  	_ =	sfence.sel $0xFFFF  }
0xc0: {  	[dreg:$0x0] =	wrdreg $0xFFFFFFFF;
	(pc) =	sbr.abs _section_cstart, $3  }
0xc1: {  	[dreg:$0x1] =	wrdreg $0xFFFFFFFF  }
0xc2: {  	_ =	task.clear_ibuf [dreg:s6], $0x2FFFF;
	_ =	strace $0x9FFFFFFF  }
0xc3: {  	(tm) =	ssettm $0x7FFFFFFF  }
tec
execute0_lowered:
.L_overlay_start_1:
0x0: {  	(tag) =	ssettag $0x1  }
0x1: {  	s0 =	rddreg [dreg:$0x0]  }
0x2: {  	s2 =	rddreg [dreg:$0x1]  }
0x3: {  	s3 =	rddreg [dreg:$0x2]  }
0x4: {  	s1 =	srdreg.scid;
	s12 =	stileid.u32;
	s4 =	simm.s32 $0x0  }
0x5: {  	s28 =	simm.s32 $0x5;
	s29 =	simm.s32 $0x1;
	s30 =	simm.s32 $0x14000  }
0x6: {  	s31 =	simm.s32 $0x14100;
	s1 =	sand.u32 $0x1, s1;
	s8 =	smul.u32 $0x14000, s12  }
0x7: {  	[smem:$0x7FF] =	sst s4;
	s5 =	sadd.s32 $0x16200, s0;
	s10 =	smul.u32 $0x50000, s12  }
0x8: {  	s6 =	sadd.s32 $0xC200, s0;
	s13 =	sshll.u32 s12, $0x6;
	s7 =	smul.u32 $0x140000, s1  }
0x9: {  	_ =	strace $0x8000004A;
	s1 =	ssub.s32 $0x2, s1;
	[dreg:$0x5] =	wrdreg s13  }
0xa: {  	s15 =	sor.u32 $0x1C01, s13;
	s13 =	simm.s32 $0x14180;
	s25 =	sshrl.u32 s1, $0x1  }
0xb: {  	s26 =	sadd.s32 s8, s2;
	s14 =	sshrl.u32 s10, $0x2;
	s10 =	smul.u32 $0x5000, s12  }
0xc: {  	[dreg:$0x6] =	wrdreg s15;
	s12 =	sadd.s32 s8, s3;
	s15 =	simm.s32 $0x3  }
0xd: {  	s9 =	sadd.s32 s8, s7;
	s16 =	sadd.s32 s14, s3;
	s26 =	sshrl.u32 s26, $0x3  }
0xe: {  	s7 =	sadd.s32 $0x2200, s0;
	s17 =	sadd.s32 $0x8000, s16;
	[dreg:$0x13] =	wrdreg s26  }
0xf: {  	s1 =	ssub.s32 s1, s25;
	s19 =	sadd.s32 $0xC000, s16;
	[dreg:$0x8] =	wrdreg s17  }
0x10: {  	s14 =	simm.s32 $0x14280;
	s8 =	sadd.s32 $0x10000, s16;
	[dreg:$0x9] =	wrdreg s19  }
0x11: {  	s18 =	sshrl.u32 s10, $0x3;
	s25 =	smax.u32 s1, $0x1;
	[dreg:$0xa] =	wrdreg s8  }
0x12: {  	s9 =	sshrl.u32 s9, $0x3;
	s20 =	sadd.s32 s5, s18;
	[dreg:$0x12] =	wrdreg s25  }
0x13: {  	s26 =	simm.s32 $0x14300;
	s21 =	sadd.s32 s6, s18;
	[dreg:$0xb] =	wrdreg s20  }
0x14: {  	s0 =	sadd.s32 s9, s0;
	s22 =	sadd.s32 s7, s18;
	[dreg:$0xc] =	wrdreg s21  }
0x15: {  	s23 =	sor.u32 $0x10, s18;
	s11 =	sadd.s32 $0x20200, s0;
	[dreg:$0xd] =	wrdreg s22  }
0x16: {  	s1 =	simm.s32 $0x2;
	s24 =	sadd.s32 s6, s23;
	[dreg:$0x4] =	wrdreg s11  }
0x17: {  	s17 =	simm.s32 $0x18300;
	s8 =	sadd.s32 s7, s23;
	[dreg:$0xf] =	wrdreg s24  }
0x18: {  	s18 =	simm.s32 $0x0;
	s0 =	sadd.s32 $0x70200, s0;
	[dreg:$0x10] =	wrdreg s8  }
0x19: {  	s11 =	sadd.s32 $0x4000, s16;
	[dreg:$0x11] =	wrdreg s0;
	s0 =	simm.s32 $0x14200  }
0x1a: {  	s8 =	simm.s32 $0x80;
	[dreg:$0x7] =	wrdreg s11;
	s11 =	sadd.s32 s5, s23  }
0x1b: {  	v0 =	vimm.f32 $0.0e+00;
	s16 =	simm.s32 $0x4;
	[dreg:$0xe] =	wrdreg s11;
	s11 =	simm.s32 $0x14080  }
.LBB2_1:
0x1c: {  	s9 =	rddreg [dreg:$0x4]  }
0x1d: {  	s19 =	rddreg [dreg:$0x6]  }
0x1e: {  	s20 =	rddreg [dreg:$0x13]  }
0x1f: {  	[spmem:s20], [sflag:s19] =	dma.local [hbm:s9], $0x2800  }
0x20: {  	s19 =	simm.s32 $0x200;
	s9 =	simm.s32 $0x0  }
.LBB2_2:
0x21: {  	p0 =	sne.s32 s19, $0xFE00;
	[tilespmem:s9+$0x14330] =	vst v0;
	s20 =	smov.u32 s19;
	s19 =	sadd.s32 $0x200, s19  }
.Ltmp0:
0x22: {  	[tilespmem:s9+$0x14320] =	vst v0;
	(pc) =	sbr.rel @p0 .LBB2_2-.Ltmp0, $3  }
0x23: {  	[tilespmem:s9+$0x14300] =	vst v0  }
0x24: {  	[tilespmem:s9+$0x14310] =	vst v0;
	_ =	sdelay $0x1  }
0x25: {  	s9 =	sshra.s32 s20, $0x2  }
0x26: {  	[tilespmem:s9+$0x14330] =	vst v0  }
0x27: {  	[tilespmem:s9+$0x14320] =	vst v0  }
0x28: {  	[tilespmem:s9+$0x14300] =	vst v0  }
0x29: {  	[tilespmem:s9+$0x14310] =	vst v0  }
0x2a: {  	[spmem:s12] =	stream.linear.scatter [tilespmem:s26], [sflag:$0x5], $0x4000, $0x38;
	[tilespmem:$0x1C300] =	vst v63  }
0x2b: {  	_ =	swait.ge [sflag:s28], $0x4000  }
0x2c: {  	[sflag:s28] =	ssyncset.done $0x0  }
0x2d: {  	s23 =	rddreg [dreg:$0x7];
	[sflag:s28] =	ssyncadd.s32 $0xFFFFC000  }
0x2e: {  	[spmem:s23] =	stream.linear.scatter [tilespmem:s26], [sflag:$0x5], $0x4000, $0x38;
	[tilespmem:$0x1C300] =	vst v63  }
0x2f: {  	_ =	swait.ge [sflag:s28], $0x4000  }
0x30: {  	[sflag:s28] =	ssyncset.done $0x0  }
0x31: {  	s24 =	rddreg [dreg:$0x8];
	[sflag:s28] =	ssyncadd.s32 $0xFFFFC000  }
0x32: {  	[spmem:s24] =	stream.linear.scatter [tilespmem:s26], [sflag:$0x5], $0x4000, $0x38;
	[tilespmem:$0x1C300] =	vst v63  }
0x33: {  	_ =	swait.ge [sflag:s28], $0x4000  }
0x34: {  	[sflag:s28] =	ssyncset.done $0x0  }
0x35: {  	s25 =	rddreg [dreg:$0x9];
	[sflag:s28] =	ssyncadd.s32 $0xFFFFC000  }
0x36: {  	[spmem:s25] =	stream.linear.scatter [tilespmem:s26], [sflag:$0x5], $0x4000, $0x38;
	[tilespmem:$0x1C300] =	vst v63  }
0x37: {  	_ =	swait.ge [sflag:s28], $0x4000  }
0x38: {  	[sflag:s28] =	ssyncset.done $0x0  }
0x39: {  	s19 =	rddreg [dreg:$0xa];
	[sflag:s28] =	ssyncadd.s32 $0xFFFFC000  }
0x3a: {  	[spmem:s19] =	stream.linear.scatter [tilespmem:s26], [sflag:$0x5], $0x4000, $0x38;
	[tilespmem:$0x1C300] =	vst v63  }
0x3b: {  	_ =	swait.ge [sflag:s28], $0x4000  }
0x3c: {  	[sflag:s28] =	ssyncset.done $0x0  }
0x3d: {  	[sflag:s28] =	ssyncadd.s32 $0xFFFFC000  }
0x3e: {  	_ =	swait.ge [sflag:s29], $0x2800  }
0x3f: {  	[sflag:s29] =	ssyncset.done $0x0  }
0x40: {  	[sflag:s29] =	ssyncadd.s32 $0xFFFFD800  }
0x41: {  	[bflag:$0x0] =	sbarrier.arrive $0xFFFF  }
0x42: {  	s19 =	simm.s32 $0x0;
	s20 =	rddreg [dreg:$0xb]  }
0x43: {  	[tilespmem:s30], [sflag:$0x2] =	stream.linear.gather [hbm4b:s20+s19], $0x80, $0x38;
	[tilespmem:$0x1C300] =	vst v63  }
0x44: {  	s21 =	rddreg [dreg:$0xc]  }
0x45: {  	[tilespmem:s31], [sflag:$0x2] =	stream.linear.gather [hbm4b:s21+s19], $0x80, $0x38;
	[tilespmem:$0x1C300] =	vst v63  }
0x46: {  	s22 =	rddreg [dreg:$0xd]  }
0x47: {  	[tilespmem:s0], [sflag:$0x2] =	stream.linear.gather [hbm4b:s22+s19], $0x80, $0x38;
	[tilespmem:$0x1C300] =	vst v63  }
0x48: {  	_ =	swait.ge [sflag:s1], $0x80  }
0x49: {  	[sflag:s1] =	ssyncset.done $0x0  }
0x4a: {  	[sflag:s1] =	ssyncadd.s32 $0xFFFFFF80  }
0x4b: {  	_ =	swait.ge [sflag:s1], $0x80  }
0x4c: {  	[sflag:s1] =	ssyncset.done $0x0  }
0x4d: {  	[sflag:s1] =	ssyncadd.s32 $0xFFFFFF80  }
0x4e: {  	_ =	swait.ge [sflag:s1], $0x80  }
0x4f: {  	[sflag:s1] =	ssyncset.done $0x0  }
0x50: {  	[sflag:s1] =	ssyncadd.s32 $0xFFFFFF80  }
0x51: {  	[tilespmem:s26], [sflag:$0x4] =	stream.indirect.gather [spmem:s2], $0x40, s30, s8, $0xb8;
	[tilespmem:$0x1C300] =	vst v63  }
0x52: {  	s23 =	rddreg [dreg:$0xe]  }
0x53: {  	[tilespmem:s11], [sflag:$0x3] =	stream.linear.gather [hbm4b:s23+s19], $0x80, $0x38;
	[tilespmem:$0x1C300] =	vst v63  }
0x54: {  	s24 =	rddreg [dreg:$0xf]  }
0x55: {  	[tilespmem:s13], [sflag:$0x3] =	stream.linear.gather [hbm4b:s24+s19], $0x80, $0x38;
	[tilespmem:$0x1C300] =	vst v63  }
0x56: {  	s9 =	simm.s32 $0x0;
	s25 =	rddreg [dreg:$0x10]  }
0x57: {  	[tilespmem:s14], [sflag:$0x3] =	stream.linear.gather [hbm4b:s25+s19], $0x80, $0x38;
	[tilespmem:$0x1C300] =	vst v63  }
.LBB2_4:
0x58: {  	_ =	swait.ge [sflag:s15], $0x80  }
0x59: {  	[sflag:s15] =	ssyncset.done $0x0  }
0x5a: {  	[sflag:s15] =	ssyncadd.s32 $0xFFFFFF80  }
0x5b: {  	_ =	swait.ge [sflag:s15], $0x80  }
0x5c: {  	[sflag:s15] =	ssyncset.done $0x0  }
0x5d: {  	[sflag:s15] =	ssyncadd.s32 $0xFFFFFF80  }
0x5e: {  	_ =	swait.ge [sflag:s15], $0x80  }
0x5f: {  	[sflag:s15] =	ssyncset.done $0x0  }
0x60: {  	[sflag:s15] =	ssyncadd.s32 $0xFFFFFF80  }
0x61: {  	_ =	swait.ge [sflag:s16], $0x2000  }
0x62: {  	[sflag:s16] =	ssyncset.done $0x0  }
0x63: {  	s20 =	simm.s32 $0x14320;
	s24 =	sand.u32 $0x70, s19;
	[sflag:s16] =	ssyncadd.s32 $0xFFFFE000  }
0x64: {  	[tilespmem:s17], [sflag:$0x4] =	stream.indirect.gather [spmem:s2], $0x40, s11, s8, $0xb8;
	[tilespmem:$0x1C300] =	vst v63  }
0x65: {  	s23 =	simm.s32 $0x1;
	s22 =	simm.s32 $0x0;
	s21 =	simm.s32 $0x14320;
	v1 =	vld [tilespmem:s20+$0xFFFFFFF0]  }
.LBB2_5:
0x66: {  	p0 =	sne.s32 s23, $0x7F;
	v2 =	vld [tilespmem:s24+$0x14200]  }
0x67: {  	v3 =	vld [tilespmem:s20+$0x10]  }
0x68: {  	v4 =	vld [tilespmem:s20+$0xFFFFFFE0]  }
0x69: {  	v5 =	vld [tilespmem:s20+$0x0]  }
0x6a: {  	v6 =	vmov s22;
	s22 =	smov.u32 s23  }
0x6b: {  	v2 =	vperm.xlane v2, v6;
	_ =	sdelay $0x1  }
0x6c: {  	v4 =	vmul.f32 v4, v2;
	v1 =	vmul.f32 v1, v2  }
.Ltmp1:
0x6d: {  	v5 =	vmul.f32 v5, v2;
	v2 =	vmul.f32 v3, v2;
	(pc) =	sbr.rel @p0 .LBB2_5-.Ltmp1, $4  }
0x6e: {  	[tilespmem:s20+$0xFFFFFFE0] =	vst v4  }
0x6f: {  	[tilespmem:s20+$0xFFFFFFF0] =	vst v1  }
0x70: {  	s20 =	sadd.s32 $0x80, s20;
	[tilespmem:s21+$0x0] =	vst v5  }
0x71: {  	s23 =	sadd.s32 $0x1, s23;
	s24 =	sand.u32 $0x70, s22;
	v1 =	vld [tilespmem:s20+$0xFFFFFFF0];
	[tilespmem:s21+$0x10] =	vst v2;
	s21 =	smov.u32 s20  }
0x72: {  	v2 =	vld [tilespmem:s24+$0x14200];
	_ =	sdelay $0x1  }
0x73: {  	v3 =	vld [tilespmem:s20+$0xFFFFFFE0];
	_ =	sdelay $0x1  }
0x74: {  	v4 =	vld [tilespmem:s20+$0x0];
	v5 =	vmov s22  }
0x75: {  	v6 =	vld [tilespmem:s20+$0x10];
	v2 =	vperm.xlane v2, v5;
	_ =	sdelay $0x1  }
0x76: {  	v3 =	vmul.f32 v3, v2  }
0x77: {  	v1 =	vmul.f32 v1, v2  }
0x78: {  	v4 =	vmul.f32 v4, v2;
	[tilespmem:s20+$0xFFFFFFE0] =	vst v3  }
0x79: {  	v2 =	vmul.f32 v6, v2;
	[tilespmem:s20+$0xFFFFFFF0] =	vst v1  }
0x7a: {  	s20 =	sshll.u32 s9, $0x8;
	[tilespmem:s21+$0x0] =	vst v4  }
0x7b: {  	[tilespmem:s21+$0x10] =	vst v2;
	s23 =	sadd.s32 $0x100, s20  }
0x7c: {  	[spmem:s3] =	stream.indirect.scatter.add.f32 [tilespmem:s26], [sflag:$0x5], $0x40, s31, s8, $0xb8;
	[tilespmem:$0x1C300] =	vst v63  }
0x7d: {  	s24 =	sand.u32 $0xFC00, s23  }
0x7e: {  	s21 =	sand.u32 $0x300, s23;
	s22 =	sadd.s32 s10, s24  }
0x7f: {  	_ =	swait.ge [sflag:s28], $0x2000;
	s21 =	sor.u32 s21, s22  }
0x80: {  	[sflag:s28] =	ssyncset.done $0x0;
	s22 =	sshrl.u32 s21, $0x3  }
0x81: {  	[sflag:s28] =	ssyncadd.s32 $0xFFFFE000;
	s21 =	simm.s32 $0x0;
	s23 =	sadd.s32 s5, s22  }
0x82: {  	[tilespmem:s30], [sflag:$0x2] =	stream.linear.gather [hbm4b:s23+s21], $0x80, $0x38;
	[tilespmem:$0x1C300] =	vst v63  }
0x83: {  	s25 =	sadd.s32 s6, s22  }
0x84: {  	[tilespmem:s31], [sflag:$0x2] =	stream.linear.gather [hbm4b:s25+s21], $0x80, $0x38;
	[tilespmem:$0x1C300] =	vst v63  }
0x85: {  	s22 =	sadd.s32 s7, s22  }
0x86: {  	[tilespmem:s0], [sflag:$0x2] =	stream.linear.gather [hbm4b:s22+s21], $0x80, $0x38;
	[tilespmem:$0x1C300] =	vst v63  }
0x87: {  	_ =	swait.ge [sflag:s16], $0x2000  }
0x88: {  	[sflag:s16] =	ssyncset.done $0x0  }
0x89: {  	s22 =	simm.s32 $0x18320;
	[sflag:s16] =	ssyncadd.s32 $0xFFFFE000  }
0x8a: {  	s24 =	simm.s32 $0x1;
	s23 =	simm.s32 $0x18320;
	s25 =	sand.u32 $0x70, s21;
	v1 =	vld [tilespmem:s22+$0xFFFFFFF0]  }
.LBB2_7:
0x8b: {  	p0 =	sne.s32 s24, $0x7F;
	v2 =	vld [tilespmem:s25+$0x14280]  }
0x8c: {  	v3 =	vld [tilespmem:s22+$0x10]  }
0x8d: {  	v4 =	vld [tilespmem:s22+$0xFFFFFFE0]  }
0x8e: {  	v5 =	vld [tilespmem:s22+$0x0]  }
0x8f: {  	v6 =	vmov s21;
	s21 =	smov.u32 s24  }
0x90: {  	v2 =	vperm.xlane v2, v6;
	_ =	sdelay $0x1  }
0x91: {  	v4 =	vmul.f32 v4, v2;
	v1 =	vmul.f32 v1, v2  }
.Ltmp2:
0x92: {  	v5 =	vmul.f32 v5, v2;
	v2 =	vmul.f32 v3, v2;
	(pc) =	sbr.rel @p0 .LBB2_7-.Ltmp2, $4  }
0x93: {  	[tilespmem:s22+$0xFFFFFFE0] =	vst v4  }
0x94: {  	[tilespmem:s22+$0xFFFFFFF0] =	vst v1  }
0x95: {  	s22 =	sadd.s32 $0x80, s22;
	[tilespmem:s23+$0x0] =	vst v5  }
0x96: {  	s24 =	sadd.s32 $0x1, s24;
	s25 =	sand.u32 $0x70, s21;
	v1 =	vld [tilespmem:s22+$0xFFFFFFF0];
	[tilespmem:s23+$0x10] =	vst v2;
	s23 =	smov.u32 s22  }
0x97: {  	v2 =	vld [tilespmem:s25+$0x14280];
	_ =	sdelay $0x1  }
0x98: {  	v3 =	vld [tilespmem:s22+$0xFFFFFFE0];
	_ =	sdelay $0x1  }
0x99: {  	v4 =	vld [tilespmem:s22+$0x0];
	v5 =	vmov s21  }
0x9a: {  	v6 =	vld [tilespmem:s22+$0x10];
	v2 =	vperm.xlane v2, v5;
	_ =	sdelay $0x1  }
0x9b: {  	v3 =	vmul.f32 v3, v2  }
0x9c: {  	v1 =	vmul.f32 v1, v2  }
0x9d: {  	v4 =	vmul.f32 v4, v2;
	[tilespmem:s22+$0xFFFFFFE0] =	vst v3  }
0x9e: {  	v2 =	vmul.f32 v6, v2;
	[tilespmem:s22+$0xFFFFFFF0] =	vst v1  }
0x9f: {  	[tilespmem:s23+$0x0] =	vst v4  }
0xa0: {  	[tilespmem:s23+$0x10] =	vst v2  }
0xa1: {  	_ =	swait.ge [sflag:s1], $0x80  }
0xa2: {  	[sflag:s1] =	ssyncset.done $0x0  }
0xa3: {  	[sflag:s1] =	ssyncadd.s32 $0xFFFFFF80  }
0xa4: {  	_ =	swait.ge [sflag:s1], $0x80  }
0xa5: {  	[sflag:s1] =	ssyncset.done $0x0  }
0xa6: {  	[sflag:s1] =	ssyncadd.s32 $0xFFFFFF80  }
0xa7: {  	_ =	swait.ge [sflag:s1], $0x80  }
0xa8: {  	s20 =	sadd.s32 $0x180, s20;
	[sflag:s1] =	ssyncset.done $0x0  }
0xa9: {  	s23 =	sand.u32 $0xFC00, s20;
	[sflag:s1] =	ssyncadd.s32 $0xFFFFFF80  }
0xaa: {  	[tilespmem:s26], [sflag:$0x4] =	stream.indirect.gather [spmem:s2], $0x40, s30, s8, $0xb8;
	[tilespmem:$0x1C300] =	vst v63  }
0xab: {  	s20 =	sand.u32 $0x380, s20;
	s21 =	sadd.s32 s10, s23  }
0xac: {  	[spmem:s3] =	stream.indirect.scatter.add.f32 [tilespmem:s17], [sflag:$0x5], $0x40, s13, s8, $0xb8;
	[tilespmem:$0x1C300] =	vst v63  }
0xad: {  	s20 =	sor.u32 s20, s21;
	_ =	swait.ge [sflag:s28], $0x2000  }
0xae: {  	s9 =	sadd.s32 $0x1, s9;
	s20 =	sshrl.u32 s20, $0x3;
	[sflag:s28] =	ssyncset.done $0x0  }
0xaf: {  	p0 =	sne.s32 s9, $0x4F;
	s24 =	sadd.s32 s5, s20;
	[sflag:s28] =	ssyncadd.s32 $0xFFFFE000  }
0xb0: {  	[tilespmem:s11], [sflag:$0x3] =	stream.linear.gather [hbm4b:s24+s4], $0x80, $0x38;
	[tilespmem:$0x1C300] =	vst v63  }
.Ltmp3:
0xb1: {  	_ = 	snop;
	(pc) =	sbr.rel @p0 .LBB2_4-.Ltmp3, $4  }
0xb2: {  	s25 =	sadd.s32 s6, s20  }
0xb3: {  	[tilespmem:s13], [sflag:$0x3] =	stream.linear.gather [hbm4b:s25+s4], $0x80, $0x38;
	[tilespmem:$0x1C300] =	vst v63  }
0xb4: {  	s20 =	sadd.s32 s7, s20  }
0xb5: {  	[tilespmem:s14], [sflag:$0x3] =	stream.linear.gather [hbm4b:s20+s4], $0x80, $0x38;
	[tilespmem:$0x1C300] =	vst v63  }
0xb6: {  	_ =	swait.ge [sflag:s15], $0x80  }
0xb7: {  	[sflag:s15] =	ssyncset.done $0x0  }
0xb8: {  	[sflag:s15] =	ssyncadd.s32 $0xFFFFFF80  }
0xb9: {  	_ =	swait.ge [sflag:s15], $0x80  }
0xba: {  	[sflag:s15] =	ssyncset.done $0x0  }
0xbb: {  	[sflag:s15] =	ssyncadd.s32 $0xFFFFFF80  }
0xbc: {  	_ =	swait.ge [sflag:s15], $0x80  }
0xbd: {  	[sflag:s15] =	ssyncset.done $0x0  }
0xbe: {  	[sflag:s15] =	ssyncadd.s32 $0xFFFFFF80  }
0xbf: {  	_ =	swait.ge [sflag:s16], $0x2000  }
0xc0: {  	[sflag:s16] =	ssyncset.done $0x0  }
0xc1: {  	s20 =	simm.s32 $0x0;
	s9 =	simm.s32 $0x14320;
	[sflag:s16] =	ssyncadd.s32 $0xFFFFE000  }
0xc2: {  	[tilespmem:s17], [sflag:$0x4] =	stream.indirect.gather [spmem:s2], $0x40, s11, s8, $0xb8;
	[tilespmem:$0x1C300] =	vst v63  }
0xc3: {  	s21 =	simm.s32 $0x1;
	s19 =	simm.s32 $0x14320;
	s22 =	sand.u32 $0x70, s20;
	v1 =	vld [tilespmem:s9+$0xFFFFFFF0]  }
.LBB2_10:
0xc4: {  	p0 =	sne.s32 s21, $0x7F;
	v2 =	vld [tilespmem:s22+$0x14200]  }
0xc5: {  	v3 =	vld [tilespmem:s9+$0x10]  }
0xc6: {  	v4 =	vld [tilespmem:s9+$0xFFFFFFE0]  }
0xc7: {  	v5 =	vld [tilespmem:s9+$0x0]  }
0xc8: {  	v6 =	vmov s20;
	s20 =	smov.u32 s21  }
0xc9: {  	v2 =	vperm.xlane v2, v6;
	_ =	sdelay $0x1  }
0xca: {  	v4 =	vmul.f32 v4, v2;
	v1 =	vmul.f32 v1, v2  }
.Ltmp4:
0xcb: {  	v5 =	vmul.f32 v5, v2;
	v2 =	vmul.f32 v3, v2;
	(pc) =	sbr.rel @p0 .LBB2_10-.Ltmp4, $4  }
0xcc: {  	[tilespmem:s9+$0xFFFFFFE0] =	vst v4  }
0xcd: {  	[tilespmem:s9+$0xFFFFFFF0] =	vst v1  }
0xce: {  	s9 =	sadd.s32 $0x80, s9;
	[tilespmem:s19+$0x0] =	vst v5  }
0xcf: {  	s21 =	sadd.s32 $0x1, s21;
	s22 =	sand.u32 $0x70, s20;
	v1 =	vld [tilespmem:s9+$0xFFFFFFF0];
	[tilespmem:s19+$0x10] =	vst v2;
	s19 =	smov.u32 s9  }
0xd0: {  	v2 =	vld [tilespmem:s22+$0x14200];
	_ =	sdelay $0x1  }
0xd1: {  	v3 =	vld [tilespmem:s9+$0xFFFFFFE0];
	_ =	sdelay $0x1  }
0xd2: {  	v4 =	vld [tilespmem:s9+$0x0];
	v5 =	vmov s20  }
0xd3: {  	v6 =	vld [tilespmem:s9+$0x10];
	v2 =	vperm.xlane v2, v5;
	_ =	sdelay $0x1  }
0xd4: {  	v3 =	vmul.f32 v3, v2  }
0xd5: {  	v1 =	vmul.f32 v1, v2  }
0xd6: {  	v4 =	vmul.f32 v4, v2;
	[tilespmem:s9+$0xFFFFFFE0] =	vst v3  }
0xd7: {  	v2 =	vmul.f32 v6, v2;
	[tilespmem:s9+$0xFFFFFFF0] =	vst v1  }
0xd8: {  	[tilespmem:s19+$0x0] =	vst v4  }
0xd9: {  	[tilespmem:s19+$0x10] =	vst v2  }
0xda: {  	[spmem:s3] =	stream.indirect.scatter.add.f32 [tilespmem:s26], [sflag:$0x5], $0x40, s31, s8, $0xb8;
	[tilespmem:$0x1C300] =	vst v63  }
0xdb: {  	_ =	swait.ge [sflag:s28], $0x2000  }
0xdc: {  	[sflag:s28] =	ssyncset.done $0x0  }
0xdd: {  	[sflag:s28] =	ssyncadd.s32 $0xFFFFE000  }
0xde: {  	_ =	swait.ge [sflag:s16], $0x2000  }
0xdf: {  	[sflag:s16] =	ssyncset.done $0x0  }
0xe0: {  	s20 =	simm.s32 $0x0;
	s9 =	simm.s32 $0x18320;
	[sflag:s16] =	ssyncadd.s32 $0xFFFFE000  }
0xe1: {  	s21 =	simm.s32 $0x1;
	s22 =	sand.u32 $0x70, s20;
	s19 =	simm.s32 $0x18320;
	v1 =	vld [tilespmem:s9+$0xFFFFFFF0]  }
.LBB2_12:
0xe2: {  	p0 =	sne.s32 s21, $0x7F;
	v2 =	vld [tilespmem:s22+$0x14280]  }
0xe3: {  	v3 =	vld [tilespmem:s9+$0x10]  }
0xe4: {  	v4 =	vld [tilespmem:s9+$0xFFFFFFE0]  }
0xe5: {  	v5 =	vld [tilespmem:s9+$0x0]  }
0xe6: {  	v6 =	vmov s20;
	s20 =	smov.u32 s21  }
0xe7: {  	v2 =	vperm.xlane v2, v6;
	_ =	sdelay $0x1  }
0xe8: {  	v4 =	vmul.f32 v4, v2;
	v1 =	vmul.f32 v1, v2  }
.Ltmp5:
0xe9: {  	v5 =	vmul.f32 v5, v2;
	v2 =	vmul.f32 v3, v2;
	(pc) =	sbr.rel @p0 .LBB2_12-.Ltmp5, $4  }
0xea: {  	[tilespmem:s9+$0xFFFFFFE0] =	vst v4  }
0xeb: {  	[tilespmem:s9+$0xFFFFFFF0] =	vst v1  }
0xec: {  	s9 =	sadd.s32 $0x80, s9;
	[tilespmem:s19+$0x0] =	vst v5  }
0xed: {  	s21 =	sadd.s32 $0x1, s21;
	s22 =	sand.u32 $0x70, s20;
	v1 =	vld [tilespmem:s9+$0xFFFFFFF0];
	[tilespmem:s19+$0x10] =	vst v2;
	s19 =	smov.u32 s9  }
0xee: {  	v2 =	vld [tilespmem:s22+$0x14280];
	_ =	sdelay $0x1  }
0xef: {  	v3 =	vld [tilespmem:s9+$0xFFFFFFE0];
	_ =	sdelay $0x1  }
0xf0: {  	v4 =	vld [tilespmem:s9+$0x0];
	v5 =	vmov s20  }
0xf1: {  	v6 =	vld [tilespmem:s9+$0x10];
	v2 =	vperm.xlane v2, v5;
	_ =	sdelay $0x1  }
0xf2: {  	v3 =	vmul.f32 v3, v2  }
0xf3: {  	v1 =	vmul.f32 v1, v2  }
0xf4: {  	v4 =	vmul.f32 v4, v2;
	[tilespmem:s9+$0xFFFFFFE0] =	vst v3  }
0xf5: {  	v2 =	vmul.f32 v6, v2;
	[tilespmem:s9+$0xFFFFFFF0] =	vst v1  }
0xf6: {  	[tilespmem:s19+$0x0] =	vst v4  }
0xf7: {  	[tilespmem:s19+$0x10] =	vst v2  }
0xf8: {  	[spmem:s3] =	stream.indirect.scatter.add.f32 [tilespmem:s17], [sflag:$0x5], $0x40, s13, s8, $0xb8;
	[tilespmem:$0x1C300] =	vst v63  }
0xf9: {  	_ =	swait.ge [sflag:s28], $0x2000  }
0xfa: {  	[sflag:s28] =	ssyncset.done $0x0  }
0xfb: {  	[sflag:s28] =	ssyncadd.s32 $0xFFFFE000  }
0xfc: {  	[bflag:$0x0] =	sbarrier.arrive $0xFFFF  }
0xfd: {  	s22 =	rddreg [dreg:$0x5]  }
0xfe: {  	s23 =	sshrl.u32 s12, $0x3;
	s24 =	rddreg [dreg:$0x11];
	s9 =	sor.u32 $0x1C05, s22  }
0xff: {  	[hbm:s24], [sflag:s9] =	dma.local [spmem:s23], $0x2800  }
0x100: {  	_ =	swait.ge [sflag:s28], $0x2800  }
0x101: {  	s18 =	sadd.s32 $0x1, s18;
	s25 =	rddreg [dreg:$0x12]  }
0x102: {  	p0 =	sne.s32 s18, s25  }
.Ltmp6:
0x103: {  	_ = 	snop;
	(pc) =	sbr.rel @p0 .LBB2_1-.Ltmp6, $3  }
0x104: {  	_ =	sdelay $0x1  }
0x105: {  	[sflag:s28] =	ssyncset.done $0x0  }
0x106: {  	[sflag:s28] =	ssyncadd.s32 $0xFFFFD800  }
0x107: {  	_ =	sfence.sel $0x180000  }
0x108: {  	[bflag:$0x0] =	sbarrier.arrive $0xFFFF  }
0x109: {  	_ =	strace $0x9000004A  }
0x10a: {  	s0 =	stileid.u32;
	[bflag:$0x2] =	sbarrier.arrive $0xFFFF  }
0x10b: {  	p0 =	sne.s32 s0, $0x0;
	s0 =	rddreg [dreg:$0x3]  }
0x10c: {  	s0 =	sadd.s32 @!p0 $0x100000, s0  }
0x10d: {  	[sflag:s0] =	ssyncadd.tile.s32 @!p0 $0x1;
	_ =	shalt  }
.Lfunc_end2:
_tile_overlayer_lowered:
.L_overlay_start_2:
0x10e: {  	(tag) =	ssettag $0x2  }
0x10f: {  	s0 =	rddreg [dreg:$0x0];
	s2 =	stileid.u32  }
0x110: {  	s1 =	rddreg [dreg:$0x1];
	p0 =	sne.s32 s2, $0x0  }
0x111: {  	s3 =	rddreg [dreg:$0x2];
	[bflag:$0x3] =	sbarrier.arrive $0xFFFF;
	s2 =	simm.s32 @!p0 $0x1C05  }
0x112: {  	[timem:s3], [sflag:s2] =	dma.local @!p0 [hbm:s0], s1  }
0x113: {  	s0 =	simm.s32 @!p0 $0x5  }
0x114: {  	_ =	swait.ge @!p0 [sflag:s0], s1  }
0x115: {  	s1 =	ssub.s32 @!p0 $0x0, s1;
	[sflag:s0] =	ssyncset.done @!p0 $0x0  }
0x116: {  	[sflag:s0] =	ssyncadd.s32 @!p0 s1  }
0x117: {  	[bflag:$0x3] =	sbarrier.arrive $0xFFFF  }
0x118: {  	_ =	shalt  }

// kernel: kernel.16.cloned.1.call-start
scs
__scs_entry_jumppad:
0x0: {  	(pc) =	sbr.rel $0x88, $3  }
0x1: {  	(tag) =	ssettag $0x0;
	lr =	simm.s32 $0x1  }
0x2: {  	[smem:$0x3F96] =	sst lr;
	_ =	strace $0xD0000000  }
0x3: {  	_ = 	snop  }
0x4: {  	_ = 	snop  }
0x5: {  	_ = 	snop  }
0x6: {  	_ = 	snop  }
0x7: {  	_ = 	snop  }
__scs_overlays_trampoline_lowered:
0x8: {  	[smem:$0x3FA5] =	sst s0  }
0x9: {  	[smem:$0x3FA6] =	sst s1  }
0xa: {  	[smem:$0x3FA7] =	sst s2  }
0xb: {  	[smem:$0x3FA8] =	sst s3  }
0xc: {  	[smem:$0x3FA9] =	sst s4  }
0xd: {  	[smem:$0x3FAA] =	sst s5  }
0xe: {  	[smem:$0x3FAB] =	sst s6  }
0xf: {  	[smem:$0x3FAC] =	sst s7  }
0x10: {  	[smem:$0x3FAD] =	sst s8  }
0x11: {  	[smem:$0x3FAE] =	sst s9;
	s0 =	simm.s32 @!p0 $0x0  }
0x12: {  	s1 =	sld [smem:$0x3F94];
	s0 =	simm.s32 @p0 $0x1  }
0x13: {  	[smem:$0x3FAF] =	sst s0;
	s0 =	simm.s32 @!p1 $0x0  }
0x14: {  	s2 =	sld [smem:$0x3F93];
	s0 =	simm.s32 @p1 $0x1  }
0x15: {  	[smem:$0x3FB0] =	sst s0;
	s0 =	simm.s32 @!p2 $0x0  }
0x16: {  	s3 =	sld [smem:$0x3FDB];
	s0 =	simm.s32 @p2 $0x1  }
0x17: {  	s4 =	simm.s32 $0x1BF5;
	[smem:$0x3FB2] =	sst s0  }
0x18: {  	s0 =	sld [smem:$0x3F95];
	_ =	swait.ge [sflag:s4], $0x0  }
0x19: {  	s7 =	sld [smem:$0x3F96]  }
0x1a: {  	s8 =	sadd.s32 $0xFFFFE003, lr  }
0x1b: {  	s9 =	sadd.s32 $0xFFFFFEF7, lr;
	s5 =	simm.s32 $0xFFFFFFFF;
	p2 =	slt.u32 s8, $0xFFFFF086  }
0x1c: {  	p1 =	slt.u32 s9, $0xF7A;
	s5 =	simm.s32 @!p2 $0x0  }
0x1d: {  	s5 =	simm.s32 @p1 $0x1;
	p0 =	seq.s32 s7, s2  }
0x1e: {  	s7 =	smul.u32 @!p0 $0xF7A, s2;
	p2 =	seq.s32 @!p0 s5, $0x0  }
0x1f: {  	s9 =	smul.u32 $0xF7A, s1;
	s8 =	simm.s32 @!p0 $0x1BF5;
	p2 =	por !p2, p0  }
0x20: {  	[sflag:s8] =	ssyncset.s32 @!p0 $0xFFFFF086;
	s6 =	sadd.s32 @!p0 s3, s7;
	s7 =	simm.s32 @!p0 $0x108  }
0x21: {  	s3 =	sadd.s32 s3, s9;
	s6 =	sadd.s32 @!p0 $0x88, s6;
	s7 =	simm.s32 @p2 $0x1082  }
0x22: {  	[simem:s7], [sflag:s8] =	dma.local @!p0 [hbm:s6], $0xF7A  }
0x23: {  	s9 =	sor.u32 $0xD0000000, s2;
	s6 =	simm.s32 $0x108;
	_ =	swait.ge @!p0 [sflag:s8], $0x0  }
0x24: {  	s3 =	sadd.s32 $0x88, s3;
	s6 =	simm.s32 @!p1 $0x1082;
	[sflag:s4] =	ssyncset.s32 $0xFFFFF086  }
0x25: {  	[simem:s6], [sflag:s4] =	dma.local [hbm:s3], $0xF7A  }
0x26: {  	[smem:$0x3F96] =	sst s1;
	(tag) =	ssettag s2;
	_ =	strace s9  }
0x27: {  	s1 =	sld [smem:$0x3FA6]  }
0x28: {  	s2 =	sld [smem:$0x3FA7]  }
0x29: {  	s4 =	sld [smem:$0x3FA9]  }
0x2a: {  	p0 =	seq.s32 s5, $0x0;
	s5 =	sld [smem:$0x3FAA]  }
0x2b: {  	s6 =	sld [smem:$0x3FAB]  }
0x2c: {  	s7 =	sld [smem:$0x3FAC]  }
0x2d: {  	s3 =	simm.s32 $0x108;
	s8 =	sld [smem:$0x3FAD]  }
0x2e: {  	s3 =	simm.s32 @!p0 $0x1082;
	s9 =	sld [smem:$0x3FAE]  }
0x2f: {  	lr =	sadd.s32 s0, s3;
	s0 =	sld [smem:$0x3FA5]  }
0x30: {  	s3 =	sld [smem:$0x3FA8]  }
0x31: {  	[smem:$0x3FB1] =	sst s10  }
0x32: {  	s10 =	sld [smem:$0x3FAF];
	_ =	sdelay $0x3  }
0x33: {  	p0 =	seq.s32 s10, $0x1;
	s10 =	sld [smem:$0x3FB1];
	_ =	sdelay $0x3  }
0x34: {  	[smem:$0x3FB1] =	sst s10  }
0x35: {  	s10 =	sld [smem:$0x3FB0];
	_ =	sdelay $0x3  }
0x36: {  	p1 =	seq.s32 s10, $0x1;
	s10 =	sld [smem:$0x3FB1];
	_ =	sdelay $0x3  }
0x37: {  	[smem:$0x3FB1] =	sst s10  }
0x38: {  	s10 =	sld [smem:$0x3FB2]  }
0x39: {  	_ = 	snop;
	(pc) =	sbr.ind lr, $3  }
0x3a: {  	_ = 	snop  }
0x3b: {  	_ = 	snop  }
0x3c: {  	p2 =	seq.s32 s10, $0x1;
	s10 =	sld [smem:$0x3FB1]  }
0x3d: {  	_ =	shalt  }
0x3e: {  	_ =	shalt  }
0x3f: {  	_ =	shalt  }
0x40: {  	_ =	shalt  }
0x41: {  	_ =	shalt  }
0x42: {  	_ =	shalt  }
0x43: {  	_ =	shalt  }
0x44: {  	_ =	shalt  }
0x45: {  	_ =	shalt  }
0x46: {  	_ =	shalt  }
0x47: {  	_ =	shalt  }
0x48: {  	_ =	shalt  }
0x49: {  	_ =	shalt  }
0x4a: {  	_ =	shalt  }
0x4b: {  	_ =	shalt  }
0x4c: {  	_ =	shalt  }
0x4d: {  	_ =	shalt  }
0x4e: {  	_ =	shalt  }
0x4f: {  	_ =	shalt  }
0x50: {  	_ =	shalt  }
0x51: {  	_ =	shalt  }
0x52: {  	_ =	shalt  }
0x53: {  	_ =	shalt  }
0x54: {  	_ =	shalt  }
0x55: {  	_ =	shalt  }
0x56: {  	_ =	shalt  }
0x57: {  	_ =	shalt  }
0x58: {  	_ =	shalt  }
0x59: {  	_ =	shalt  }
0x5a: {  	_ =	shalt  }
0x5b: {  	_ =	shalt  }
0x5c: {  	_ =	shalt  }
0x5d: {  	_ =	shalt  }
0x5e: {  	_ =	shalt  }
0x5f: {  	_ =	shalt  }
0x60: {  	_ =	shalt  }
0x61: {  	_ =	shalt  }
0x62: {  	_ =	shalt  }
0x63: {  	_ =	shalt  }
0x64: {  	_ =	shalt  }
0x65: {  	_ =	shalt  }
0x66: {  	_ =	shalt  }
0x67: {  	_ =	shalt  }
0x68: {  	_ =	shalt  }
0x69: {  	_ =	shalt  }
0x6a: {  	_ =	shalt  }
0x6b: {  	_ =	shalt  }
0x6c: {  	_ =	shalt  }
0x6d: {  	_ =	shalt  }
0x6e: {  	_ =	shalt  }
0x6f: {  	_ =	shalt  }
0x70: {  	_ =	shalt  }
0x71: {  	_ =	shalt  }
0x72: {  	_ =	shalt  }
0x73: {  	_ =	shalt  }
0x74: {  	_ =	shalt  }
0x75: {  	_ =	shalt  }
0x76: {  	_ =	shalt  }
0x77: {  	_ =	shalt  }
0x78: {  	_ =	shalt  }
0x79: {  	_ =	shalt  }
0x7a: {  	_ =	shalt  }
0x7b: {  	_ =	shalt  }
0x7c: {  	_ =	shalt  }
0x7d: {  	_ =	shalt  }
0x7e: {  	_ =	shalt  }
0x7f: {  	_ =	shalt  }
0x80: {  	_ =	shalt  }
0x81: {  	_ =	shalt  }
0x82: {  	_ =	shalt  }
0x83: {  	_ =	shalt  }
0x84: {  	_ =	shalt  }
0x85: {  	_ =	shalt  }
0x86: {  	_ =	shalt  }
0x87: {  	_ =	shalt  }
.Lfunc_end0:
.L_simem_size_0:
called_computation.2_lowered:
.L_overlay_start_0:
0x88: {  	s2 =	sld [smem:$0x3FD9]  }
0x89: {  	s3 =	sld [smem:$0x3FFE];
	_ =	sdelay $0x1  }
0x8a: {  	s1 =	srdreg.scid  }
0x8b: {  	s0 =	sand.u32 $0x1, s1  }
0x8c: {  	s16 =	sshll.u32 s0, $0xA;
	s2 =	sadd.s32 s3, s2  }
0x8d: {  	s2 =	sadd.s32 s2, s16  }
0x8e: {  	[smem:$0x3FBD] =	sst s2  }
0x8f: {  	_ = 	snop  }
0x90: {  	(tm) =	ssettm $0x1  }
0x91: {  	s17 =	sld [smem:$0x3FFB];
	_ =	sdelay $0x3  }
0x92: {  	_ =	strace s17  }
0x93: {  	s2 =	sld [smem:$0x3FFC];
	_ =	sdelay $0x3  }
0x94: {  	_ =	strace s2  }
0x95: {  	s2 =	sld [smem:$0x3FFD];
	_ =	sdelay $0x3  }
0x96: {  	_ =	strace s2  }
0x97: {  	_ =	strace $0x8FFFFFFF  }
0x98: {  	s18 =	sld [smem:$0x3FDB];
	_ =	sdelay $0x1  }
0x99: {  	s19 =	simm.s32 $_scs_section_size  }
0x9a: {  	s4 =	simm.s32 $_size__tile_overlayer_lowered;
	s5 =	simm.s32 $_tile_overlayer_lowered  }
0x9b: {  	s22 =	simm.s32 $0x1BFF;
	s21 =	sshll.u32 s5, $0x1;
	s2 =	sadd.s32 s19, s18  }
0x9c: {  	s6 =	simm.s32 $0x0;
	s20 =	sshll.u32 s4, $0x1;
	s4 =	sadd.s32 s21, s2  }
0x9d: {  	[timem:s6], [sflag:s22] =	dma.local [hbm:s4], s20  }
0x9e: {  	_ =	swait.ge [sflag:s22], s20  }
0x9f: {  	s3 =	ssub.s32 $0x0, s20;
	[sflag:s22] =	ssyncset.done $0x0  }
0xa0: {  	[sflag:s22] =	ssyncadd.s32 s3;
	_ =	sdelay $0x1  }
0xa1: {  	s23 =	simm.s32 $0x1B8B  }
0xa2: {  	_ =	swait.ge [sflag:s23], $0x1  }
0xa3: {  	[sflag:s23] =	ssyncset.done $0x0  }
0xa4: {  	s25 =	simm.s32 $0x1B8E;
	s24 =	sld [smem:$0x3FFE];
	[sflag:s23] =	ssyncadd.s32 $0xFFFFFFFF  }
0xa5: {  	s26 =	simm.s32 $execute0_lowered;
	[smem:$0x3FD2] =	sst s25  }
0xa6: {  	s4 =	sshll.u32 s26, $0x1;
	_ =	strace $0x8000004C;
	[dreg:$0x1] =	wrdreg $0xFFFFFFFF  }
0xa7: {  	s28 =	simm.s32 $_size_execute0_lowered;
	s2 =	sadd.s32 s2, s4;
	[dreg:$0x0] =	wrdreg $0x0  }
0xa8: {  	s4 =	sshll.u32 s28, $0x1;
	[dreg:$0x2] =	wrdreg s2  }
0xa9: {  	[dreg:$0x3] =	wrdreg s4  }
0xaa: {  	[dreg:$0x4] =	wrdreg $0xC0  }
0xab: {  	_ =	task [dreg:s6], $0x5FFFF  }
0xac: {  	[dreg:$0x1] =	wrdreg $0xFFFFFFFF  }
0xad: {  	[dreg:$0x0] =	wrdreg $0x60  }
0xae: {  	[dreg:$0x2] =	wrdreg s24  }
0xaf: {  	[dreg:$0x3] =	wrdreg $0x0  }
0xb0: {  	[dreg:$0x4] =	wrdreg $0xA0000  }
0xb1: {  	[dreg:$0x5] =	wrdreg $0x9  }
0xb2: {  	_ =	task.clear_ibuf [dreg:s6], $0x6FFFF;
	_ =	strace $0x9000004C  }
0xb3: {  	s29 =	simm.s32 $0x9;
	_ =	strace $0x8000004E  }
0xb4: {  	_ =	swait.ge [sflag:s29], $0x1  }
0xb5: {  	[sflag:s29] =	ssyncadd.s32 $0xFFFFFFFF  }
0xb6: {  	_ =	strace $0x9000004E  }
0xb7: {  	_ =	sfence  }
0xb8: {  	s30 =	sld [smem:$0x0];
	_ =	sdelay $0x2  }
0xb9: {  	s31 =	sshll.u32 s1, $0xD;
	s1 =	sshrl.u32 s1, $0x2  }
0xba: {  	s3 =	sand.u32 $0x4000, s31;
	s1 =	sadd.s32 s1, s30  }
0xbb: {  	s0 =	sor.u32 s3, s0;
	s1 =	sshll.u32 s1, $0x11  }
0xbc: {  	s0 =	sor.u32 s1, s0  }
0xbd: {  	s0 =	sadd.s32 $0x8F2B, s0  }
0xbe: {  	[sflag:s0] =	ssyncadd.remote.s32 $0x1  }
0xbf: {  	_ =	sfence.sel $0xFFFF  }
0xc0: {  	[dreg:$0x0] =	wrdreg $0xFFFFFFFF;
	(pc) =	sbr.abs _section_cstart, $3  }
0xc1: {  	[dreg:$0x1] =	wrdreg $0xFFFFFFFF  }
0xc2: {  	_ =	task.clear_ibuf [dreg:s6], $0x2FFFF;
	_ =	strace $0x9FFFFFFF  }
0xc3: {  	(tm) =	ssettm $0x7FFFFFFF  }
tec
execute0_lowered:
.L_overlay_start_1:
0x0: {  	(tag) =	ssettag $0x1  }
0x1: {  	s0 =	rddreg [dreg:$0x0]  }
0x2: {  	s2 =	rddreg [dreg:$0x1]  }
0x3: {  	s3 =	rddreg [dreg:$0x2]  }
0x4: {  	s1 =	srdreg.scid;
	s12 =	stileid.u32;
	s4 =	simm.s32 $0x0  }
0x5: {  	s28 =	simm.s32 $0x5;
	s29 =	simm.s32 $0x1;
	s30 =	simm.s32 $0x14000  }
0x6: {  	s31 =	simm.s32 $0x14100;
	s1 =	sand.u32 $0x1, s1;
	s8 =	smul.u32 $0x14000, s12  }
0x7: {  	[smem:$0x7FF] =	sst s4;
	s5 =	sadd.s32 $0x16200, s0;
	s10 =	smul.u32 $0x50000, s12  }
0x8: {  	s6 =	sadd.s32 $0xC200, s0;
	s13 =	sshll.u32 s12, $0x6;
	s7 =	smul.u32 $0x140000, s1  }
0x9: {  	_ =	strace $0x8000004D;
	s1 =	ssub.s32 $0x2, s1;
	[dreg:$0x5] =	wrdreg s13  }
0xa: {  	s15 =	sor.u32 $0x1C01, s13;
	s13 =	simm.s32 $0x14180;
	s25 =	sshrl.u32 s1, $0x1  }
0xb: {  	s26 =	sadd.s32 s8, s2;
	s14 =	sshrl.u32 s10, $0x2;
	s10 =	smul.u32 $0x5000, s12  }
0xc: {  	[dreg:$0x6] =	wrdreg s15;
	s12 =	sadd.s32 s8, s3;
	s15 =	simm.s32 $0x3  }
0xd: {  	s9 =	sadd.s32 s8, s7;
	s16 =	sadd.s32 s14, s3;
	s26 =	sshrl.u32 s26, $0x3  }
0xe: {  	s7 =	sadd.s32 $0x2200, s0;
	s17 =	sadd.s32 $0x8000, s16;
	[dreg:$0x13] =	wrdreg s26  }
0xf: {  	s1 =	ssub.s32 s1, s25;
	s19 =	sadd.s32 $0xC000, s16;
	[dreg:$0x8] =	wrdreg s17  }
0x10: {  	s14 =	simm.s32 $0x14280;
	s8 =	sadd.s32 $0x10000, s16;
	[dreg:$0x9] =	wrdreg s19  }
0x11: {  	s18 =	sshrl.u32 s10, $0x3;
	s25 =	smax.u32 s1, $0x1;
	[dreg:$0xa] =	wrdreg s8  }
0x12: {  	s9 =	sshrl.u32 s9, $0x3;
	s20 =	sadd.s32 s5, s18;
	[dreg:$0x12] =	wrdreg s25  }
0x13: {  	s26 =	simm.s32 $0x14300;
	s21 =	sadd.s32 s6, s18;
	[dreg:$0xb] =	wrdreg s20  }
0x14: {  	s0 =	sadd.s32 s9, s0;
	s22 =	sadd.s32 s7, s18;
	[dreg:$0xc] =	wrdreg s21  }
0x15: {  	s23 =	sor.u32 $0x10, s18;
	s11 =	sadd.s32 $0x20200, s0;
	[dreg:$0xd] =	wrdreg s22  }
0x16: {  	s1 =	simm.s32 $0x2;
	s24 =	sadd.s32 s6, s23;
	[dreg:$0x4] =	wrdreg s11  }
0x17: {  	s17 =	simm.s32 $0x18300;
	s8 =	sadd.s32 s7, s23;
	[dreg:$0xf] =	wrdreg s24  }
0x18: {  	s18 =	simm.s32 $0x0;
	s0 =	sadd.s32 $0x70200, s0;
	[dreg:$0x10] =	wrdreg s8  }
0x19: {  	s11 =	sadd.s32 $0x4000, s16;
	[dreg:$0x11] =	wrdreg s0;
	s0 =	simm.s32 $0x14200  }
0x1a: {  	s8 =	simm.s32 $0x80;
	[dreg:$0x7] =	wrdreg s11;
	s11 =	sadd.s32 s5, s23  }
0x1b: {  	v0 =	vimm.f32 $0.0e+00;
	s16 =	simm.s32 $0x4;
	[dreg:$0xe] =	wrdreg s11;
	s11 =	simm.s32 $0x14080  }
.LBB2_1:
0x1c: {  	s9 =	rddreg [dreg:$0x4]  }
0x1d: {  	s19 =	rddreg [dreg:$0x6]  }
0x1e: {  	s20 =	rddreg [dreg:$0x13]  }
0x1f: {  	[spmem:s20], [sflag:s19] =	dma.local [hbm:s9], $0x2800  }
0x20: {  	s19 =	simm.s32 $0x200;
	s9 =	simm.s32 $0x0  }
.LBB2_2:
0x21: {  	p0 =	sne.s32 s19, $0xFE00;
	[tilespmem:s9+$0x14330] =	vst v0;
	s20 =	smov.u32 s19;
	s19 =	sadd.s32 $0x200, s19  }
.Ltmp0:
0x22: {  	[tilespmem:s9+$0x14320] =	vst v0;
	(pc) =	sbr.rel @p0 .LBB2_2-.Ltmp0, $3  }
0x23: {  	[tilespmem:s9+$0x14300] =	vst v0  }
0x24: {  	[tilespmem:s9+$0x14310] =	vst v0;
	_ =	sdelay $0x1  }
0x25: {  	s9 =	sshra.s32 s20, $0x2  }
0x26: {  	[tilespmem:s9+$0x14330] =	vst v0  }
0x27: {  	[tilespmem:s9+$0x14320] =	vst v0  }
0x28: {  	[tilespmem:s9+$0x14300] =	vst v0  }
0x29: {  	[tilespmem:s9+$0x14310] =	vst v0  }
0x2a: {  	[spmem:s12] =	stream.linear.scatter [tilespmem:s26], [sflag:$0x5], $0x4000, $0x38;
	[tilespmem:$0x1C300] =	vst v63  }
0x2b: {  	_ =	swait.ge [sflag:s28], $0x4000  }
0x2c: {  	[sflag:s28] =	ssyncset.done $0x0  }
0x2d: {  	s23 =	rddreg [dreg:$0x7];
	[sflag:s28] =	ssyncadd.s32 $0xFFFFC000  }
0x2e: {  	[spmem:s23] =	stream.linear.scatter [tilespmem:s26], [sflag:$0x5], $0x4000, $0x38;
	[tilespmem:$0x1C300] =	vst v63  }
0x2f: {  	_ =	swait.ge [sflag:s28], $0x4000  }
0x30: {  	[sflag:s28] =	ssyncset.done $0x0  }
0x31: {  	s24 =	rddreg [dreg:$0x8];
	[sflag:s28] =	ssyncadd.s32 $0xFFFFC000  }
0x32: {  	[spmem:s24] =	stream.linear.scatter [tilespmem:s26], [sflag:$0x5], $0x4000, $0x38;
	[tilespmem:$0x1C300] =	vst v63  }
0x33: {  	_ =	swait.ge [sflag:s28], $0x4000  }
0x34: {  	[sflag:s28] =	ssyncset.done $0x0  }
0x35: {  	s25 =	rddreg [dreg:$0x9];
	[sflag:s28] =	ssyncadd.s32 $0xFFFFC000  }
0x36: {  	[spmem:s25] =	stream.linear.scatter [tilespmem:s26], [sflag:$0x5], $0x4000, $0x38;
	[tilespmem:$0x1C300] =	vst v63  }
0x37: {  	_ =	swait.ge [sflag:s28], $0x4000  }
0x38: {  	[sflag:s28] =	ssyncset.done $0x0  }
0x39: {  	s19 =	rddreg [dreg:$0xa];
	[sflag:s28] =	ssyncadd.s32 $0xFFFFC000  }
0x3a: {  	[spmem:s19] =	stream.linear.scatter [tilespmem:s26], [sflag:$0x5], $0x4000, $0x38;
	[tilespmem:$0x1C300] =	vst v63  }
0x3b: {  	_ =	swait.ge [sflag:s28], $0x4000  }
0x3c: {  	[sflag:s28] =	ssyncset.done $0x0  }
0x3d: {  	[sflag:s28] =	ssyncadd.s32 $0xFFFFC000  }
0x3e: {  	_ =	swait.ge [sflag:s29], $0x2800  }
0x3f: {  	[sflag:s29] =	ssyncset.done $0x0  }
0x40: {  	[sflag:s29] =	ssyncadd.s32 $0xFFFFD800  }
0x41: {  	[bflag:$0x0] =	sbarrier.arrive $0xFFFF  }
0x42: {  	s19 =	simm.s32 $0x0;
	s20 =	rddreg [dreg:$0xb]  }
0x43: {  	[tilespmem:s30], [sflag:$0x2] =	stream.linear.gather [hbm4b:s20+s19], $0x80, $0x38;
	[tilespmem:$0x1C300] =	vst v63  }
0x44: {  	s21 =	rddreg [dreg:$0xc]  }
0x45: {  	[tilespmem:s31], [sflag:$0x2] =	stream.linear.gather [hbm4b:s21+s19], $0x80, $0x38;
	[tilespmem:$0x1C300] =	vst v63  }
0x46: {  	s22 =	rddreg [dreg:$0xd]  }
0x47: {  	[tilespmem:s0], [sflag:$0x2] =	stream.linear.gather [hbm4b:s22+s19], $0x80, $0x38;
	[tilespmem:$0x1C300] =	vst v63  }
0x48: {  	_ =	swait.ge [sflag:s1], $0x80  }
0x49: {  	[sflag:s1] =	ssyncset.done $0x0  }
0x4a: {  	[sflag:s1] =	ssyncadd.s32 $0xFFFFFF80  }
0x4b: {  	_ =	swait.ge [sflag:s1], $0x80  }
0x4c: {  	[sflag:s1] =	ssyncset.done $0x0  }
0x4d: {  	[sflag:s1] =	ssyncadd.s32 $0xFFFFFF80  }
0x4e: {  	_ =	swait.ge [sflag:s1], $0x80  }
0x4f: {  	[sflag:s1] =	ssyncset.done $0x0  }
0x50: {  	[sflag:s1] =	ssyncadd.s32 $0xFFFFFF80  }
0x51: {  	[tilespmem:s26], [sflag:$0x4] =	stream.indirect.gather [spmem:s2], $0x40, s30, s8, $0xb8;
	[tilespmem:$0x1C300] =	vst v63  }
0x52: {  	s23 =	rddreg [dreg:$0xe]  }
0x53: {  	[tilespmem:s11], [sflag:$0x3] =	stream.linear.gather [hbm4b:s23+s19], $0x80, $0x38;
	[tilespmem:$0x1C300] =	vst v63  }
0x54: {  	s24 =	rddreg [dreg:$0xf]  }
0x55: {  	[tilespmem:s13], [sflag:$0x3] =	stream.linear.gather [hbm4b:s24+s19], $0x80, $0x38;
	[tilespmem:$0x1C300] =	vst v63  }
0x56: {  	s9 =	simm.s32 $0x0;
	s25 =	rddreg [dreg:$0x10]  }
0x57: {  	[tilespmem:s14], [sflag:$0x3] =	stream.linear.gather [hbm4b:s25+s19], $0x80, $0x38;
	[tilespmem:$0x1C300] =	vst v63  }
.LBB2_4:
0x58: {  	_ =	swait.ge [sflag:s15], $0x80  }
0x59: {  	[sflag:s15] =	ssyncset.done $0x0  }
0x5a: {  	[sflag:s15] =	ssyncadd.s32 $0xFFFFFF80  }
0x5b: {  	_ =	swait.ge [sflag:s15], $0x80  }
0x5c: {  	[sflag:s15] =	ssyncset.done $0x0  }
0x5d: {  	[sflag:s15] =	ssyncadd.s32 $0xFFFFFF80  }
0x5e: {  	_ =	swait.ge [sflag:s15], $0x80  }
0x5f: {  	[sflag:s15] =	ssyncset.done $0x0  }
0x60: {  	[sflag:s15] =	ssyncadd.s32 $0xFFFFFF80  }
0x61: {  	_ =	swait.ge [sflag:s16], $0x2000  }
0x62: {  	[sflag:s16] =	ssyncset.done $0x0  }
0x63: {  	s20 =	simm.s32 $0x14320;
	s24 =	sand.u32 $0x70, s19;
	[sflag:s16] =	ssyncadd.s32 $0xFFFFE000  }
0x64: {  	[tilespmem:s17], [sflag:$0x4] =	stream.indirect.gather [spmem:s2], $0x40, s11, s8, $0xb8;
	[tilespmem:$0x1C300] =	vst v63  }
0x65: {  	s23 =	simm.s32 $0x1;
	s22 =	simm.s32 $0x0;
	s21 =	simm.s32 $0x14320;
	v1 =	vld [tilespmem:s20+$0xFFFFFFF0]  }
.LBB2_5:
0x66: {  	p0 =	sne.s32 s23, $0x7F;
	v2 =	vld [tilespmem:s24+$0x14200]  }
0x67: {  	v3 =	vld [tilespmem:s20+$0x10]  }
0x68: {  	v4 =	vld [tilespmem:s20+$0xFFFFFFE0]  }
0x69: {  	v5 =	vld [tilespmem:s20+$0x0]  }
0x6a: {  	v6 =	vmov s22;
	s22 =	smov.u32 s23  }
0x6b: {  	v2 =	vperm.xlane v2, v6;
	_ =	sdelay $0x1  }
0x6c: {  	v4 =	vmul.f32 v4, v2;
	v1 =	vmul.f32 v1, v2  }
.Ltmp1:
0x6d: {  	v5 =	vmul.f32 v5, v2;
	v2 =	vmul.f32 v3, v2;
	(pc) =	sbr.rel @p0 .LBB2_5-.Ltmp1, $4  }
0x6e: {  	[tilespmem:s20+$0xFFFFFFE0] =	vst v4  }
0x6f: {  	[tilespmem:s20+$0xFFFFFFF0] =	vst v1  }
0x70: {  	s20 =	sadd.s32 $0x80, s20;
	[tilespmem:s21+$0x0] =	vst v5  }
0x71: {  	s23 =	sadd.s32 $0x1, s23;
	s24 =	sand.u32 $0x70, s22;
	v1 =	vld [tilespmem:s20+$0xFFFFFFF0];
	[tilespmem:s21+$0x10] =	vst v2;
	s21 =	smov.u32 s20  }
0x72: {  	v2 =	vld [tilespmem:s24+$0x14200];
	_ =	sdelay $0x1  }
0x73: {  	v3 =	vld [tilespmem:s20+$0xFFFFFFE0];
	_ =	sdelay $0x1  }
0x74: {  	v4 =	vld [tilespmem:s20+$0x0];
	v5 =	vmov s22  }
0x75: {  	v6 =	vld [tilespmem:s20+$0x10];
	v2 =	vperm.xlane v2, v5;
	_ =	sdelay $0x1  }
0x76: {  	v3 =	vmul.f32 v3, v2  }
0x77: {  	v1 =	vmul.f32 v1, v2  }
0x78: {  	v4 =	vmul.f32 v4, v2;
	[tilespmem:s20+$0xFFFFFFE0] =	vst v3  }
0x79: {  	v2 =	vmul.f32 v6, v2;
	[tilespmem:s20+$0xFFFFFFF0] =	vst v1  }
0x7a: {  	s20 =	sshll.u32 s9, $0x8;
	[tilespmem:s21+$0x0] =	vst v4  }
0x7b: {  	[tilespmem:s21+$0x10] =	vst v2;
	s23 =	sadd.s32 $0x100, s20  }
0x7c: {  	[spmem:s3] =	stream.indirect.scatter.add.f32 [tilespmem:s26], [sflag:$0x5], $0x40, s31, s8, $0xb8;
	[tilespmem:$0x1C300] =	vst v63  }
0x7d: {  	s24 =	sand.u32 $0xFC00, s23  }
0x7e: {  	s21 =	sand.u32 $0x300, s23;
	s22 =	sadd.s32 s10, s24  }
0x7f: {  	_ =	swait.ge [sflag:s28], $0x2000;
	s21 =	sor.u32 s21, s22  }
0x80: {  	[sflag:s28] =	ssyncset.done $0x0;
	s22 =	sshrl.u32 s21, $0x3  }
0x81: {  	[sflag:s28] =	ssyncadd.s32 $0xFFFFE000;
	s21 =	simm.s32 $0x0;
	s23 =	sadd.s32 s5, s22  }
0x82: {  	[tilespmem:s30], [sflag:$0x2] =	stream.linear.gather [hbm4b:s23+s21], $0x80, $0x38;
	[tilespmem:$0x1C300] =	vst v63  }
0x83: {  	s25 =	sadd.s32 s6, s22  }
0x84: {  	[tilespmem:s31], [sflag:$0x2] =	stream.linear.gather [hbm4b:s25+s21], $0x80, $0x38;
	[tilespmem:$0x1C300] =	vst v63  }
0x85: {  	s22 =	sadd.s32 s7, s22  }
0x86: {  	[tilespmem:s0], [sflag:$0x2] =	stream.linear.gather [hbm4b:s22+s21], $0x80, $0x38;
	[tilespmem:$0x1C300] =	vst v63  }
0x87: {  	_ =	swait.ge [sflag:s16], $0x2000  }
0x88: {  	[sflag:s16] =	ssyncset.done $0x0  }
0x89: {  	s22 =	simm.s32 $0x18320;
	[sflag:s16] =	ssyncadd.s32 $0xFFFFE000  }
0x8a: {  	s24 =	simm.s32 $0x1;
	s23 =	simm.s32 $0x18320;
	s25 =	sand.u32 $0x70, s21;
	v1 =	vld [tilespmem:s22+$0xFFFFFFF0]  }
.LBB2_7:
0x8b: {  	p0 =	sne.s32 s24, $0x7F;
	v2 =	vld [tilespmem:s25+$0x14280]  }
0x8c: {  	v3 =	vld [tilespmem:s22+$0x10]  }
0x8d: {  	v4 =	vld [tilespmem:s22+$0xFFFFFFE0]  }
0x8e: {  	v5 =	vld [tilespmem:s22+$0x0]  }
0x8f: {  	v6 =	vmov s21;
	s21 =	smov.u32 s24  }
0x90: {  	v2 =	vperm.xlane v2, v6;
	_ =	sdelay $0x1  }
0x91: {  	v4 =	vmul.f32 v4, v2;
	v1 =	vmul.f32 v1, v2  }
.Ltmp2:
0x92: {  	v5 =	vmul.f32 v5, v2;
	v2 =	vmul.f32 v3, v2;
	(pc) =	sbr.rel @p0 .LBB2_7-.Ltmp2, $4  }
0x93: {  	[tilespmem:s22+$0xFFFFFFE0] =	vst v4  }
0x94: {  	[tilespmem:s22+$0xFFFFFFF0] =	vst v1  }
0x95: {  	s22 =	sadd.s32 $0x80, s22;
	[tilespmem:s23+$0x0] =	vst v5  }
0x96: {  	s24 =	sadd.s32 $0x1, s24;
	s25 =	sand.u32 $0x70, s21;
	v1 =	vld [tilespmem:s22+$0xFFFFFFF0];
	[tilespmem:s23+$0x10] =	vst v2;
	s23 =	smov.u32 s22  }
0x97: {  	v2 =	vld [tilespmem:s25+$0x14280];
	_ =	sdelay $0x1  }
0x98: {  	v3 =	vld [tilespmem:s22+$0xFFFFFFE0];
	_ =	sdelay $0x1  }
0x99: {  	v4 =	vld [tilespmem:s22+$0x0];
	v5 =	vmov s21  }
0x9a: {  	v6 =	vld [tilespmem:s22+$0x10];
	v2 =	vperm.xlane v2, v5;
	_ =	sdelay $0x1  }
0x9b: {  	v3 =	vmul.f32 v3, v2  }
0x9c: {  	v1 =	vmul.f32 v1, v2  }
0x9d: {  	v4 =	vmul.f32 v4, v2;
	[tilespmem:s22+$0xFFFFFFE0] =	vst v3  }
0x9e: {  	v2 =	vmul.f32 v6, v2;
	[tilespmem:s22+$0xFFFFFFF0] =	vst v1  }
0x9f: {  	[tilespmem:s23+$0x0] =	vst v4  }
0xa0: {  	[tilespmem:s23+$0x10] =	vst v2  }
0xa1: {  	_ =	swait.ge [sflag:s1], $0x80  }
0xa2: {  	[sflag:s1] =	ssyncset.done $0x0  }
0xa3: {  	[sflag:s1] =	ssyncadd.s32 $0xFFFFFF80  }
0xa4: {  	_ =	swait.ge [sflag:s1], $0x80  }
0xa5: {  	[sflag:s1] =	ssyncset.done $0x0  }
0xa6: {  	[sflag:s1] =	ssyncadd.s32 $0xFFFFFF80  }
0xa7: {  	_ =	swait.ge [sflag:s1], $0x80  }
0xa8: {  	s20 =	sadd.s32 $0x180, s20;
	[sflag:s1] =	ssyncset.done $0x0  }
0xa9: {  	s23 =	sand.u32 $0xFC00, s20;
	[sflag:s1] =	ssyncadd.s32 $0xFFFFFF80  }
0xaa: {  	[tilespmem:s26], [sflag:$0x4] =	stream.indirect.gather [spmem:s2], $0x40, s30, s8, $0xb8;
	[tilespmem:$0x1C300] =	vst v63  }
0xab: {  	s20 =	sand.u32 $0x380, s20;
	s21 =	sadd.s32 s10, s23  }
0xac: {  	[spmem:s3] =	stream.indirect.scatter.add.f32 [tilespmem:s17], [sflag:$0x5], $0x40, s13, s8, $0xb8;
	[tilespmem:$0x1C300] =	vst v63  }
0xad: {  	s20 =	sor.u32 s20, s21;
	_ =	swait.ge [sflag:s28], $0x2000  }
0xae: {  	s9 =	sadd.s32 $0x1, s9;
	s20 =	sshrl.u32 s20, $0x3;
	[sflag:s28] =	ssyncset.done $0x0  }
0xaf: {  	p0 =	sne.s32 s9, $0x4F;
	s24 =	sadd.s32 s5, s20;
	[sflag:s28] =	ssyncadd.s32 $0xFFFFE000  }
0xb0: {  	[tilespmem:s11], [sflag:$0x3] =	stream.linear.gather [hbm4b:s24+s4], $0x80, $0x38;
	[tilespmem:$0x1C300] =	vst v63  }
.Ltmp3:
0xb1: {  	_ = 	snop;
	(pc) =	sbr.rel @p0 .LBB2_4-.Ltmp3, $4  }
0xb2: {  	s25 =	sadd.s32 s6, s20  }
0xb3: {  	[tilespmem:s13], [sflag:$0x3] =	stream.linear.gather [hbm4b:s25+s4], $0x80, $0x38;
	[tilespmem:$0x1C300] =	vst v63  }
0xb4: {  	s20 =	sadd.s32 s7, s20  }
0xb5: {  	[tilespmem:s14], [sflag:$0x3] =	stream.linear.gather [hbm4b:s20+s4], $0x80, $0x38;
	[tilespmem:$0x1C300] =	vst v63  }
0xb6: {  	_ =	swait.ge [sflag:s15], $0x80  }
0xb7: {  	[sflag:s15] =	ssyncset.done $0x0  }
0xb8: {  	[sflag:s15] =	ssyncadd.s32 $0xFFFFFF80  }
0xb9: {  	_ =	swait.ge [sflag:s15], $0x80  }
0xba: {  	[sflag:s15] =	ssyncset.done $0x0  }
0xbb: {  	[sflag:s15] =	ssyncadd.s32 $0xFFFFFF80  }
0xbc: {  	_ =	swait.ge [sflag:s15], $0x80  }
0xbd: {  	[sflag:s15] =	ssyncset.done $0x0  }
0xbe: {  	[sflag:s15] =	ssyncadd.s32 $0xFFFFFF80  }
0xbf: {  	_ =	swait.ge [sflag:s16], $0x2000  }
0xc0: {  	[sflag:s16] =	ssyncset.done $0x0  }
0xc1: {  	s20 =	simm.s32 $0x0;
	s9 =	simm.s32 $0x14320;
	[sflag:s16] =	ssyncadd.s32 $0xFFFFE000  }
0xc2: {  	[tilespmem:s17], [sflag:$0x4] =	stream.indirect.gather [spmem:s2], $0x40, s11, s8, $0xb8;
	[tilespmem:$0x1C300] =	vst v63  }
0xc3: {  	s21 =	simm.s32 $0x1;
	s19 =	simm.s32 $0x14320;
	s22 =	sand.u32 $0x70, s20;
	v1 =	vld [tilespmem:s9+$0xFFFFFFF0]  }
.LBB2_10:
0xc4: {  	p0 =	sne.s32 s21, $0x7F;
	v2 =	vld [tilespmem:s22+$0x14200]  }
0xc5: {  	v3 =	vld [tilespmem:s9+$0x10]  }
0xc6: {  	v4 =	vld [tilespmem:s9+$0xFFFFFFE0]  }
0xc7: {  	v5 =	vld [tilespmem:s9+$0x0]  }
0xc8: {  	v6 =	vmov s20;
	s20 =	smov.u32 s21  }
0xc9: {  	v2 =	vperm.xlane v2, v6;
	_ =	sdelay $0x1  }
0xca: {  	v4 =	vmul.f32 v4, v2;
	v1 =	vmul.f32 v1, v2  }
.Ltmp4:
0xcb: {  	v5 =	vmul.f32 v5, v2;
	v2 =	vmul.f32 v3, v2;
	(pc) =	sbr.rel @p0 .LBB2_10-.Ltmp4, $4  }
0xcc: {  	[tilespmem:s9+$0xFFFFFFE0] =	vst v4  }
0xcd: {  	[tilespmem:s9+$0xFFFFFFF0] =	vst v1  }
0xce: {  	s9 =	sadd.s32 $0x80, s9;
	[tilespmem:s19+$0x0] =	vst v5  }
0xcf: {  	s21 =	sadd.s32 $0x1, s21;
	s22 =	sand.u32 $0x70, s20;
	v1 =	vld [tilespmem:s9+$0xFFFFFFF0];
	[tilespmem:s19+$0x10] =	vst v2;
	s19 =	smov.u32 s9  }
0xd0: {  	v2 =	vld [tilespmem:s22+$0x14200];
	_ =	sdelay $0x1  }
0xd1: {  	v3 =	vld [tilespmem:s9+$0xFFFFFFE0];
	_ =	sdelay $0x1  }
0xd2: {  	v4 =	vld [tilespmem:s9+$0x0];
	v5 =	vmov s20  }
0xd3: {  	v6 =	vld [tilespmem:s9+$0x10];
	v2 =	vperm.xlane v2, v5;
	_ =	sdelay $0x1  }
0xd4: {  	v3 =	vmul.f32 v3, v2  }
0xd5: {  	v1 =	vmul.f32 v1, v2  }
0xd6: {  	v4 =	vmul.f32 v4, v2;
	[tilespmem:s9+$0xFFFFFFE0] =	vst v3  }
0xd7: {  	v2 =	vmul.f32 v6, v2;
	[tilespmem:s9+$0xFFFFFFF0] =	vst v1  }
0xd8: {  	[tilespmem:s19+$0x0] =	vst v4  }
0xd9: {  	[tilespmem:s19+$0x10] =	vst v2  }
0xda: {  	[spmem:s3] =	stream.indirect.scatter.add.f32 [tilespmem:s26], [sflag:$0x5], $0x40, s31, s8, $0xb8;
	[tilespmem:$0x1C300] =	vst v63  }
0xdb: {  	_ =	swait.ge [sflag:s28], $0x2000  }
0xdc: {  	[sflag:s28] =	ssyncset.done $0x0  }
0xdd: {  	[sflag:s28] =	ssyncadd.s32 $0xFFFFE000  }
0xde: {  	_ =	swait.ge [sflag:s16], $0x2000  }
0xdf: {  	[sflag:s16] =	ssyncset.done $0x0  }
0xe0: {  	s20 =	simm.s32 $0x0;
	s9 =	simm.s32 $0x18320;
	[sflag:s16] =	ssyncadd.s32 $0xFFFFE000  }
0xe1: {  	s21 =	simm.s32 $0x1;
	s22 =	sand.u32 $0x70, s20;
	s19 =	simm.s32 $0x18320;
	v1 =	vld [tilespmem:s9+$0xFFFFFFF0]  }
.LBB2_12:
0xe2: {  	p0 =	sne.s32 s21, $0x7F;
	v2 =	vld [tilespmem:s22+$0x14280]  }
0xe3: {  	v3 =	vld [tilespmem:s9+$0x10]  }
0xe4: {  	v4 =	vld [tilespmem:s9+$0xFFFFFFE0]  }
0xe5: {  	v5 =	vld [tilespmem:s9+$0x0]  }
0xe6: {  	v6 =	vmov s20;
	s20 =	smov.u32 s21  }
0xe7: {  	v2 =	vperm.xlane v2, v6;
	_ =	sdelay $0x1  }
0xe8: {  	v4 =	vmul.f32 v4, v2;
	v1 =	vmul.f32 v1, v2  }
.Ltmp5:
0xe9: {  	v5 =	vmul.f32 v5, v2;
	v2 =	vmul.f32 v3, v2;
	(pc) =	sbr.rel @p0 .LBB2_12-.Ltmp5, $4  }
0xea: {  	[tilespmem:s9+$0xFFFFFFE0] =	vst v4  }
0xeb: {  	[tilespmem:s9+$0xFFFFFFF0] =	vst v1  }
0xec: {  	s9 =	sadd.s32 $0x80, s9;
	[tilespmem:s19+$0x0] =	vst v5  }
0xed: {  	s21 =	sadd.s32 $0x1, s21;
	s22 =	sand.u32 $0x70, s20;
	v1 =	vld [tilespmem:s9+$0xFFFFFFF0];
	[tilespmem:s19+$0x10] =	vst v2;
	s19 =	smov.u32 s9  }
0xee: {  	v2 =	vld [tilespmem:s22+$0x14280];
	_ =	sdelay $0x1  }
0xef: {  	v3 =	vld [tilespmem:s9+$0xFFFFFFE0];
	_ =	sdelay $0x1  }
0xf0: {  	v4 =	vld [tilespmem:s9+$0x0];
	v5 =	vmov s20  }
0xf1: {  	v6 =	vld [tilespmem:s9+$0x10];
	v2 =	vperm.xlane v2, v5;
	_ =	sdelay $0x1  }
0xf2: {  	v3 =	vmul.f32 v3, v2  }
0xf3: {  	v1 =	vmul.f32 v1, v2  }
0xf4: {  	v4 =	vmul.f32 v4, v2;
	[tilespmem:s9+$0xFFFFFFE0] =	vst v3  }
0xf5: {  	v2 =	vmul.f32 v6, v2;
	[tilespmem:s9+$0xFFFFFFF0] =	vst v1  }
0xf6: {  	[tilespmem:s19+$0x0] =	vst v4  }
0xf7: {  	[tilespmem:s19+$0x10] =	vst v2  }
0xf8: {  	[spmem:s3] =	stream.indirect.scatter.add.f32 [tilespmem:s17], [sflag:$0x5], $0x40, s13, s8, $0xb8;
	[tilespmem:$0x1C300] =	vst v63  }
0xf9: {  	_ =	swait.ge [sflag:s28], $0x2000  }
0xfa: {  	[sflag:s28] =	ssyncset.done $0x0  }
0xfb: {  	[sflag:s28] =	ssyncadd.s32 $0xFFFFE000  }
0xfc: {  	[bflag:$0x0] =	sbarrier.arrive $0xFFFF  }
0xfd: {  	s22 =	rddreg [dreg:$0x5]  }
0xfe: {  	s23 =	sshrl.u32 s12, $0x3;
	s24 =	rddreg [dreg:$0x11];
	s9 =	sor.u32 $0x1C05, s22  }
0xff: {  	[hbm:s24], [sflag:s9] =	dma.local [spmem:s23], $0x2800  }
0x100: {  	_ =	swait.ge [sflag:s28], $0x2800  }
0x101: {  	s18 =	sadd.s32 $0x1, s18;
	s25 =	rddreg [dreg:$0x12]  }
0x102: {  	p0 =	sne.s32 s18, s25  }
.Ltmp6:
0x103: {  	_ = 	snop;
	(pc) =	sbr.rel @p0 .LBB2_1-.Ltmp6, $3  }
0x104: {  	_ =	sdelay $0x1  }
0x105: {  	[sflag:s28] =	ssyncset.done $0x0  }
0x106: {  	[sflag:s28] =	ssyncadd.s32 $0xFFFFD800  }
0x107: {  	_ =	sfence.sel $0x180000  }
0x108: {  	[bflag:$0x0] =	sbarrier.arrive $0xFFFF  }
0x109: {  	_ =	strace $0x9000004D  }
0x10a: {  	s0 =	stileid.u32;
	[bflag:$0x2] =	sbarrier.arrive $0xFFFF  }
0x10b: {  	p0 =	sne.s32 s0, $0x0;
	s0 =	rddreg [dreg:$0x3]  }
0x10c: {  	s0 =	sadd.s32 @!p0 $0x100000, s0  }
0x10d: {  	[sflag:s0] =	ssyncadd.tile.s32 @!p0 $0x1;
	_ =	shalt  }
.Lfunc_end2:
_tile_overlayer_lowered:
.L_overlay_start_2:
0x10e: {  	(tag) =	ssettag $0x2  }
0x10f: {  	s0 =	rddreg [dreg:$0x0];
	s2 =	stileid.u32  }
0x110: {  	s1 =	rddreg [dreg:$0x1];
	p0 =	sne.s32 s2, $0x0  }
0x111: {  	s3 =	rddreg [dreg:$0x2];
	[bflag:$0x3] =	sbarrier.arrive $0xFFFF;
	s2 =	simm.s32 @!p0 $0x1C05  }
0x112: {  	[timem:s3], [sflag:s2] =	dma.local @!p0 [hbm:s0], s1  }
0x113: {  	s0 =	simm.s32 @!p0 $0x5  }
0x114: {  	_ =	swait.ge @!p0 [sflag:s0], s1  }
0x115: {  	s1 =	ssub.s32 @!p0 $0x0, s1;
	[sflag:s0] =	ssyncset.done @!p0 $0x0  }
0x116: {  	[sflag:s0] =	ssyncadd.s32 @!p0 s1  }
0x117: {  	[bflag:$0x3] =	sbarrier.arrive $0xFFFF  }
0x118: {  	_ =	shalt  }

</sc_bundles>
